<compile_context>
chip_gen: v7x
topology: tpu7x:2x2x1
jax: 0.10.2.dev20260603
libtpu: 0.0.44.dev20260713+nightly
codegen_flags: <defaults>
</compile_context>

<pallas_src>
import jax
import jax.numpy as jnp
from jax import lax
from jax.experimental import pallas as pl
from jax.experimental.pallas import tpu as pltpu
from jax.experimental.pallas import tpu_sc as plsc

B = 16384
F = 26
FIELD_DIM = 38461
NC, NS, L = 2, 16, 16
NW = NC * NS
RPW = B // NW
IPW = RPW * F
CHUNK = 128
NRG = RPW // CHUNK
NCHUNK = IPW // CHUNK


def _body(xtw_hbm, wrow_hbm, bias_hbm, out_hbm, xbuf, gbuf, bias_v, obuf,
          sem0, sem1, sem2, sem3):
    wid = lax.axis_index("s") * NC + lax.axis_index("c")
    sems = [sem0, sem1, sem2, sem3]

    pltpu.sync_copy(bias_hbm, bias_v)

    stages = [
        pltpu.make_async_copy(
            xtw_hbm.at[:, pl.ds(wid * RPW + rg * CHUNK, CHUNK)],
            xbuf.at[rg],
            sems[rg],
        )
        for rg in range(NRG)
    ]
    for st in stages:
        st.start()

    for rg in range(NRG):
        stages[rg].wait()

        def fire(f, _, rg=rg):
            for i in range(2):
                pltpu.async_copy(
                    wrow_hbm.at[xbuf.at[rg, pl.ds(f * 2 + i, 1)]],
                    gbuf.at[
                        pl.ds(0, 1),
                        pl.ds((rg * F + f * 2 + i) * CHUNK, CHUNK),
                    ],
                    sem=sems[rg],
                )
            return 0

        lax.fori_loop(0, F // 2, fire, 0)

    bias_vec = bias_v[...]
    gflat = gbuf.at[0]
    for rg in range(NRG):
        pltpu.make_async_copy(
            wrow_hbm.at[pl.ds(0, 1), pl.ds(0, F * CHUNK)],
            gbuf.at[pl.ds(0, 1), pl.ds(rg * F * CHUNK, F * CHUNK)],
            sems[rg],
        ).wait()

        def reduce(j, _, rg=rg):
            base = rg * F * CHUNK + j * L
            vacc = bias_vec
            for f in range(F):
                vacc = vacc + gflat[pl.ds(base + f * CHUNK, L)]
            obuf[pl.ds(rg * CHUNK + j * L, L)] = 1.0 / (1.0 + jnp.exp(-vacc))
            return 0

        lax.fori_loop(0, CHUNK // L, reduce, 0)

        pltpu.sync_copy(
            obuf.at[pl.ds(rg * CHUNK, CHUNK)],
            out_hbm.at[pl.ds(wid * RPW + rg * CHUNK, CHUNK)],
        )


@jax.jit
def kernel(x, weight, bias):
    offs = jnp.arange(F, dtype=jnp.float32) * FIELD_DIM
    xt = lax.dot_general(
        jnp.eye(F, dtype=jnp.float32), x.astype(jnp.float32),
        dimension_numbers=(((1,), (1,)), ((), ())),
        preferred_element_type=jnp.float32,
        precision=lax.Precision.HIGHEST,
    ) + offs[:, None]
    xtw = xt.astype(jnp.int32)
    bias16 = jnp.broadcast_to(bias, (L,))

    mesh = plsc.VectorSubcoreMesh(core_axis_name="c", subcore_axis_name="s")
    run = pl.kernel(
        _body,
        out_type=jax.ShapeDtypeStruct((B,), jnp.float32),
        mesh=mesh,
        scratch_types=[
            pltpu.VMEM((NRG, F, CHUNK), jnp.int32),
            pltpu.VMEM((1, IPW), jnp.float32),
            pltpu.VMEM((L,), jnp.float32),
            pltpu.VMEM((RPW,), jnp.float32),
            pltpu.SemaphoreType.DMA,
            pltpu.SemaphoreType.DMA,
            pltpu.SemaphoreType.DMA,
            pltpu.SemaphoreType.DMA,
        ],
    )
    return run(xtw, weight.reshape(1, -1), bias16)

# --- scband reference (transcript-rebuilt; emitter-appended) ---
"""Pipeline reference for scband-logistic-regression-model-flax-75445395521829 (READ-ONLY COPY).

The authoritative reference and input builder live on the scoring server;
editing this copy changes nothing except your own understanding.
"""

import jax, jax.numpy as jnp
import numpy as np

FIELD_DIMS = np.array([38461] * 26, dtype=np.int64)
OFFSETS = np.concatenate(([0], np.cumsum(FIELD_DIMS)[:-1])).astype(np.int32)
TOTAL = int(FIELD_DIMS.sum())


def setup_inputs(seed: int = 0) -> dict:
    key = jax.random.key(seed)
    k1, k2, k3 = jax.random.split(key, 3)
    # per-field indices in [0, field_dim); offsets applied inside reference
    x = jax.random.randint(k1, (16384, 26), 0, 38461, dtype=jnp.int32)
    # FeaturesLinear params: embedding table [sum(field_dims), 1] and bias [1]
    weight = jax.random.normal(k2, (TOTAL, 1), dtype=jnp.float32) * 0.01
    bias = jnp.zeros((1,), dtype=jnp.float32)
    return {"x": x, "weight": weight, "bias": bias}


def reference(x, weight, bias):
    # FeaturesLinear: x = x + offsets; sum(embedding(x), dim=1) + bias
    idx = x + jnp.asarray(OFFSETS)[None, :]            # [B, F]
    emb = jnp.take(weight, idx, axis=0)                # [B, F, 1] gather
    lin = jnp.sum(emb, axis=1) + bias                  # [B, 1]
    # LogisticRegressionModel: sigmoid(linear(x).squeeze(1))
    return jax.nn.sigmoid(lin.squeeze(1))              # [B]

if __name__ == "__main__":
    import jax
    _d = setup_inputs()
    print(jax.jit(kernel)(*tuple(_d.values())))

</pallas_src>

<mosaic_0001>
#map = affine_map<(d0, d1) -> (0, 0)>
#map1 = affine_map<(d0, d1) -> (0)>
module attributes {stable_mosaic.version = 14 : i64} {
  func.func @_body(%arg0: i32, %arg1: i32, %arg2: memref<26x16384xi32, #tpu.memory_space<hbm>>, %arg3: memref<1x999986xf32, #tpu.memory_space<hbm>>, %arg4: memref<16xf32, #tpu.memory_space<hbm>>, %arg5: memref<16384xf32, #tpu.memory_space<hbm>>, %arg6: memref<4x26x128xi32, #tpu.memory_space<vmem>>, %arg7: memref<1x13312xf32, #tpu.memory_space<vmem>>, %arg8: memref<16xf32, #tpu.memory_space<vmem>>, %arg9: memref<512xf32, #tpu.memory_space<vmem>>, %arg10: memref<!tpu.dma_semaphore, #tpu.memory_space<semaphore_mem>>, %arg11: memref<!tpu.dma_semaphore, #tpu.memory_space<semaphore_mem>>, %arg12: memref<!tpu.dma_semaphore, #tpu.memory_space<semaphore_mem>>, %arg13: memref<!tpu.dma_semaphore, #tpu.memory_space<semaphore_mem>>) attributes {dimension_semantics = [#tpu.dimension_semantics<core_parallel>, #tpu.dimension_semantics<subcore_parallel>], iteration_bounds = array<i64: 2, 16>, scalar_prefetch = 0 : i64, scratch_operands = 8 : i64, tpu.core_type = #tpu.core_type<sc_vector_subcore>, window_params = [{transform_indices = #map}, {transform_indices = #map}, {transform_indices = #map1}, {transform_indices = #map1}]} {
    %mul3A = arith.constant 2 : i32
    %mul3A_0 = arith.muli %arg1, %mul3A : i32
    %add3A = arith.addi %mul3A_0, %arg0 : i32
    "tpu.region"() ({
      %run_scoped3A = tpu.sem_alloc : memref<!tpu.dma_semaphore, #tpu.memory_space<semaphore_mem>>
      tpu.enqueue_dma source(%arg4 : memref<16xf32, #tpu.memory_space<hbm>>) target(%arg8 : memref<16xf32, #tpu.memory_space<vmem>>) target_semaphore(%run_scoped3A : memref<!tpu.dma_semaphore, #tpu.memory_space<semaphore_mem>>)
      tpu.wait_dma2 semaphore(%run_scoped3A : memref<!tpu.dma_semaphore, #tpu.memory_space<semaphore_mem>>) src(%arg4 : memref<16xf32, #tpu.memory_space<hbm>>) dst(%arg8 : memref<16xf32, #tpu.memory_space<vmem>>)
      tpu.yield
    }) : () -> ()
    %mul3A_1 = arith.constant 512 : i32
    %mul3A_2 = arith.muli %add3A, %mul3A_1 : i32
    %add3A_3 = arith.constant 0 : i32
    %add3A_4 = arith.addi %mul3A_2, %add3A_3 : i32
    %mul3A_5 = arith.constant 512 : i32
    %mul3A_6 = arith.muli %add3A, %mul3A_5 : i32
    %add3A_7 = arith.constant 128 : i32
    %add3A_8 = arith.addi %mul3A_6, %add3A_7 : i32
    %mul3A_9 = arith.constant 512 : i32
    %mul3A_10 = arith.muli %add3A, %mul3A_9 : i32
    %add3A_11 = arith.constant 256 : i32
    %add3A_12 = arith.addi %mul3A_10, %add3A_11 : i32
    %mul3A_13 = arith.constant 512 : i32
    %mul3A_14 = arith.muli %add3A, %mul3A_13 : i32
    %add3A_15 = arith.constant 384 : i32
    %add3A_16 = arith.addi %mul3A_14, %add3A_15 : i32
    %dma_start3A = arith.constant 0 : i32
    %dma_start3A_17 = arith.constant 0 : i32
    %dma_start3A_18 = arith.constant 0 : i32
    %dma_start3A_19 = tpu.memref_slice %arg6[%dma_start3A, %dma_start3A_17, %dma_start3A_18] : memref<4x26x128xi32, #tpu.memory_space<vmem>> -> memref<1x26x128xi32, #tpu.memory_space<vmem>>
    %dma_start3A_20 = tpu.memref_squeeze %dma_start3A_19 : memref<1x26x128xi32, #tpu.memory_space<vmem>> -> memref<26x128xi32, #tpu.memory_space<vmem>>
    %dma_start3A_21 = arith.constant 0 : i32
    %dma_start3A_22 = tpu.memref_slice %arg2[%dma_start3A_21, %add3A_4] : memref<26x16384xi32, #tpu.memory_space<hbm>> -> memref<26x128xi32, #tpu.memory_space<hbm>>
    %dma_start3A_23 = arith.constant 0 : i32
    %dma_start3A_24 = arith.constant 0 : i32
    %dma_start3A_25 = tpu.memref_slice %arg6[%dma_start3A, %dma_start3A_23, %dma_start3A_24] : memref<4x26x128xi32, #tpu.memory_space<vmem>> -> memref<1x26x128xi32, #tpu.memory_space<vmem>>
    %dma_start3A_26 = tpu.memref_squeeze %dma_start3A_25 : memref<1x26x128xi32, #tpu.memory_space<vmem>> -> memref<26x128xi32, #tpu.memory_space<vmem>>
    %dma_start3A_27 = arith.constant 0 : i32
    %dma_start3A_28 = tpu.memref_slice %arg2[%dma_start3A_27, %add3A_4] : memref<26x16384xi32, #tpu.memory_space<hbm>> -> memref<26x128xi32, #tpu.memory_space<hbm>>
    tpu.enqueue_dma source(%dma_start3A_28 : memref<26x128xi32, #tpu.memory_space<hbm>>) target(%dma_start3A_26 : memref<26x128xi32, #tpu.memory_space<vmem>>) target_semaphore(%arg10 : memref<!tpu.dma_semaphore, #tpu.memory_space<semaphore_mem>>)
    %dma_start3A_29 = arith.constant 1 : i32
    %dma_start3A_30 = arith.constant 0 : i32
    %dma_start3A_31 = arith.constant 0 : i32
    %dma_start3A_32 = tpu.memref_slice %arg6[%dma_start3A_29, %dma_start3A_30, %dma_start3A_31] : memref<4x26x128xi32, #tpu.memory_space<vmem>> -> memref<1x26x128xi32, #tpu.memory_space<vmem>>
    %dma_start3A_33 = tpu.memref_squeeze %dma_start3A_32 : memref<1x26x128xi32, #tpu.memory_space<vmem>> -> memref<26x128xi32, #tpu.memory_space<vmem>>
    %dma_start3A_34 = arith.constant 0 : i32
    %dma_start3A_35 = tpu.memref_slice %arg2[%dma_start3A_34, %add3A_8] : memref<26x16384xi32, #tpu.memory_space<hbm>> -> memref<26x128xi32, #tpu.memory_space<hbm>>
    %dma_start3A_36 = arith.constant 0 : i32
    %dma_start3A_37 = arith.constant 0 : i32
    %dma_start3A_38 = tpu.memref_slice %arg6[%dma_start3A_29, %dma_start3A_36, %dma_start3A_37] : memref<4x26x128xi32, #tpu.memory_space<vmem>> -> memref<1x26x128xi32, #tpu.memory_space<vmem>>
    %dma_start3A_39 = tpu.memref_squeeze %dma_start3A_38 : memref<1x26x128xi32, #tpu.memory_space<vmem>> -> memref<26x128xi32, #tpu.memory_space<vmem>>
    %dma_start3A_40 = arith.constant 0 : i32
    %dma_start3A_41 = tpu.memref_slice %arg2[%dma_start3A_40, %add3A_8] : memref<26x16384xi32, #tpu.memory_space<hbm>> -> memref<26x128xi32, #tpu.memory_space<hbm>>
    tpu.enqueue_dma source(%dma_start3A_41 : memref<26x128xi32, #tpu.memory_space<hbm>>) target(%dma_start3A_39 : memref<26x128xi32, #tpu.memory_space<vmem>>) target_semaphore(%arg11 : memref<!tpu.dma_semaphore, #tpu.memory_space<semaphore_mem>>)
    %dma_start3A_42 = arith.constant 2 : i32
    %dma_start3A_43 = arith.constant 0 : i32
    %dma_start3A_44 = arith.constant 0 : i32
    %dma_start3A_45 = tpu.memref_slice %arg6[%dma_start3A_42, %dma_start3A_43, %dma_start3A_44] : memref<4x26x128xi32, #tpu.memory_space<vmem>> -> memref<1x26x128xi32, #tpu.memory_space<vmem>>
    %dma_start3A_46 = tpu.memref_squeeze %dma_start3A_45 : memref<1x26x128xi32, #tpu.memory_space<vmem>> -> memref<26x128xi32, #tpu.memory_space<vmem>>
    %dma_start3A_47 = arith.constant 0 : i32
    %dma_start3A_48 = tpu.memref_slice %arg2[%dma_start3A_47, %add3A_12] : memref<26x16384xi32, #tpu.memory_space<hbm>> -> memref<26x128xi32, #tpu.memory_space<hbm>>
    %dma_start3A_49 = arith.constant 0 : i32
    %dma_start3A_50 = arith.constant 0 : i32
    %dma_start3A_51 = tpu.memref_slice %arg6[%dma_start3A_42, %dma_start3A_49, %dma_start3A_50] : memref<4x26x128xi32, #tpu.memory_space<vmem>> -> memref<1x26x128xi32, #tpu.memory_space<vmem>>
    %dma_start3A_52 = tpu.memref_squeeze %dma_start3A_51 : memref<1x26x128xi32, #tpu.memory_space<vmem>> -> memref<26x128xi32, #tpu.memory_space<vmem>>
    %dma_start3A_53 = arith.constant 0 : i32
    %dma_start3A_54 = tpu.memref_slice %arg2[%dma_start3A_53, %add3A_12] : memref<26x16384xi32, #tpu.memory_space<hbm>> -> memref<26x128xi32, #tpu.memory_space<hbm>>
    tpu.enqueue_dma source(%dma_start3A_54 : memref<26x128xi32, #tpu.memory_space<hbm>>) target(%dma_start3A_52 : memref<26x128xi32, #tpu.memory_space<vmem>>) target_semaphore(%arg12 : memref<!tpu.dma_semaphore, #tpu.memory_space<semaphore_mem>>)
    %dma_start3A_55 = arith.constant 3 : i32
    %dma_start3A_56 = arith.constant 0 : i32
    %dma_start3A_57 = arith.constant 0 : i32
    %dma_start3A_58 = tpu.memref_slice %arg6[%dma_start3A_55, %dma_start3A_56, %dma_start3A_57] : memref<4x26x128xi32, #tpu.memory_space<vmem>> -> memref<1x26x128xi32, #tpu.memory_space<vmem>>
    %dma_start3A_59 = tpu.memref_squeeze %dma_start3A_58 : memref<1x26x128xi32, #tpu.memory_space<vmem>> -> memref<26x128xi32, #tpu.memory_space<vmem>>
    %dma_start3A_60 = arith.constant 0 : i32
    %dma_start3A_61 = tpu.memref_slice %arg2[%dma_start3A_60, %add3A_16] : memref<26x16384xi32, #tpu.memory_space<hbm>> -> memref<26x128xi32, #tpu.memory_space<hbm>>
    %dma_start3A_62 = arith.constant 0 : i32
    %dma_start3A_63 = arith.constant 0 : i32
    %dma_start3A_64 = tpu.memref_slice %arg6[%dma_start3A_55, %dma_start3A_62, %dma_start3A_63] : memref<4x26x128xi32, #tpu.memory_space<vmem>> -> memref<1x26x128xi32, #tpu.memory_space<vmem>>
    %dma_start3A_65 = tpu.memref_squeeze %dma_start3A_64 : memref<1x26x128xi32, #tpu.memory_space<vmem>> -> memref<26x128xi32, #tpu.memory_space<vmem>>
    %dma_start3A_66 = arith.constant 0 : i32
    %dma_start3A_67 = tpu.memref_slice %arg2[%dma_start3A_66, %add3A_16] : memref<26x16384xi32, #tpu.memory_space<hbm>> -> memref<26x128xi32, #tpu.memory_space<hbm>>
    tpu.enqueue_dma source(%dma_start3A_67 : memref<26x128xi32, #tpu.memory_space<hbm>>) target(%dma_start3A_65 : memref<26x128xi32, #tpu.memory_space<vmem>>) target_semaphore(%arg13 : memref<!tpu.dma_semaphore, #tpu.memory_space<semaphore_mem>>)
    %dma_wait3A = arith.constant 0 : i32
    %dma_wait3A_68 = arith.constant 0 : i32
    %dma_wait3A_69 = arith.constant 0 : i32
    %dma_wait3A_70 = tpu.memref_slice %arg6[%dma_wait3A, %dma_wait3A_68, %dma_wait3A_69] : memref<4x26x128xi32, #tpu.memory_space<vmem>> -> memref<1x26x128xi32, #tpu.memory_space<vmem>>
    %dma_wait3A_71 = tpu.memref_squeeze %dma_wait3A_70 : memref<1x26x128xi32, #tpu.memory_space<vmem>> -> memref<26x128xi32, #tpu.memory_space<vmem>>
    %dma_wait3A_72 = arith.constant 0 : i32
    %dma_wait3A_73 = tpu.memref_slice %arg2[%dma_wait3A_72, %add3A_4] : memref<26x16384xi32, #tpu.memory_space<hbm>> -> memref<26x128xi32, #tpu.memory_space<hbm>>
    %dma_wait3A_74 = arith.constant 0 : i32
    %dma_wait3A_75 = arith.constant 0 : i32
    %dma_wait3A_76 = tpu.memref_slice %arg6[%dma_wait3A, %dma_wait3A_74, %dma_wait3A_75] : memref<4x26x128xi32, #tpu.memory_space<vmem>> -> memref<1x26x128xi32, #tpu.memory_space<vmem>>
    %dma_wait3A_77 = tpu.memref_squeeze %dma_wait3A_76 : memref<1x26x128xi32, #tpu.memory_space<vmem>> -> memref<26x128xi32, #tpu.memory_space<vmem>>
    %dma_wait3A_78 = arith.constant 0 : i32
    %dma_wait3A_79 = tpu.memref_slice %arg2[%dma_wait3A_78, %add3A_4] : memref<26x16384xi32, #tpu.memory_space<hbm>> -> memref<26x128xi32, #tpu.memory_space<hbm>>
    tpu.wait_dma2 semaphore(%arg10 : memref<!tpu.dma_semaphore, #tpu.memory_space<semaphore_mem>>) src(%dma_wait3A_79 : memref<26x128xi32, #tpu.memory_space<hbm>>) dst(%dma_wait3A_77 : memref<26x128xi32, #tpu.memory_space<vmem>>)
    %scan3A = arith.constant 0 : i32
    %scan3A_80 = arith.constant 0 : i32
    %scan3A_81 = arith.constant 13 : i32
    %scan3A_82 = arith.addi %scan3A_80, %scan3A_81 : i32
    %scan3A_83 = arith.constant 1 : i32
    %scan3A_84 = scf.for %scan3A_244 = %scan3A_80 to %scan3A_82 step %scan3A_83 iter_args(%scan3A_245 = %scan3A) -> (i32)  : i32 {
      %mul3A_246 = arith.constant 2 : i32
      %mul3A_247 = arith.muli %scan3A_244, %mul3A_246 : i32
      %add3A_248 = arith.constant 0 : i32
      %add3A_249 = arith.addi %mul3A_247, %add3A_248 : i32
      %mul3A_250 = arith.constant 2 : i32
      %mul3A_251 = arith.muli %scan3A_244, %mul3A_250 : i32
      %add3A_252 = arith.constant 0 : i32
      %add3A_253 = arith.addi %add3A_252, %mul3A_251 : i32
      %add3A_254 = arith.constant 0 : i32
      %add3A_255 = arith.addi %add3A_253, %add3A_254 : i32
      %mul3A_256 = arith.constant 128 : i32
      %mul3A_257 = arith.muli %add3A_255, %mul3A_256 : i32
      %dma_start3A_258 = arith.constant 0 : i32
      %dma_start3A_259 = arith.constant 0 : i32
      %dma_start3A_260 = tpu.memref_slice %arg7[%dma_start3A_259, %mul3A_257] : memref<1x13312xf32, #tpu.memory_space<vmem>> -> memref<1x128xf32, #tpu.memory_space<vmem>>
      %dma_start3A_261 = arith.constant 0 : i32
      %dma_start3A_262 = tpu.memref_slice %arg6[%dma_start3A_258, %add3A_249, %dma_start3A_261] : memref<4x26x128xi32, #tpu.memory_space<vmem>> -> memref<1x1x128xi32, #tpu.memory_space<vmem>>
      %dma_start3A_263 = tpu.memref_squeeze %dma_start3A_262 : memref<1x1x128xi32, #tpu.memory_space<vmem>> -> memref<1x128xi32, #tpu.memory_space<vmem>>
      %dma_start3A_264 = arith.constant 0 : i32
      %dma_start3A_265 = arith.constant 0 : i32
      %dma_start3A_266 = tpu.memref_slice %arg3[%dma_start3A_264, %dma_start3A_265] : memref<1x999986xf32, #tpu.memory_space<hbm>> -> memref<1x999986xf32, #tpu.memory_space<hbm>>
      tpu.enqueue_indirect_dma source(%dma_start3A_266 : memref<1x999986xf32, #tpu.memory_space<hbm>>) target(%dma_start3A_260 : memref<1x128xf32, #tpu.memory_space<vmem>>) offsets(%dma_start3A_263 : memref<1x128xi32, #tpu.memory_space<vmem>>) semaphore(%arg10 : memref<!tpu.dma_semaphore, #tpu.memory_space<semaphore_mem>>)
      %mul3A_267 = arith.constant 2 : i32
      %mul3A_268 = arith.muli %scan3A_244, %mul3A_267 : i32
      %add3A_269 = arith.constant 1 : i32
      %add3A_270 = arith.addi %mul3A_268, %add3A_269 : i32
      %mul3A_271 = arith.constant 2 : i32
      %mul3A_272 = arith.muli %scan3A_244, %mul3A_271 : i32
      %add3A_273 = arith.constant 0 : i32
      %add3A_274 = arith.addi %add3A_273, %mul3A_272 : i32
      %add3A_275 = arith.constant 1 : i32
      %add3A_276 = arith.addi %add3A_274, %add3A_275 : i32
      %mul3A_277 = arith.constant 128 : i32
      %mul3A_278 = arith.muli %add3A_276, %mul3A_277 : i32
      %dma_start3A_279 = arith.constant 0 : i32
      %dma_start3A_280 = arith.constant 0 : i32
      %dma_start3A_281 = tpu.memref_slice %arg7[%dma_start3A_280, %mul3A_278] : memref<1x13312xf32, #tpu.memory_space<vmem>> -> memref<1x128xf32, #tpu.memory_space<vmem>>
      %dma_start3A_282 = arith.constant 0 : i32
      %dma_start3A_283 = tpu.memref_slice %arg6[%dma_start3A_279, %add3A_270, %dma_start3A_282] : memref<4x26x128xi32, #tpu.memory_space<vmem>> -> memref<1x1x128xi32, #tpu.memory_space<vmem>>
      %dma_start3A_284 = tpu.memref_squeeze %dma_start3A_283 : memref<1x1x128xi32, #tpu.memory_space<vmem>> -> memref<1x128xi32, #tpu.memory_space<vmem>>
      %dma_start3A_285 = arith.constant 0 : i32
      %dma_start3A_286 = arith.constant 0 : i32
      %dma_start3A_287 = tpu.memref_slice %arg3[%dma_start3A_285, %dma_start3A_286] : memref<1x999986xf32, #tpu.memory_space<hbm>> -> memref<1x999986xf32, #tpu.memory_space<hbm>>
      tpu.enqueue_indirect_dma source(%dma_start3A_287 : memref<1x999986xf32, #tpu.memory_space<hbm>>) target(%dma_start3A_281 : memref<1x128xf32, #tpu.memory_space<vmem>>) offsets(%dma_start3A_284 : memref<1x128xi32, #tpu.memory_space<vmem>>) semaphore(%arg10 : memref<!tpu.dma_semaphore, #tpu.memory_space<semaphore_mem>>)
      %scan3A_288 = arith.constant 0 : i32
      scf.yield %scan3A_288 : i32
    }
    %scan3A_85 = arith.constant 13 : i32
    %dma_wait3A_86 = arith.constant 1 : i32
    %dma_wait3A_87 = arith.constant 0 : i32
    %dma_wait3A_88 = arith.constant 0 : i32
    %dma_wait3A_89 = tpu.memref_slice %arg6[%dma_wait3A_86, %dma_wait3A_87, %dma_wait3A_88] : memref<4x26x128xi32, #tpu.memory_space<vmem>> -> memref<1x26x128xi32, #tpu.memory_space<vmem>>
    %dma_wait3A_90 = tpu.memref_squeeze %dma_wait3A_89 : memref<1x26x128xi32, #tpu.memory_space<vmem>> -> memref<26x128xi32, #tpu.memory_space<vmem>>
    %dma_wait3A_91 = arith.constant 0 : i32
    %dma_wait3A_92 = tpu.memref_slice %arg2[%dma_wait3A_91, %add3A_8] : memref<26x16384xi32, #tpu.memory_space<hbm>> -> memref<26x128xi32, #tpu.memory_space<hbm>>
    %dma_wait3A_93 = arith.constant 0 : i32
    %dma_wait3A_94 = arith.constant 0 : i32
    %dma_wait3A_95 = tpu.memref_slice %arg6[%dma_wait3A_86, %dma_wait3A_93, %dma_wait3A_94] : memref<4x26x128xi32, #tpu.memory_space<vmem>> -> memref<1x26x128xi32, #tpu.memory_space<vmem>>
    %dma_wait3A_96 = tpu.memref_squeeze %dma_wait3A_95 : memref<1x26x128xi32, #tpu.memory_space<vmem>> -> memref<26x128xi32, #tpu.memory_space<vmem>>
    %dma_wait3A_97 = arith.constant 0 : i32
    %dma_wait3A_98 = tpu.memref_slice %arg2[%dma_wait3A_97, %add3A_8] : memref<26x16384xi32, #tpu.memory_space<hbm>> -> memref<26x128xi32, #tpu.memory_space<hbm>>
    tpu.wait_dma2 semaphore(%arg11 : memref<!tpu.dma_semaphore, #tpu.memory_space<semaphore_mem>>) src(%dma_wait3A_98 : memref<26x128xi32, #tpu.memory_space<hbm>>) dst(%dma_wait3A_96 : memref<26x128xi32, #tpu.memory_space<vmem>>)
    %scan3A_99 = arith.constant 0 : i32
    %scan3A_100 = arith.constant 0 : i32
    %scan3A_101 = arith.constant 13 : i32
    %scan3A_102 = arith.addi %scan3A_100, %scan3A_101 : i32
    %scan3A_103 = arith.constant 1 : i32
    %scan3A_104 = scf.for %scan3A_244 = %scan3A_100 to %scan3A_102 step %scan3A_103 iter_args(%scan3A_245 = %scan3A_99) -> (i32)  : i32 {
      %mul3A_246 = arith.constant 2 : i32
      %mul3A_247 = arith.muli %scan3A_244, %mul3A_246 : i32
      %add3A_248 = arith.constant 0 : i32
      %add3A_249 = arith.addi %mul3A_247, %add3A_248 : i32
      %mul3A_250 = arith.constant 2 : i32
      %mul3A_251 = arith.muli %scan3A_244, %mul3A_250 : i32
      %add3A_252 = arith.constant 26 : i32
      %add3A_253 = arith.addi %add3A_252, %mul3A_251 : i32
      %add3A_254 = arith.constant 0 : i32
      %add3A_255 = arith.addi %add3A_253, %add3A_254 : i32
      %mul3A_256 = arith.constant 128 : i32
      %mul3A_257 = arith.muli %add3A_255, %mul3A_256 : i32
      %dma_start3A_258 = arith.constant 1 : i32
      %dma_start3A_259 = arith.constant 0 : i32
      %dma_start3A_260 = tpu.memref_slice %arg7[%dma_start3A_259, %mul3A_257] : memref<1x13312xf32, #tpu.memory_space<vmem>> -> memref<1x128xf32, #tpu.memory_space<vmem>>
      %dma_start3A_261 = arith.constant 0 : i32
      %dma_start3A_262 = tpu.memref_slice %arg6[%dma_start3A_258, %add3A_249, %dma_start3A_261] : memref<4x26x128xi32, #tpu.memory_space<vmem>> -> memref<1x1x128xi32, #tpu.memory_space<vmem>>
      %dma_start3A_263 = tpu.memref_squeeze %dma_start3A_262 : memref<1x1x128xi32, #tpu.memory_space<vmem>> -> memref<1x128xi32, #tpu.memory_space<vmem>>
      %dma_start3A_264 = arith.constant 0 : i32
      %dma_start3A_265 = arith.constant 0 : i32
      %dma_start3A_266 = tpu.memref_slice %arg3[%dma_start3A_264, %dma_start3A_265] : memref<1x999986xf32, #tpu.memory_space<hbm>> -> memref<1x999986xf32, #tpu.memory_space<hbm>>
      tpu.enqueue_indirect_dma source(%dma_start3A_266 : memref<1x999986xf32, #tpu.memory_space<hbm>>) target(%dma_start3A_260 : memref<1x128xf32, #tpu.memory_space<vmem>>) offsets(%dma_start3A_263 : memref<1x128xi32, #tpu.memory_space<vmem>>) semaphore(%arg11 : memref<!tpu.dma_semaphore, #tpu.memory_space<semaphore_mem>>)
      %mul3A_267 = arith.constant 2 : i32
      %mul3A_268 = arith.muli %scan3A_244, %mul3A_267 : i32
      %add3A_269 = arith.constant 1 : i32
      %add3A_270 = arith.addi %mul3A_268, %add3A_269 : i32
      %mul3A_271 = arith.constant 2 : i32
      %mul3A_272 = arith.muli %scan3A_244, %mul3A_271 : i32
      %add3A_273 = arith.constant 26 : i32
      %add3A_274 = arith.addi %add3A_273, %mul3A_272 : i32
      %add3A_275 = arith.constant 1 : i32
      %add3A_276 = arith.addi %add3A_274, %add3A_275 : i32
      %mul3A_277 = arith.constant 128 : i32
      %mul3A_278 = arith.muli %add3A_276, %mul3A_277 : i32
      %dma_start3A_279 = arith.constant 1 : i32
      %dma_start3A_280 = arith.constant 0 : i32
      %dma_start3A_281 = tpu.memref_slice %arg7[%dma_start3A_280, %mul3A_278] : memref<1x13312xf32, #tpu.memory_space<vmem>> -> memref<1x128xf32, #tpu.memory_space<vmem>>
      %dma_start3A_282 = arith.constant 0 : i32
      %dma_start3A_283 = tpu.memref_slice %arg6[%dma_start3A_279, %add3A_270, %dma_start3A_282] : memref<4x26x128xi32, #tpu.memory_space<vmem>> -> memref<1x1x128xi32, #tpu.memory_space<vmem>>
      %dma_start3A_284 = tpu.memref_squeeze %dma_start3A_283 : memref<1x1x128xi32, #tpu.memory_space<vmem>> -> memref<1x128xi32, #tpu.memory_space<vmem>>
      %dma_start3A_285 = arith.constant 0 : i32
      %dma_start3A_286 = arith.constant 0 : i32
      %dma_start3A_287 = tpu.memref_slice %arg3[%dma_start3A_285, %dma_start3A_286] : memref<1x999986xf32, #tpu.memory_space<hbm>> -> memref<1x999986xf32, #tpu.memory_space<hbm>>
      tpu.enqueue_indirect_dma source(%dma_start3A_287 : memref<1x999986xf32, #tpu.memory_space<hbm>>) target(%dma_start3A_281 : memref<1x128xf32, #tpu.memory_space<vmem>>) offsets(%dma_start3A_284 : memref<1x128xi32, #tpu.memory_space<vmem>>) semaphore(%arg11 : memref<!tpu.dma_semaphore, #tpu.memory_space<semaphore_mem>>)
      %scan3A_288 = arith.constant 0 : i32
      scf.yield %scan3A_288 : i32
    }
    %scan3A_105 = arith.constant 13 : i32
    %dma_wait3A_106 = arith.constant 2 : i32
    %dma_wait3A_107 = arith.constant 0 : i32
    %dma_wait3A_108 = arith.constant 0 : i32
    %dma_wait3A_109 = tpu.memref_slice %arg6[%dma_wait3A_106, %dma_wait3A_107, %dma_wait3A_108] : memref<4x26x128xi32, #tpu.memory_space<vmem>> -> memref<1x26x128xi32, #tpu.memory_space<vmem>>
    %dma_wait3A_110 = tpu.memref_squeeze %dma_wait3A_109 : memref<1x26x128xi32, #tpu.memory_space<vmem>> -> memref<26x128xi32, #tpu.memory_space<vmem>>
    %dma_wait3A_111 = arith.constant 0 : i32
    %dma_wait3A_112 = tpu.memref_slice %arg2[%dma_wait3A_111, %add3A_12] : memref<26x16384xi32, #tpu.memory_space<hbm>> -> memref<26x128xi32, #tpu.memory_space<hbm>>
    %dma_wait3A_113 = arith.constant 0 : i32
    %dma_wait3A_114 = arith.constant 0 : i32
    %dma_wait3A_115 = tpu.memref_slice %arg6[%dma_wait3A_106, %dma_wait3A_113, %dma_wait3A_114] : memref<4x26x128xi32, #tpu.memory_space<vmem>> -> memref<1x26x128xi32, #tpu.memory_space<vmem>>
    %dma_wait3A_116 = tpu.memref_squeeze %dma_wait3A_115 : memref<1x26x128xi32, #tpu.memory_space<vmem>> -> memref<26x128xi32, #tpu.memory_space<vmem>>
    %dma_wait3A_117 = arith.constant 0 : i32
    %dma_wait3A_118 = tpu.memref_slice %arg2[%dma_wait3A_117, %add3A_12] : memref<26x16384xi32, #tpu.memory_space<hbm>> -> memref<26x128xi32, #tpu.memory_space<hbm>>
    tpu.wait_dma2 semaphore(%arg12 : memref<!tpu.dma_semaphore, #tpu.memory_space<semaphore_mem>>) src(%dma_wait3A_118 : memref<26x128xi32, #tpu.memory_space<hbm>>) dst(%dma_wait3A_116 : memref<26x128xi32, #tpu.memory_space<vmem>>)
    %scan3A_119 = arith.constant 0 : i32
    %scan3A_120 = arith.constant 0 : i32
    %scan3A_121 = arith.constant 13 : i32
    %scan3A_122 = arith.addi %scan3A_120, %scan3A_121 : i32
    %scan3A_123 = arith.constant 1 : i32
    %scan3A_124 = scf.for %scan3A_244 = %scan3A_120 to %scan3A_122 step %scan3A_123 iter_args(%scan3A_245 = %scan3A_119) -> (i32)  : i32 {
      %mul3A_246 = arith.constant 2 : i32
      %mul3A_247 = arith.muli %scan3A_244, %mul3A_246 : i32
      %add3A_248 = arith.constant 0 : i32
      %add3A_249 = arith.addi %mul3A_247, %add3A_248 : i32
      %mul3A_250 = arith.constant 2 : i32
      %mul3A_251 = arith.muli %scan3A_244, %mul3A_250 : i32
      %add3A_252 = arith.constant 52 : i32
      %add3A_253 = arith.addi %add3A_252, %mul3A_251 : i32
      %add3A_254 = arith.constant 0 : i32
      %add3A_255 = arith.addi %add3A_253, %add3A_254 : i32
      %mul3A_256 = arith.constant 128 : i32
      %mul3A_257 = arith.muli %add3A_255, %mul3A_256 : i32
      %dma_start3A_258 = arith.constant 2 : i32
      %dma_start3A_259 = arith.constant 0 : i32
      %dma_start3A_260 = tpu.memref_slice %arg7[%dma_start3A_259, %mul3A_257] : memref<1x13312xf32, #tpu.memory_space<vmem>> -> memref<1x128xf32, #tpu.memory_space<vmem>>
      %dma_start3A_261 = arith.constant 0 : i32
      %dma_start3A_262 = tpu.memref_slice %arg6[%dma_start3A_258, %add3A_249, %dma_start3A_261] : memref<4x26x128xi32, #tpu.memory_space<vmem>> -> memref<1x1x128xi32, #tpu.memory_space<vmem>>
      %dma_start3A_263 = tpu.memref_squeeze %dma_start3A_262 : memref<1x1x128xi32, #tpu.memory_space<vmem>> -> memref<1x128xi32, #tpu.memory_space<vmem>>
      %dma_start3A_264 = arith.constant 0 : i32
      %dma_start3A_265 = arith.constant 0 : i32
      %dma_start3A_266 = tpu.memref_slice %arg3[%dma_start3A_264, %dma_start3A_265] : memref<1x999986xf32, #tpu.memory_space<hbm>> -> memref<1x999986xf32, #tpu.memory_space<hbm>>
      tpu.enqueue_indirect_dma source(%dma_start3A_266 : memref<1x999986xf32, #tpu.memory_space<hbm>>) target(%dma_start3A_260 : memref<1x128xf32, #tpu.memory_space<vmem>>) offsets(%dma_start3A_263 : memref<1x128xi32, #tpu.memory_space<vmem>>) semaphore(%arg12 : memref<!tpu.dma_semaphore, #tpu.memory_space<semaphore_mem>>)
      %mul3A_267 = arith.constant 2 : i32
      %mul3A_268 = arith.muli %scan3A_244, %mul3A_267 : i32
      %add3A_269 = arith.constant 1 : i32
      %add3A_270 = arith.addi %mul3A_268, %add3A_269 : i32
      %mul3A_271 = arith.constant 2 : i32
      %mul3A_272 = arith.muli %scan3A_244, %mul3A_271 : i32
      %add3A_273 = arith.constant 52 : i32
      %add3A_274 = arith.addi %add3A_273, %mul3A_272 : i32
      %add3A_275 = arith.constant 1 : i32
      %add3A_276 = arith.addi %add3A_274, %add3A_275 : i32
      %mul3A_277 = arith.constant 128 : i32
      %mul3A_278 = arith.muli %add3A_276, %mul3A_277 : i32
      %dma_start3A_279 = arith.constant 2 : i32
      %dma_start3A_280 = arith.constant 0 : i32
      %dma_start3A_281 = tpu.memref_slice %arg7[%dma_start3A_280, %mul3A_278] : memref<1x13312xf32, #tpu.memory_space<vmem>> -> memref<1x128xf32, #tpu.memory_space<vmem>>
      %dma_start3A_282 = arith.constant 0 : i32
      %dma_start3A_283 = tpu.memref_slice %arg6[%dma_start3A_279, %add3A_270, %dma_start3A_282] : memref<4x26x128xi32, #tpu.memory_space<vmem>> -> memref<1x1x128xi32, #tpu.memory_space<vmem>>
      %dma_start3A_284 = tpu.memref_squeeze %dma_start3A_283 : memref<1x1x128xi32, #tpu.memory_space<vmem>> -> memref<1x128xi32, #tpu.memory_space<vmem>>
      %dma_start3A_285 = arith.constant 0 : i32
      %dma_start3A_286 = arith.constant 0 : i32
      %dma_start3A_287 = tpu.memref_slice %arg3[%dma_start3A_285, %dma_start3A_286] : memref<1x999986xf32, #tpu.memory_space<hbm>> -> memref<1x999986xf32, #tpu.memory_space<hbm>>
      tpu.enqueue_indirect_dma source(%dma_start3A_287 : memref<1x999986xf32, #tpu.memory_space<hbm>>) target(%dma_start3A_281 : memref<1x128xf32, #tpu.memory_space<vmem>>) offsets(%dma_start3A_284 : memref<1x128xi32, #tpu.memory_space<vmem>>) semaphore(%arg12 : memref<!tpu.dma_semaphore, #tpu.memory_space<semaphore_mem>>)
      %scan3A_288 = arith.constant 0 : i32
      scf.yield %scan3A_288 : i32
    }
    %scan3A_125 = arith.constant 13 : i32
    %dma_wait3A_126 = arith.constant 3 : i32
    %dma_wait3A_127 = arith.constant 0 : i32
    %dma_wait3A_128 = arith.constant 0 : i32
    %dma_wait3A_129 = tpu.memref_slice %arg6[%dma_wait3A_126, %dma_wait3A_127, %dma_wait3A_128] : memref<4x26x128xi32, #tpu.memory_space<vmem>> -> memref<1x26x128xi32, #tpu.memory_space<vmem>>
    %dma_wait3A_130 = tpu.memref_squeeze %dma_wait3A_129 : memref<1x26x128xi32, #tpu.memory_space<vmem>> -> memref<26x128xi32, #tpu.memory_space<vmem>>
    %dma_wait3A_131 = arith.constant 0 : i32
    %dma_wait3A_132 = tpu.memref_slice %arg2[%dma_wait3A_131, %add3A_16] : memref<26x16384xi32, #tpu.memory_space<hbm>> -> memref<26x128xi32, #tpu.memory_space<hbm>>
    %dma_wait3A_133 = arith.constant 0 : i32
    %dma_wait3A_134 = arith.constant 0 : i32
    %dma_wait3A_135 = tpu.memref_slice %arg6[%dma_wait3A_126, %dma_wait3A_133, %dma_wait3A_134] : memref<4x26x128xi32, #tpu.memory_space<vmem>> -> memref<1x26x128xi32, #tpu.memory_space<vmem>>
    %dma_wait3A_136 = tpu.memref_squeeze %dma_wait3A_135 : memref<1x26x128xi32, #tpu.memory_space<vmem>> -> memref<26x128xi32, #tpu.memory_space<vmem>>
    %dma_wait3A_137 = arith.constant 0 : i32
    %dma_wait3A_138 = tpu.memref_slice %arg2[%dma_wait3A_137, %add3A_16] : memref<26x16384xi32, #tpu.memory_space<hbm>> -> memref<26x128xi32, #tpu.memory_space<hbm>>
    tpu.wait_dma2 semaphore(%arg13 : memref<!tpu.dma_semaphore, #tpu.memory_space<semaphore_mem>>) src(%dma_wait3A_138 : memref<26x128xi32, #tpu.memory_space<hbm>>) dst(%dma_wait3A_136 : memref<26x128xi32, #tpu.memory_space<vmem>>)
    %scan3A_139 = arith.constant 0 : i32
    %scan3A_140 = arith.constant 0 : i32
    %scan3A_141 = arith.constant 13 : i32
    %scan3A_142 = arith.addi %scan3A_140, %scan3A_141 : i32
    %scan3A_143 = arith.constant 1 : i32
    %scan3A_144 = scf.for %scan3A_244 = %scan3A_140 to %scan3A_142 step %scan3A_143 iter_args(%scan3A_245 = %scan3A_139) -> (i32)  : i32 {
      %mul3A_246 = arith.constant 2 : i32
      %mul3A_247 = arith.muli %scan3A_244, %mul3A_246 : i32
      %add3A_248 = arith.constant 0 : i32
      %add3A_249 = arith.addi %mul3A_247, %add3A_248 : i32
      %mul3A_250 = arith.constant 2 : i32
      %mul3A_251 = arith.muli %scan3A_244, %mul3A_250 : i32
      %add3A_252 = arith.constant 78 : i32
      %add3A_253 = arith.addi %add3A_252, %mul3A_251 : i32
      %add3A_254 = arith.constant 0 : i32
      %add3A_255 = arith.addi %add3A_253, %add3A_254 : i32
      %mul3A_256 = arith.constant 128 : i32
      %mul3A_257 = arith.muli %add3A_255, %mul3A_256 : i32
      %dma_start3A_258 = arith.constant 3 : i32
      %dma_start3A_259 = arith.constant 0 : i32
      %dma_start3A_260 = tpu.memref_slice %arg7[%dma_start3A_259, %mul3A_257] : memref<1x13312xf32, #tpu.memory_space<vmem>> -> memref<1x128xf32, #tpu.memory_space<vmem>>
      %dma_start3A_261 = arith.constant 0 : i32
      %dma_start3A_262 = tpu.memref_slice %arg6[%dma_start3A_258, %add3A_249, %dma_start3A_261] : memref<4x26x128xi32, #tpu.memory_space<vmem>> -> memref<1x1x128xi32, #tpu.memory_space<vmem>>
      %dma_start3A_263 = tpu.memref_squeeze %dma_start3A_262 : memref<1x1x128xi32, #tpu.memory_space<vmem>> -> memref<1x128xi32, #tpu.memory_space<vmem>>
      %dma_start3A_264 = arith.constant 0 : i32
      %dma_start3A_265 = arith.constant 0 : i32
      %dma_start3A_266 = tpu.memref_slice %arg3[%dma_start3A_264, %dma_start3A_265] : memref<1x999986xf32, #tpu.memory_space<hbm>> -> memref<1x999986xf32, #tpu.memory_space<hbm>>
      tpu.enqueue_indirect_dma source(%dma_start3A_266 : memref<1x999986xf32, #tpu.memory_space<hbm>>) target(%dma_start3A_260 : memref<1x128xf32, #tpu.memory_space<vmem>>) offsets(%dma_start3A_263 : memref<1x128xi32, #tpu.memory_space<vmem>>) semaphore(%arg13 : memref<!tpu.dma_semaphore, #tpu.memory_space<semaphore_mem>>)
      %mul3A_267 = arith.constant 2 : i32
      %mul3A_268 = arith.muli %scan3A_244, %mul3A_267 : i32
      %add3A_269 = arith.constant 1 : i32
      %add3A_270 = arith.addi %mul3A_268, %add3A_269 : i32
      %mul3A_271 = arith.constant 2 : i32
      %mul3A_272 = arith.muli %scan3A_244, %mul3A_271 : i32
      %add3A_273 = arith.constant 78 : i32
      %add3A_274 = arith.addi %add3A_273, %mul3A_272 : i32
      %add3A_275 = arith.constant 1 : i32
      %add3A_276 = arith.addi %add3A_274, %add3A_275 : i32
      %mul3A_277 = arith.constant 128 : i32
      %mul3A_278 = arith.muli %add3A_276, %mul3A_277 : i32
      %dma_start3A_279 = arith.constant 3 : i32
      %dma_start3A_280 = arith.constant 0 : i32
      %dma_start3A_281 = tpu.memref_slice %arg7[%dma_start3A_280, %mul3A_278] : memref<1x13312xf32, #tpu.memory_space<vmem>> -> memref<1x128xf32, #tpu.memory_space<vmem>>
      %dma_start3A_282 = arith.constant 0 : i32
      %dma_start3A_283 = tpu.memref_slice %arg6[%dma_start3A_279, %add3A_270, %dma_start3A_282] : memref<4x26x128xi32, #tpu.memory_space<vmem>> -> memref<1x1x128xi32, #tpu.memory_space<vmem>>
      %dma_start3A_284 = tpu.memref_squeeze %dma_start3A_283 : memref<1x1x128xi32, #tpu.memory_space<vmem>> -> memref<1x128xi32, #tpu.memory_space<vmem>>
      %dma_start3A_285 = arith.constant 0 : i32
      %dma_start3A_286 = arith.constant 0 : i32
      %dma_start3A_287 = tpu.memref_slice %arg3[%dma_start3A_285, %dma_start3A_286] : memref<1x999986xf32, #tpu.memory_space<hbm>> -> memref<1x999986xf32, #tpu.memory_space<hbm>>
      tpu.enqueue_indirect_dma source(%dma_start3A_287 : memref<1x999986xf32, #tpu.memory_space<hbm>>) target(%dma_start3A_281 : memref<1x128xf32, #tpu.memory_space<vmem>>) offsets(%dma_start3A_284 : memref<1x128xi32, #tpu.memory_space<vmem>>) semaphore(%arg13 : memref<!tpu.dma_semaphore, #tpu.memory_space<semaphore_mem>>)
      %scan3A_288 = arith.constant 0 : i32
      scf.yield %scan3A_288 : i32
    }
    %scan3A_145 = arith.constant 13 : i32
    %get3A = arith.constant 0 : index
    %get3A_146 = tpu.vector_load %arg8[%get3A] {strides = array<i32>} : memref<16xf32, #tpu.memory_space<vmem>>, vector<16xf32>,
    %get3A_147 = vector.shape_cast %get3A_146 : vector<16xf32> to vector<16xf32>
    %dma_wait3A_148 = arith.constant 0 : i32
    %dma_wait3A_149 = arith.constant 0 : i32
    %dma_wait3A_150 = tpu.memref_slice %arg7[%dma_wait3A_148, %dma_wait3A_149] : memref<1x13312xf32, #tpu.memory_space<vmem>> -> memref<1x3328xf32, #tpu.memory_space<vmem>>
    %dma_wait3A_151 = arith.constant 0 : i32
    %dma_wait3A_152 = arith.constant 0 : i32
    %dma_wait3A_153 = tpu.memref_slice %arg3[%dma_wait3A_151, %dma_wait3A_152] : memref<1x999986xf32, #tpu.memory_space<hbm>> -> memref<1x3328xf32, #tpu.memory_space<hbm>>
    %dma_wait3A_154 = arith.constant 0 : i32
    %dma_wait3A_155 = arith.constant 0 : i32
    %dma_wait3A_156 = tpu.memref_slice %arg7[%dma_wait3A_154, %dma_wait3A_155] : memref<1x13312xf32, #tpu.memory_space<vmem>> -> memref<1x3328xf32, #tpu.memory_space<vmem>>
    %dma_wait3A_157 = arith.constant 0 : i32
    %dma_wait3A_158 = arith.constant 0 : i32
    %dma_wait3A_159 = tpu.memref_slice %arg3[%dma_wait3A_157, %dma_wait3A_158] : memref<1x999986xf32, #tpu.memory_space<hbm>> -> memref<1x3328xf32, #tpu.memory_space<hbm>>
    tpu.wait_dma2 semaphore(%arg10 : memref<!tpu.dma_semaphore, #tpu.memory_space<semaphore_mem>>) src(%dma_wait3A_159 : memref<1x3328xf32, #tpu.memory_space<hbm>>) dst(%dma_wait3A_156 : memref<1x3328xf32, #tpu.memory_space<vmem>>)
    %scan3A_160 = arith.constant 0 : i32
    %scan3A_161 = arith.constant 0 : i32
    %scan3A_162 = arith.constant 0 : i32
    %scan3A_163 = arith.constant 8 : i32
    %scan3A_164 = arith.addi %scan3A_162, %scan3A_163 : i32
    %scan3A_165 = arith.constant 1 : i32
    %scan3A_166 = scf.for %scan3A_244 = %scan3A_162 to %scan3A_164 step %scan3A_165 iter_args(%scan3A_245 = %scan3A_161) -> (i32)  : i32 {
      %mul3A_246 = arith.constant 16 : i32
      %mul3A_247 = arith.muli %scan3A_244, %mul3A_246 : i32
      %add3A_248 = arith.constant 0 : i32
      %add3A_249 = arith.addi %add3A_248, %mul3A_247 : i32
      %add3A_250 = arith.constant 0 : i32
      %add3A_251 = arith.addi %add3A_249, %add3A_250 : i32
      %get3A_252 = arith.constant 0 : i32
      %get3A_253 = tpu.memref_slice %arg7[%scan3A_160, %get3A_252] : memref<1x13312xf32, #tpu.memory_space<vmem>> -> memref<1x13312xf32, #tpu.memory_space<vmem>>
      %get3A_254 = tpu.memref_squeeze %get3A_253 : memref<1x13312xf32, #tpu.memory_space<vmem>> -> memref<13312xf32, #tpu.memory_space<vmem>>
      %get3A_255 = arith.index_cast %add3A_251 : i32 to index
      %get3A_256 = tpu.vector_load %get3A_254[%get3A_255] {strides = array<i32>} : memref<13312xf32, #tpu.memory_space<vmem>>, vector<16xf32>,
      %get3A_257 = vector.shape_cast %get3A_256 : vector<16xf32> to vector<16xf32>
      %add3A_258 = arith.addf %get3A_147, %get3A_257 : vector<16xf32>
      %add3A_259 = arith.constant 128 : i32
      %add3A_260 = arith.addi %add3A_249, %add3A_259 : i32
      %get3A_261 = arith.constant 0 : i32
      %get3A_262 = tpu.memref_slice %arg7[%scan3A_160, %get3A_261] : memref<1x13312xf32, #tpu.memory_space<vmem>> -> memref<1x13312xf32, #tpu.memory_space<vmem>>
      %get3A_263 = tpu.memref_squeeze %get3A_262 : memref<1x13312xf32, #tpu.memory_space<vmem>> -> memref<13312xf32, #tpu.memory_space<vmem>>
      %get3A_264 = arith.index_cast %add3A_260 : i32 to index
      %get3A_265 = tpu.vector_load %get3A_263[%get3A_264] {strides = array<i32>} : memref<13312xf32, #tpu.memory_space<vmem>>, vector<16xf32>,
      %get3A_266 = vector.shape_cast %get3A_265 : vector<16xf32> to vector<16xf32>
      %add3A_267 = arith.addf %add3A_258, %get3A_266 : vector<16xf32>
      %add3A_268 = arith.constant 256 : i32
      %add3A_269 = arith.addi %add3A_249, %add3A_268 : i32
      %get3A_270 = arith.constant 0 : i32
      %get3A_271 = tpu.memref_slice %arg7[%scan3A_160, %get3A_270] : memref<1x13312xf32, #tpu.memory_space<vmem>> -> memref<1x13312xf32, #tpu.memory_space<vmem>>
      %get3A_272 = tpu.memref_squeeze %get3A_271 : memref<1x13312xf32, #tpu.memory_space<vmem>> -> memref<13312xf32, #tpu.memory_space<vmem>>
      %get3A_273 = arith.index_cast %add3A_269 : i32 to index
      %get3A_274 = tpu.vector_load %get3A_272[%get3A_273] {strides = array<i32>} : memref<13312xf32, #tpu.memory_space<vmem>>, vector<16xf32>,
      %get3A_275 = vector.shape_cast %get3A_274 : vector<16xf32> to vector<16xf32>
      %add3A_276 = arith.addf %add3A_267, %get3A_275 : vector<16xf32>
      %add3A_277 = arith.constant 384 : i32
      %add3A_278 = arith.addi %add3A_249, %add3A_277 : i32
      %get3A_279 = arith.constant 0 : i32
      %get3A_280 = tpu.memref_slice %arg7[%scan3A_160, %get3A_279] : memref<1x13312xf32, #tpu.memory_space<vmem>> -> memref<1x13312xf32, #tpu.memory_space<vmem>>
      %get3A_281 = tpu.memref_squeeze %get3A_280 : memref<1x13312xf32, #tpu.memory_space<vmem>> -> memref<13312xf32, #tpu.memory_space<vmem>>
      %get3A_282 = arith.index_cast %add3A_278 : i32 to index
      %get3A_283 = tpu.vector_load %get3A_281[%get3A_282] {strides = array<i32>} : memref<13312xf32, #tpu.memory_space<vmem>>, vector<16xf32>,
      %get3A_284 = vector.shape_cast %get3A_283 : vector<16xf32> to vector<16xf32>
      %add3A_285 = arith.addf %add3A_276, %get3A_284 : vector<16xf32>
      %add3A_286 = arith.constant 512 : i32
      %add3A_287 = arith.addi %add3A_249, %add3A_286 : i32
      %get3A_288 = arith.constant 0 : i32
      %get3A_289 = tpu.memref_slice %arg7[%scan3A_160, %get3A_288] : memref<1x13312xf32, #tpu.memory_space<vmem>> -> memref<1x13312xf32, #tpu.memory_space<vmem>>
      %get3A_290 = tpu.memref_squeeze %get3A_289 : memref<1x13312xf32, #tpu.memory_space<vmem>> -> memref<13312xf32, #tpu.memory_space<vmem>>
      %get3A_291 = arith.index_cast %add3A_287 : i32 to index
      %get3A_292 = tpu.vector_load %get3A_290[%get3A_291] {strides = array<i32>} : memref<13312xf32, #tpu.memory_space<vmem>>, vector<16xf32>,
      %get3A_293 = vector.shape_cast %get3A_292 : vector<16xf32> to vector<16xf32>
      %add3A_294 = arith.addf %add3A_285, %get3A_293 : vector<16xf32>
      %add3A_295 = arith.constant 640 : i32
      %add3A_296 = arith.addi %add3A_249, %add3A_295 : i32
      %get3A_297 = arith.constant 0 : i32
      %get3A_298 = tpu.memref_slice %arg7[%scan3A_160, %get3A_297] : memref<1x13312xf32, #tpu.memory_space<vmem>> -> memref<1x13312xf32, #tpu.memory_space<vmem>>
      %get3A_299 = tpu.memref_squeeze %get3A_298 : memref<1x13312xf32, #tpu.memory_space<vmem>> -> memref<13312xf32, #tpu.memory_space<vmem>>
      %get3A_300 = arith.index_cast %add3A_296 : i32 to index
      %get3A_301 = tpu.vector_load %get3A_299[%get3A_300] {strides = array<i32>} : memref<13312xf32, #tpu.memory_space<vmem>>, vector<16xf32>,
      %get3A_302 = vector.shape_cast %get3A_301 : vector<16xf32> to vector<16xf32>
      %add3A_303 = arith.addf %add3A_294, %get3A_302 : vector<16xf32>
      %add3A_304 = arith.constant 768 : i32
      %add3A_305 = arith.addi %add3A_249, %add3A_304 : i32
      %get3A_306 = arith.constant 0 : i32
      %get3A_307 = tpu.memref_slice %arg7[%scan3A_160, %get3A_306] : memref<1x13312xf32, #tpu.memory_space<vmem>> -> memref<1x13312xf32, #tpu.memory_space<vmem>>
      %get3A_308 = tpu.memref_squeeze %get3A_307 : memref<1x13312xf32, #tpu.memory_space<vmem>> -> memref<13312xf32, #tpu.memory_space<vmem>>
      %get3A_309 = arith.index_cast %add3A_305 : i32 to index
      %get3A_310 = tpu.vector_load %get3A_308[%get3A_309] {strides = array<i32>} : memref<13312xf32, #tpu.memory_space<vmem>>, vector<16xf32>,
      %get3A_311 = vector.shape_cast %get3A_310 : vector<16xf32> to vector<16xf32>
      %add3A_312 = arith.addf %add3A_303, %get3A_311 : vector<16xf32>
      %add3A_313 = arith.constant 896 : i32
      %add3A_314 = arith.addi %add3A_249, %add3A_313 : i32
      %get3A_315 = arith.constant 0 : i32
      %get3A_316 = tpu.memref_slice %arg7[%scan3A_160, %get3A_315] : memref<1x13312xf32, #tpu.memory_space<vmem>> -> memref<1x13312xf32, #tpu.memory_space<vmem>>
      %get3A_317 = tpu.memref_squeeze %get3A_316 : memref<1x13312xf32, #tpu.memory_space<vmem>> -> memref<13312xf32, #tpu.memory_space<vmem>>
      %get3A_318 = arith.index_cast %add3A_314 : i32 to index
      %get3A_319 = tpu.vector_load %get3A_317[%get3A_318] {strides = array<i32>} : memref<13312xf32, #tpu.memory_space<vmem>>, vector<16xf32>,
      %get3A_320 = vector.shape_cast %get3A_319 : vector<16xf32> to vector<16xf32>
      %add3A_321 = arith.addf %add3A_312, %get3A_320 : vector<16xf32>
      %add3A_322 = arith.constant 1024 : i32
      %add3A_323 = arith.addi %add3A_249, %add3A_322 : i32
      %get3A_324 = arith.constant 0 : i32
      %get3A_325 = tpu.memref_slice %arg7[%scan3A_160, %get3A_324] : memref<1x13312xf32, #tpu.memory_space<vmem>> -> memref<1x13312xf32, #tpu.memory_space<vmem>>
      %get3A_326 = tpu.memref_squeeze %get3A_325 : memref<1x13312xf32, #tpu.memory_space<vmem>> -> memref<13312xf32, #tpu.memory_space<vmem>>
      %get3A_327 = arith.index_cast %add3A_323 : i32 to index
      %get3A_328 = tpu.vector_load %get3A_326[%get3A_327] {strides = array<i32>} : memref<13312xf32, #tpu.memory_space<vmem>>, vector<16xf32>,
      %get3A_329 = vector.shape_cast %get3A_328 : vector<16xf32> to vector<16xf32>
      %add3A_330 = arith.addf %add3A_321, %get3A_329 : vector<16xf32>
      %add3A_331 = arith.constant 1152 : i32
      %add3A_332 = arith.addi %add3A_249, %add3A_331 : i32
      %get3A_333 = arith.constant 0 : i32
      %get3A_334 = tpu.memref_slice %arg7[%scan3A_160, %get3A_333] : memref<1x13312xf32, #tpu.memory_space<vmem>> -> memref<1x13312xf32, #tpu.memory_space<vmem>>
      %get3A_335 = tpu.memref_squeeze %get3A_334 : memref<1x13312xf32, #tpu.memory_space<vmem>> -> memref<13312xf32, #tpu.memory_space<vmem>>
      %get3A_336 = arith.index_cast %add3A_332 : i32 to index
      %get3A_337 = tpu.vector_load %get3A_335[%get3A_336] {strides = array<i32>} : memref<13312xf32, #tpu.memory_space<vmem>>, vector<16xf32>,
      %get3A_338 = vector.shape_cast %get3A_337 : vector<16xf32> to vector<16xf32>
      %add3A_339 = arith.addf %add3A_330, %get3A_338 : vector<16xf32>
      %add3A_340 = arith.constant 1280 : i32
      %add3A_341 = arith.addi %add3A_249, %add3A_340 : i32
      %get3A_342 = arith.constant 0 : i32
      %get3A_343 = tpu.memref_slice %arg7[%scan3A_160, %get3A_342] : memref<1x13312xf32, #tpu.memory_space<vmem>> -> memref<1x13312xf32, #tpu.memory_space<vmem>>
      %get3A_344 = tpu.memref_squeeze %get3A_343 : memref<1x13312xf32, #tpu.memory_space<vmem>> -> memref<13312xf32, #tpu.memory_space<vmem>>
      %get3A_345 = arith.index_cast %add3A_341 : i32 to index
      %get3A_346 = tpu.vector_load %get3A_344[%get3A_345] {strides = array<i32>} : memref<13312xf32, #tpu.memory_space<vmem>>, vector<16xf32>,
      %get3A_347 = vector.shape_cast %get3A_346 : vector<16xf32> to vector<16xf32>
      %add3A_348 = arith.addf %add3A_339, %get3A_347 : vector<16xf32>
      %add3A_349 = arith.constant 1408 : i32
      %add3A_350 = arith.addi %add3A_249, %add3A_349 : i32
      %get3A_351 = arith.constant 0 : i32
      %get3A_352 = tpu.memref_slice %arg7[%scan3A_160, %get3A_351] : memref<1x13312xf32, #tpu.memory_space<vmem>> -> memref<1x13312xf32, #tpu.memory_space<vmem>>
      %get3A_353 = tpu.memref_squeeze %get3A_352 : memref<1x13312xf32, #tpu.memory_space<vmem>> -> memref<13312xf32, #tpu.memory_space<vmem>>
      %get3A_354 = arith.index_cast %add3A_350 : i32 to index
      %get3A_355 = tpu.vector_load %get3A_353[%get3A_354] {strides = array<i32>} : memref<13312xf32, #tpu.memory_space<vmem>>, vector<16xf32>,
      %get3A_356 = vector.shape_cast %get3A_355 : vector<16xf32> to vector<16xf32>
      %add3A_357 = arith.addf %add3A_348, %get3A_356 : vector<16xf32>
      %add3A_358 = arith.constant 1536 : i32
      %add3A_359 = arith.addi %add3A_249, %add3A_358 : i32
      %get3A_360 = arith.constant 0 : i32
      %get3A_361 = tpu.memref_slice %arg7[%scan3A_160, %get3A_360] : memref<1x13312xf32, #tpu.memory_space<vmem>> -> memref<1x13312xf32, #tpu.memory_space<vmem>>
      %get3A_362 = tpu.memref_squeeze %get3A_361 : memref<1x13312xf32, #tpu.memory_space<vmem>> -> memref<13312xf32, #tpu.memory_space<vmem>>
      %get3A_363 = arith.index_cast %add3A_359 : i32 to index
      %get3A_364 = tpu.vector_load %get3A_362[%get3A_363] {strides = array<i32>} : memref<13312xf32, #tpu.memory_space<vmem>>, vector<16xf32>,
      %get3A_365 = vector.shape_cast %get3A_364 : vector<16xf32> to vector<16xf32>
      %add3A_366 = arith.addf %add3A_357, %get3A_365 : vector<16xf32>
      %add3A_367 = arith.constant 1664 : i32
      %add3A_368 = arith.addi %add3A_249, %add3A_367 : i32
      %get3A_369 = arith.constant 0 : i32
      %get3A_370 = tpu.memref_slice %arg7[%scan3A_160, %get3A_369] : memref<1x13312xf32, #tpu.memory_space<vmem>> -> memref<1x13312xf32, #tpu.memory_space<vmem>>
      %get3A_371 = tpu.memref_squeeze %get3A_370 : memref<1x13312xf32, #tpu.memory_space<vmem>> -> memref<13312xf32, #tpu.memory_space<vmem>>
      %get3A_372 = arith.index_cast %add3A_368 : i32 to index
      %get3A_373 = tpu.vector_load %get3A_371[%get3A_372] {strides = array<i32>} : memref<13312xf32, #tpu.memory_space<vmem>>, vector<16xf32>,
      %get3A_374 = vector.shape_cast %get3A_373 : vector<16xf32> to vector<16xf32>
      %add3A_375 = arith.addf %add3A_366, %get3A_374 : vector<16xf32>
      %add3A_376 = arith.constant 1792 : i32
      %add3A_377 = arith.addi %add3A_249, %add3A_376 : i32
      %get3A_378 = arith.constant 0 : i32
      %get3A_379 = tpu.memref_slice %arg7[%scan3A_160, %get3A_378] : memref<1x13312xf32, #tpu.memory_space<vmem>> -> memref<1x13312xf32, #tpu.memory_space<vmem>>
      %get3A_380 = tpu.memref_squeeze %get3A_379 : memref<1x13312xf32, #tpu.memory_space<vmem>> -> memref<13312xf32, #tpu.memory_space<vmem>>
      %get3A_381 = arith.index_cast %add3A_377 : i32 to index
      %get3A_382 = tpu.vector_load %get3A_380[%get3A_381] {strides = array<i32>} : memref<13312xf32, #tpu.memory_space<vmem>>, vector<16xf32>,
      %get3A_383 = vector.shape_cast %get3A_382 : vector<16xf32> to vector<16xf32>
      %add3A_384 = arith.addf %add3A_375, %get3A_383 : vector<16xf32>
      %add3A_385 = arith.constant 1920 : i32
      %add3A_386 = arith.addi %add3A_249, %add3A_385 : i32
      %get3A_387 = arith.constant 0 : i32
      %get3A_388 = tpu.memref_slice %arg7[%scan3A_160, %get3A_387] : memref<1x13312xf32, #tpu.memory_space<vmem>> -> memref<1x13312xf32, #tpu.memory_space<vmem>>
      %get3A_389 = tpu.memref_squeeze %get3A_388 : memref<1x13312xf32, #tpu.memory_space<vmem>> -> memref<13312xf32, #tpu.memory_space<vmem>>
      %get3A_390 = arith.index_cast %add3A_386 : i32 to index
      %get3A_391 = tpu.vector_load %get3A_389[%get3A_390] {strides = array<i32>} : memref<13312xf32, #tpu.memory_space<vmem>>, vector<16xf32>,
      %get3A_392 = vector.shape_cast %get3A_391 : vector<16xf32> to vector<16xf32>
      %add3A_393 = arith.addf %add3A_384, %get3A_392 : vector<16xf32>
      %add3A_394 = arith.constant 2048 : i32
      %add3A_395 = arith.addi %add3A_249, %add3A_394 : i32
      %get3A_396 = arith.constant 0 : i32
      %get3A_397 = tpu.memref_slice %arg7[%scan3A_160, %get3A_396] : memref<1x13312xf32, #tpu.memory_space<vmem>> -> memref<1x13312xf32, #tpu.memory_space<vmem>>
      %get3A_398 = tpu.memref_squeeze %get3A_397 : memref<1x13312xf32, #tpu.memory_space<vmem>> -> memref<13312xf32, #tpu.memory_space<vmem>>
      %get3A_399 = arith.index_cast %add3A_395 : i32 to index
      %get3A_400 = tpu.vector_load %get3A_398[%get3A_399] {strides = array<i32>} : memref<13312xf32, #tpu.memory_space<vmem>>, vector<16xf32>,
      %get3A_401 = vector.shape_cast %get3A_400 : vector<16xf32> to vector<16xf32>
      %add3A_402 = arith.addf %add3A_393, %get3A_401 : vector<16xf32>
      %add3A_403 = arith.constant 2176 : i32
      %add3A_404 = arith.addi %add3A_249, %add3A_403 : i32
      %get3A_405 = arith.constant 0 : i32
      %get3A_406 = tpu.memref_slice %arg7[%scan3A_160, %get3A_405] : memref<1x13312xf32, #tpu.memory_space<vmem>> -> memref<1x13312xf32, #tpu.memory_space<vmem>>
      %get3A_407 = tpu.memref_squeeze %get3A_406 : memref<1x13312xf32, #tpu.memory_space<vmem>> -> memref<13312xf32, #tpu.memory_space<vmem>>
      %get3A_408 = arith.index_cast %add3A_404 : i32 to index
      %get3A_409 = tpu.vector_load %get3A_407[%get3A_408] {strides = array<i32>} : memref<13312xf32, #tpu.memory_space<vmem>>, vector<16xf32>,
      %get3A_410 = vector.shape_cast %get3A_409 : vector<16xf32> to vector<16xf32>
      %add3A_411 = arith.addf %add3A_402, %get3A_410 : vector<16xf32>
      %add3A_412 = arith.constant 2304 : i32
      %add3A_413 = arith.addi %add3A_249, %add3A_412 : i32
      %get3A_414 = arith.constant 0 : i32
      %get3A_415 = tpu.memref_slice %arg7[%scan3A_160, %get3A_414] : memref<1x13312xf32, #tpu.memory_space<vmem>> -> memref<1x13312xf32, #tpu.memory_space<vmem>>
      %get3A_416 = tpu.memref_squeeze %get3A_415 : memref<1x13312xf32, #tpu.memory_space<vmem>> -> memref<13312xf32, #tpu.memory_space<vmem>>
      %get3A_417 = arith.index_cast %add3A_413 : i32 to index
      %get3A_418 = tpu.vector_load %get3A_416[%get3A_417] {strides = array<i32>} : memref<13312xf32, #tpu.memory_space<vmem>>, vector<16xf32>,
      %get3A_419 = vector.shape_cast %get3A_418 : vector<16xf32> to vector<16xf32>
      %add3A_420 = arith.addf %add3A_411, %get3A_419 : vector<16xf32>
      %add3A_421 = arith.constant 2432 : i32
      %add3A_422 = arith.addi %add3A_249, %add3A_421 : i32
      %get3A_423 = arith.constant 0 : i32
      %get3A_424 = tpu.memref_slice %arg7[%scan3A_160, %get3A_423] : memref<1x13312xf32, #tpu.memory_space<vmem>> -> memref<1x13312xf32, #tpu.memory_space<vmem>>
      %get3A_425 = tpu.memref_squeeze %get3A_424 : memref<1x13312xf32, #tpu.memory_space<vmem>> -> memref<13312xf32, #tpu.memory_space<vmem>>
      %get3A_426 = arith.index_cast %add3A_422 : i32 to index
      %get3A_427 = tpu.vector_load %get3A_425[%get3A_426] {strides = array<i32>} : memref<13312xf32, #tpu.memory_space<vmem>>, vector<16xf32>,
      %get3A_428 = vector.shape_cast %get3A_427 : vector<16xf32> to vector<16xf32>
      %add3A_429 = arith.addf %add3A_420, %get3A_428 : vector<16xf32>
      %add3A_430 = arith.constant 2560 : i32
      %add3A_431 = arith.addi %add3A_249, %add3A_430 : i32
      %get3A_432 = arith.constant 0 : i32
      %get3A_433 = tpu.memref_slice %arg7[%scan3A_160, %get3A_432] : memref<1x13312xf32, #tpu.memory_space<vmem>> -> memref<1x13312xf32, #tpu.memory_space<vmem>>
      %get3A_434 = tpu.memref_squeeze %get3A_433 : memref<1x13312xf32, #tpu.memory_space<vmem>> -> memref<13312xf32, #tpu.memory_space<vmem>>
      %get3A_435 = arith.index_cast %add3A_431 : i32 to index
      %get3A_436 = tpu.vector_load %get3A_434[%get3A_435] {strides = array<i32>} : memref<13312xf32, #tpu.memory_space<vmem>>, vector<16xf32>,
      %get3A_437 = vector.shape_cast %get3A_436 : vector<16xf32> to vector<16xf32>
      %add3A_438 = arith.addf %add3A_429, %get3A_437 : vector<16xf32>
      %add3A_439 = arith.constant 2688 : i32
      %add3A_440 = arith.addi %add3A_249, %add3A_439 : i32
      %get3A_441 = arith.constant 0 : i32
      %get3A_442 = tpu.memref_slice %arg7[%scan3A_160, %get3A_441] : memref<1x13312xf32, #tpu.memory_space<vmem>> -> memref<1x13312xf32, #tpu.memory_space<vmem>>
      %get3A_443 = tpu.memref_squeeze %get3A_442 : memref<1x13312xf32, #tpu.memory_space<vmem>> -> memref<13312xf32, #tpu.memory_space<vmem>>
      %get3A_444 = arith.index_cast %add3A_440 : i32 to index
      %get3A_445 = tpu.vector_load %get3A_443[%get3A_444] {strides = array<i32>} : memref<13312xf32, #tpu.memory_space<vmem>>, vector<16xf32>,
      %get3A_446 = vector.shape_cast %get3A_445 : vector<16xf32> to vector<16xf32>
      %add3A_447 = arith.addf %add3A_438, %get3A_446 : vector<16xf32>
      %add3A_448 = arith.constant 2816 : i32
      %add3A_449 = arith.addi %add3A_249, %add3A_448 : i32
      %get3A_450 = arith.constant 0 : i32
      %get3A_451 = tpu.memref_slice %arg7[%scan3A_160, %get3A_450] : memref<1x13312xf32, #tpu.memory_space<vmem>> -> memref<1x13312xf32, #tpu.memory_space<vmem>>
      %get3A_452 = tpu.memref_squeeze %get3A_451 : memref<1x13312xf32, #tpu.memory_space<vmem>> -> memref<13312xf32, #tpu.memory_space<vmem>>
      %get3A_453 = arith.index_cast %add3A_449 : i32 to index
      %get3A_454 = tpu.vector_load %get3A_452[%get3A_453] {strides = array<i32>} : memref<13312xf32, #tpu.memory_space<vmem>>, vector<16xf32>,
      %get3A_455 = vector.shape_cast %get3A_454 : vector<16xf32> to vector<16xf32>
      %add3A_456 = arith.addf %add3A_447, %get3A_455 : vector<16xf32>
      %add3A_457 = arith.constant 2944 : i32
      %add3A_458 = arith.addi %add3A_249, %add3A_457 : i32
      %get3A_459 = arith.constant 0 : i32
      %get3A_460 = tpu.memref_slice %arg7[%scan3A_160, %get3A_459] : memref<1x13312xf32, #tpu.memory_space<vmem>> -> memref<1x13312xf32, #tpu.memory_space<vmem>>
      %get3A_461 = tpu.memref_squeeze %get3A_460 : memref<1x13312xf32, #tpu.memory_space<vmem>> -> memref<13312xf32, #tpu.memory_space<vmem>>
      %get3A_462 = arith.index_cast %add3A_458 : i32 to index
      %get3A_463 = tpu.vector_load %get3A_461[%get3A_462] {strides = array<i32>} : memref<13312xf32, #tpu.memory_space<vmem>>, vector<16xf32>,
      %get3A_464 = vector.shape_cast %get3A_463 : vector<16xf32> to vector<16xf32>
      %add3A_465 = arith.addf %add3A_456, %get3A_464 : vector<16xf32>
      %add3A_466 = arith.constant 3072 : i32
      %add3A_467 = arith.addi %add3A_249, %add3A_466 : i32
      %get3A_468 = arith.constant 0 : i32
      %get3A_469 = tpu.memref_slice %arg7[%scan3A_160, %get3A_468] : memref<1x13312xf32, #tpu.memory_space<vmem>> -> memref<1x13312xf32, #tpu.memory_space<vmem>>
      %get3A_470 = tpu.memref_squeeze %get3A_469 : memref<1x13312xf32, #tpu.memory_space<vmem>> -> memref<13312xf32, #tpu.memory_space<vmem>>
      %get3A_471 = arith.index_cast %add3A_467 : i32 to index
      %get3A_472 = tpu.vector_load %get3A_470[%get3A_471] {strides = array<i32>} : memref<13312xf32, #tpu.memory_space<vmem>>, vector<16xf32>,
      %get3A_473 = vector.shape_cast %get3A_472 : vector<16xf32> to vector<16xf32>
      %add3A_474 = arith.addf %add3A_465, %get3A_473 : vector<16xf32>
      %add3A_475 = arith.constant 3200 : i32
      %add3A_476 = arith.addi %add3A_249, %add3A_475 : i32
      %get3A_477 = arith.constant 0 : i32
      %get3A_478 = tpu.memref_slice %arg7[%scan3A_160, %get3A_477] : memref<1x13312xf32, #tpu.memory_space<vmem>> -> memref<1x13312xf32, #tpu.memory_space<vmem>>
      %get3A_479 = tpu.memref_squeeze %get3A_478 : memref<1x13312xf32, #tpu.memory_space<vmem>> -> memref<13312xf32, #tpu.memory_space<vmem>>
      %get3A_480 = arith.index_cast %add3A_476 : i32 to index
      %get3A_481 = tpu.vector_load %get3A_479[%get3A_480] {strides = array<i32>} : memref<13312xf32, #tpu.memory_space<vmem>>, vector<16xf32>,
      %get3A_482 = vector.shape_cast %get3A_481 : vector<16xf32> to vector<16xf32>
      %add3A_483 = arith.addf %add3A_474, %get3A_482 : vector<16xf32>
      %neg3A = arith.constant 0.000000e+00 : f32
      %neg3A_484 = vector.broadcast %neg3A : f32 to vector<16xf32>
      %neg3A_485 = arith.subf %neg3A_484, %add3A_483 : vector<16xf32>
      %exp3A = math.exp %neg3A_485 : vector<16xf32>
      %add3A_486 = arith.constant 1.000000e+00 : f32
      %add3A_487 = vector.broadcast %add3A_486 : f32 to vector<16xf32>
      %add3A_488 = arith.addf %add3A_487, %exp3A : vector<16xf32>
      %div3A = arith.constant 1.000000e+00 : f32
      %div3A_489 = vector.broadcast %div3A : f32 to vector<16xf32>
      %div3A_490 = arith.divf %div3A_489, %add3A_488 : vector<16xf32>
      %mul3A_491 = arith.constant 16 : i32
      %mul3A_492 = arith.muli %scan3A_244, %mul3A_491 : i32
      %add3A_493 = arith.constant 0 : i32
      %add3A_494 = arith.addi %add3A_493, %mul3A_492 : i32
      %swap3A = arith.index_cast %add3A_494 : i32 to index
      %swap3A_495 = tpu.vector_load %arg9[%swap3A] {strides = array<i32>} : memref<512xf32, #tpu.memory_space<vmem>>, vector<16xf32>,
      %swap3A_496 = vector.shape_cast %swap3A_495 : vector<16xf32> to vector<16xf32>
      %swap3A_497 = vector.shape_cast %div3A_490 : vector<16xf32> to vector<16xf32>
      tpu.vector_store %arg9[%swap3A], %swap3A_497 {strides = array<i32>} : memref<512xf32, #tpu.memory_space<vmem>>, vector<16xf32>,
      %scan3A_498 = arith.constant 0 : i32
      scf.yield %scan3A_498 : i32
    }
    %scan3A_167 = arith.constant 8 : i32
    %mul3A_168 = arith.constant 512 : i32
    %mul3A_169 = arith.muli %add3A, %mul3A_168 : i32
    %add3A_170 = arith.constant 0 : i32
    %add3A_171 = arith.addi %mul3A_169, %add3A_170 : i32
    "tpu.region"() ({
      %run_scoped3A = tpu.sem_alloc : memref<!tpu.dma_semaphore, #tpu.memory_space<semaphore_mem>>
      %dma_start3A_244 = arith.constant 0 : i32
      %dma_start3A_245 = tpu.memref_slice %arg9[%dma_start3A_244] : memref<512xf32, #tpu.memory_space<vmem>> -> memref<128xf32, #tpu.memory_space<vmem>>
      %dma_start3A_246 = tpu.memref_slice %arg5[%add3A_171] : memref<16384xf32, #tpu.memory_space<hbm>> -> memref<128xf32, #tpu.memory_space<hbm>>
      %dma_start3A_247 = tpu.memref_slice %arg5[%add3A_171] : memref<16384xf32, #tpu.memory_space<hbm>> -> memref<128xf32, #tpu.memory_space<hbm>>
      %dma_start3A_248 = arith.constant 0 : i32
      %dma_start3A_249 = tpu.memref_slice %arg9[%dma_start3A_248] : memref<512xf32, #tpu.memory_space<vmem>> -> memref<128xf32, #tpu.memory_space<vmem>>
      tpu.enqueue_dma source(%dma_start3A_249 : memref<128xf32, #tpu.memory_space<vmem>>) target(%dma_start3A_247 : memref<128xf32, #tpu.memory_space<hbm>>) target_semaphore(%run_scoped3A : memref<!tpu.dma_semaphore, #tpu.memory_space<semaphore_mem>>)
      %dma_wait3A_250 = arith.constant 0 : i32
      %dma_wait3A_251 = tpu.memref_slice %arg9[%dma_wait3A_250] : memref<512xf32, #tpu.memory_space<vmem>> -> memref<128xf32, #tpu.memory_space<vmem>>
      %dma_wait3A_252 = tpu.memref_slice %arg5[%add3A_171] : memref<16384xf32, #tpu.memory_space<hbm>> -> memref<128xf32, #tpu.memory_space<hbm>>
      %dma_wait3A_253 = tpu.memref_slice %arg5[%add3A_171] : memref<16384xf32, #tpu.memory_space<hbm>> -> memref<128xf32, #tpu.memory_space<hbm>>
      %dma_wait3A_254 = arith.constant 0 : i32
      %dma_wait3A_255 = tpu.memref_slice %arg9[%dma_wait3A_254] : memref<512xf32, #tpu.memory_space<vmem>> -> memref<128xf32, #tpu.memory_space<vmem>>
      tpu.wait_dma2 semaphore(%run_scoped3A : memref<!tpu.dma_semaphore, #tpu.memory_space<semaphore_mem>>) src(%dma_wait3A_255 : memref<128xf32, #tpu.memory_space<vmem>>) dst(%dma_wait3A_253 : memref<128xf32, #tpu.memory_space<hbm>>)
      tpu.yield
    }) : () -> ()
    %dma_wait3A_172 = arith.constant 0 : i32
    %dma_wait3A_173 = arith.constant 3328 : i32
    %dma_wait3A_174 = tpu.memref_slice %arg7[%dma_wait3A_172, %dma_wait3A_173] : memref<1x13312xf32, #tpu.memory_space<vmem>> -> memref<1x3328xf32, #tpu.memory_space<vmem>>
    %dma_wait3A_175 = arith.constant 0 : i32
    %dma_wait3A_176 = arith.constant 0 : i32
    %dma_wait3A_177 = tpu.memref_slice %arg3[%dma_wait3A_175, %dma_wait3A_176] : memref<1x999986xf32, #tpu.memory_space<hbm>> -> memref<1x3328xf32, #tpu.memory_space<hbm>>
    %dma_wait3A_178 = arith.constant 0 : i32
    %dma_wait3A_179 = arith.constant 3328 : i32
    %dma_wait3A_180 = tpu.memref_slice %arg7[%dma_wait3A_178, %dma_wait3A_179] : memref<1x13312xf32, #tpu.memory_space<vmem>> -> memref<1x3328xf32, #tpu.memory_space<vmem>>
    %dma_wait3A_181 = arith.constant 0 : i32
    %dma_wait3A_182 = arith.constant 0 : i32
    %dma_wait3A_183 = tpu.memref_slice %arg3[%dma_wait3A_181, %dma_wait3A_182] : memref<1x999986xf32, #tpu.memory_space<hbm>> -> memref<1x3328xf32, #tpu.memory_space<hbm>>
    tpu.wait_dma2 semaphore(%arg11 : memref<!tpu.dma_semaphore, #tpu.memory_space<semaphore_mem>>) src(%dma_wait3A_183 : memref<1x3328xf32, #tpu.memory_space<hbm>>) dst(%dma_wait3A_180 : memref<1x3328xf32, #tpu.memory_space<vmem>>)
    %scan3A_184 = arith.constant 0 : i32
    %scan3A_185 = arith.constant 0 : i32
    %scan3A_186 = arith.constant 0 : i32
    %scan3A_187 = arith.constant 8 : i32
    %scan3A_188 = arith.addi %scan3A_186, %scan3A_187 : i32
    %scan3A_189 = arith.constant 1 : i32
    %scan3A_190 = scf.for %scan3A_244 = %scan3A_186 to %scan3A_188 step %scan3A_189 iter_args(%scan3A_245 = %scan3A_185) -> (i32)  : i32 {
      %mul3A_246 = arith.constant 16 : i32
      %mul3A_247 = arith.muli %scan3A_244, %mul3A_246 : i32
      %add3A_248 = arith.constant 3328 : i32
      %add3A_249 = arith.addi %add3A_248, %mul3A_247 : i32
      %add3A_250 = arith.constant 0 : i32
      %add3A_251 = arith.addi %add3A_249, %add3A_250 : i32
      %get3A_252 = arith.constant 0 : i32
      %get3A_253 = tpu.memref_slice %arg7[%scan3A_184, %get3A_252] : memref<1x13312xf32, #tpu.memory_space<vmem>> -> memref<1x13312xf32, #tpu.memory_space<vmem>>
      %get3A_254 = tpu.memref_squeeze %get3A_253 : memref<1x13312xf32, #tpu.memory_space<vmem>> -> memref<13312xf32, #tpu.memory_space<vmem>>
      %get3A_255 = arith.index_cast %add3A_251 : i32 to index
      %get3A_256 = tpu.vector_load %get3A_254[%get3A_255] {strides = array<i32>} : memref<13312xf32, #tpu.memory_space<vmem>>, vector<16xf32>,
      %get3A_257 = vector.shape_cast %get3A_256 : vector<16xf32> to vector<16xf32>
      %add3A_258 = arith.addf %get3A_147, %get3A_257 : vector<16xf32>
      %add3A_259 = arith.constant 128 : i32
      %add3A_260 = arith.addi %add3A_249, %add3A_259 : i32
      %get3A_261 = arith.constant 0 : i32
      %get3A_262 = tpu.memref_slice %arg7[%scan3A_184, %get3A_261] : memref<1x13312xf32, #tpu.memory_space<vmem>> -> memref<1x13312xf32, #tpu.memory_space<vmem>>
      %get3A_263 = tpu.memref_squeeze %get3A_262 : memref<1x13312xf32, #tpu.memory_space<vmem>> -> memref<13312xf32, #tpu.memory_space<vmem>>
      %get3A_264 = arith.index_cast %add3A_260 : i32 to index
      %get3A_265 = tpu.vector_load %get3A_263[%get3A_264] {strides = array<i32>} : memref<13312xf32, #tpu.memory_space<vmem>>, vector<16xf32>,
      %get3A_266 = vector.shape_cast %get3A_265 : vector<16xf32> to vector<16xf32>
      %add3A_267 = arith.addf %add3A_258, %get3A_266 : vector<16xf32>
      %add3A_268 = arith.constant 256 : i32
      %add3A_269 = arith.addi %add3A_249, %add3A_268 : i32
      %get3A_270 = arith.constant 0 : i32
      %get3A_271 = tpu.memref_slice %arg7[%scan3A_184, %get3A_270] : memref<1x13312xf32, #tpu.memory_space<vmem>> -> memref<1x13312xf32, #tpu.memory_space<vmem>>
      %get3A_272 = tpu.memref_squeeze %get3A_271 : memref<1x13312xf32, #tpu.memory_space<vmem>> -> memref<13312xf32, #tpu.memory_space<vmem>>
      %get3A_273 = arith.index_cast %add3A_269 : i32 to index
      %get3A_274 = tpu.vector_load %get3A_272[%get3A_273] {strides = array<i32>} : memref<13312xf32, #tpu.memory_space<vmem>>, vector<16xf32>,
      %get3A_275 = vector.shape_cast %get3A_274 : vector<16xf32> to vector<16xf32>
      %add3A_276 = arith.addf %add3A_267, %get3A_275 : vector<16xf32>
      %add3A_277 = arith.constant 384 : i32
      %add3A_278 = arith.addi %add3A_249, %add3A_277 : i32
      %get3A_279 = arith.constant 0 : i32
      %get3A_280 = tpu.memref_slice %arg7[%scan3A_184, %get3A_279] : memref<1x13312xf32, #tpu.memory_space<vmem>> -> memref<1x13312xf32, #tpu.memory_space<vmem>>
      %get3A_281 = tpu.memref_squeeze %get3A_280 : memref<1x13312xf32, #tpu.memory_space<vmem>> -> memref<13312xf32, #tpu.memory_space<vmem>>
      %get3A_282 = arith.index_cast %add3A_278 : i32 to index
      %get3A_283 = tpu.vector_load %get3A_281[%get3A_282] {strides = array<i32>} : memref<13312xf32, #tpu.memory_space<vmem>>, vector<16xf32>,
      %get3A_284 = vector.shape_cast %get3A_283 : vector<16xf32> to vector<16xf32>
      %add3A_285 = arith.addf %add3A_276, %get3A_284 : vector<16xf32>
      %add3A_286 = arith.constant 512 : i32
      %add3A_287 = arith.addi %add3A_249, %add3A_286 : i32
      %get3A_288 = arith.constant 0 : i32
      %get3A_289 = tpu.memref_slice %arg7[%scan3A_184, %get3A_288] : memref<1x13312xf32, #tpu.memory_space<vmem>> -> memref<1x13312xf32, #tpu.memory_space<vmem>>
      %get3A_290 = tpu.memref_squeeze %get3A_289 : memref<1x13312xf32, #tpu.memory_space<vmem>> -> memref<13312xf32, #tpu.memory_space<vmem>>
      %get3A_291 = arith.index_cast %add3A_287 : i32 to index
      %get3A_292 = tpu.vector_load %get3A_290[%get3A_291] {strides = array<i32>} : memref<13312xf32, #tpu.memory_space<vmem>>, vector<16xf32>,
      %get3A_293 = vector.shape_cast %get3A_292 : vector<16xf32> to vector<16xf32>
      %add3A_294 = arith.addf %add3A_285, %get3A_293 : vector<16xf32>
      %add3A_295 = arith.constant 640 : i32
      %add3A_296 = arith.addi %add3A_249, %add3A_295 : i32
      %get3A_297 = arith.constant 0 : i32
      %get3A_298 = tpu.memref_slice %arg7[%scan3A_184, %get3A_297] : memref<1x13312xf32, #tpu.memory_space<vmem>> -> memref<1x13312xf32, #tpu.memory_space<vmem>>
      %get3A_299 = tpu.memref_squeeze %get3A_298 : memref<1x13312xf32, #tpu.memory_space<vmem>> -> memref<13312xf32, #tpu.memory_space<vmem>>
      %get3A_300 = arith.index_cast %add3A_296 : i32 to index
      %get3A_301 = tpu.vector_load %get3A_299[%get3A_300] {strides = array<i32>} : memref<13312xf32, #tpu.memory_space<vmem>>, vector<16xf32>,
      %get3A_302 = vector.shape_cast %get3A_301 : vector<16xf32> to vector<16xf32>
      %add3A_303 = arith.addf %add3A_294, %get3A_302 : vector<16xf32>
      %add3A_304 = arith.constant 768 : i32
      %add3A_305 = arith.addi %add3A_249, %add3A_304 : i32
      %get3A_306 = arith.constant 0 : i32
      %get3A_307 = tpu.memref_slice %arg7[%scan3A_184, %get3A_306] : memref<1x13312xf32, #tpu.memory_space<vmem>> -> memref<1x13312xf32, #tpu.memory_space<vmem>>
      %get3A_308 = tpu.memref_squeeze %get3A_307 : memref<1x13312xf32, #tpu.memory_space<vmem>> -> memref<13312xf32, #tpu.memory_space<vmem>>
      %get3A_309 = arith.index_cast %add3A_305 : i32 to index
      %get3A_310 = tpu.vector_load %get3A_308[%get3A_309] {strides = array<i32>} : memref<13312xf32, #tpu.memory_space<vmem>>, vector<16xf32>,
      %get3A_311 = vector.shape_cast %get3A_310 : vector<16xf32> to vector<16xf32>
      %add3A_312 = arith.addf %add3A_303, %get3A_311 : vector<16xf32>
      %add3A_313 = arith.constant 896 : i32
      %add3A_314 = arith.addi %add3A_249, %add3A_313 : i32
      %get3A_315 = arith.constant 0 : i32
      %get3A_316 = tpu.memref_slice %arg7[%scan3A_184, %get3A_315] : memref<1x13312xf32, #tpu.memory_space<vmem>> -> memref<1x13312xf32, #tpu.memory_space<vmem>>
      %get3A_317 = tpu.memref_squeeze %get3A_316 : memref<1x13312xf32, #tpu.memory_space<vmem>> -> memref<13312xf32, #tpu.memory_space<vmem>>
      %get3A_318 = arith.index_cast %add3A_314 : i32 to index
      %get3A_319 = tpu.vector_load %get3A_317[%get3A_318] {strides = array<i32>} : memref<13312xf32, #tpu.memory_space<vmem>>, vector<16xf32>,
      %get3A_320 = vector.shape_cast %get3A_319 : vector<16xf32> to vector<16xf32>
      %add3A_321 = arith.addf %add3A_312, %get3A_320 : vector<16xf32>
      %add3A_322 = arith.constant 1024 : i32
      %add3A_323 = arith.addi %add3A_249, %add3A_322 : i32
      %get3A_324 = arith.constant 0 : i32
      %get3A_325 = tpu.memref_slice %arg7[%scan3A_184, %get3A_324] : memref<1x13312xf32, #tpu.memory_space<vmem>> -> memref<1x13312xf32, #tpu.memory_space<vmem>>
      %get3A_326 = tpu.memref_squeeze %get3A_325 : memref<1x13312xf32, #tpu.memory_space<vmem>> -> memref<13312xf32, #tpu.memory_space<vmem>>
      %get3A_327 = arith.index_cast %add3A_323 : i32 to index
      %get3A_328 = tpu.vector_load %get3A_326[%get3A_327] {strides = array<i32>} : memref<13312xf32, #tpu.memory_space<vmem>>, vector<16xf32>,
      %get3A_329 = vector.shape_cast %get3A_328 : vector<16xf32> to vector<16xf32>
      %add3A_330 = arith.addf %add3A_321, %get3A_329 : vector<16xf32>
      %add3A_331 = arith.constant 1152 : i32
      %add3A_332 = arith.addi %add3A_249, %add3A_331 : i32
      %get3A_333 = arith.constant 0 : i32
      %get3A_334 = tpu.memref_slice %arg7[%scan3A_184, %get3A_333] : memref<1x13312xf32, #tpu.memory_space<vmem>> -> memref<1x13312xf32, #tpu.memory_space<vmem>>
      %get3A_335 = tpu.memref_squeeze %get3A_334 : memref<1x13312xf32, #tpu.memory_space<vmem>> -> memref<13312xf32, #tpu.memory_space<vmem>>
      %get3A_336 = arith.index_cast %add3A_332 : i32 to index
      %get3A_337 = tpu.vector_load %get3A_335[%get3A_336] {strides = array<i32>} : memref<13312xf32, #tpu.memory_space<vmem>>, vector<16xf32>,
      %get3A_338 = vector.shape_cast %get3A_337 : vector<16xf32> to vector<16xf32>
      %add3A_339 = arith.addf %add3A_330, %get3A_338 : vector<16xf32>
      %add3A_340 = arith.constant 1280 : i32
      %add3A_341 = arith.addi %add3A_249, %add3A_340 : i32
      %get3A_342 = arith.constant 0 : i32
      %get3A_343 = tpu.memref_slice %arg7[%scan3A_184, %get3A_342] : memref<1x13312xf32, #tpu.memory_space<vmem>> -> memref<1x13312xf32, #tpu.memory_space<vmem>>
      %get3A_344 = tpu.memref_squeeze %get3A_343 : memref<1x13312xf32, #tpu.memory_space<vmem>> -> memref<13312xf32, #tpu.memory_space<vmem>>
      %get3A_345 = arith.index_cast %add3A_341 : i32 to index
      %get3A_346 = tpu.vector_load %get3A_344[%get3A_345] {strides = array<i32>} : memref<13312xf32, #tpu.memory_space<vmem>>, vector<16xf32>,
      %get3A_347 = vector.shape_cast %get3A_346 : vector<16xf32> to vector<16xf32>
      %add3A_348 = arith.addf %add3A_339, %get3A_347 : vector<16xf32>
      %add3A_349 = arith.constant 1408 : i32
      %add3A_350 = arith.addi %add3A_249, %add3A_349 : i32
      %get3A_351 = arith.constant 0 : i32
      %get3A_352 = tpu.memref_slice %arg7[%scan3A_184, %get3A_351] : memref<1x13312xf32, #tpu.memory_space<vmem>> -> memref<1x13312xf32, #tpu.memory_space<vmem>>
      %get3A_353 = tpu.memref_squeeze %get3A_352 : memref<1x13312xf32, #tpu.memory_space<vmem>> -> memref<13312xf32, #tpu.memory_space<vmem>>
      %get3A_354 = arith.index_cast %add3A_350 : i32 to index
      %get3A_355 = tpu.vector_load %get3A_353[%get3A_354] {strides = array<i32>} : memref<13312xf32, #tpu.memory_space<vmem>>, vector<16xf32>,
      %get3A_356 = vector.shape_cast %get3A_355 : vector<16xf32> to vector<16xf32>
      %add3A_357 = arith.addf %add3A_348, %get3A_356 : vector<16xf32>
      %add3A_358 = arith.constant 1536 : i32
      %add3A_359 = arith.addi %add3A_249, %add3A_358 : i32
      %get3A_360 = arith.constant 0 : i32
      %get3A_361 = tpu.memref_slice %arg7[%scan3A_184, %get3A_360] : memref<1x13312xf32, #tpu.memory_space<vmem>> -> memref<1x13312xf32, #tpu.memory_space<vmem>>
      %get3A_362 = tpu.memref_squeeze %get3A_361 : memref<1x13312xf32, #tpu.memory_space<vmem>> -> memref<13312xf32, #tpu.memory_space<vmem>>
      %get3A_363 = arith.index_cast %add3A_359 : i32 to index
      %get3A_364 = tpu.vector_load %get3A_362[%get3A_363] {strides = array<i32>} : memref<13312xf32, #tpu.memory_space<vmem>>, vector<16xf32>,
      %get3A_365 = vector.shape_cast %get3A_364 : vector<16xf32> to vector<16xf32>
      %add3A_366 = arith.addf %add3A_357, %get3A_365 : vector<16xf32>
      %add3A_367 = arith.constant 1664 : i32
      %add3A_368 = arith.addi %add3A_249, %add3A_367 : i32
      %get3A_369 = arith.constant 0 : i32
      %get3A_370 = tpu.memref_slice %arg7[%scan3A_184, %get3A_369] : memref<1x13312xf32, #tpu.memory_space<vmem>> -> memref<1x13312xf32, #tpu.memory_space<vmem>>
      %get3A_371 = tpu.memref_squeeze %get3A_370 : memref<1x13312xf32, #tpu.memory_space<vmem>> -> memref<13312xf32, #tpu.memory_space<vmem>>
      %get3A_372 = arith.index_cast %add3A_368 : i32 to index
      %get3A_373 = tpu.vector_load %get3A_371[%get3A_372] {strides = array<i32>} : memref<13312xf32, #tpu.memory_space<vmem>>, vector<16xf32>,
      %get3A_374 = vector.shape_cast %get3A_373 : vector<16xf32> to vector<16xf32>
      %add3A_375 = arith.addf %add3A_366, %get3A_374 : vector<16xf32>
      %add3A_376 = arith.constant 1792 : i32
      %add3A_377 = arith.addi %add3A_249, %add3A_376 : i32
      %get3A_378 = arith.constant 0 : i32
      %get3A_379 = tpu.memref_slice %arg7[%scan3A_184, %get3A_378] : memref<1x13312xf32, #tpu.memory_space<vmem>> -> memref<1x13312xf32, #tpu.memory_space<vmem>>
      %get3A_380 = tpu.memref_squeeze %get3A_379 : memref<1x13312xf32, #tpu.memory_space<vmem>> -> memref<13312xf32, #tpu.memory_space<vmem>>
      %get3A_381 = arith.index_cast %add3A_377 : i32 to index
      %get3A_382 = tpu.vector_load %get3A_380[%get3A_381] {strides = array<i32>} : memref<13312xf32, #tpu.memory_space<vmem>>, vector<16xf32>,
      %get3A_383 = vector.shape_cast %get3A_382 : vector<16xf32> to vector<16xf32>
      %add3A_384 = arith.addf %add3A_375, %get3A_383 : vector<16xf32>
      %add3A_385 = arith.constant 1920 : i32
      %add3A_386 = arith.addi %add3A_249, %add3A_385 : i32
      %get3A_387 = arith.constant 0 : i32
      %get3A_388 = tpu.memref_slice %arg7[%scan3A_184, %get3A_387] : memref<1x13312xf32, #tpu.memory_space<vmem>> -> memref<1x13312xf32, #tpu.memory_space<vmem>>
      %get3A_389 = tpu.memref_squeeze %get3A_388 : memref<1x13312xf32, #tpu.memory_space<vmem>> -> memref<13312xf32, #tpu.memory_space<vmem>>
      %get3A_390 = arith.index_cast %add3A_386 : i32 to index
      %get3A_391 = tpu.vector_load %get3A_389[%get3A_390] {strides = array<i32>} : memref<13312xf32, #tpu.memory_space<vmem>>, vector<16xf32>,
      %get3A_392 = vector.shape_cast %get3A_391 : vector<16xf32> to vector<16xf32>
      %add3A_393 = arith.addf %add3A_384, %get3A_392 : vector<16xf32>
      %add3A_394 = arith.constant 2048 : i32
      %add3A_395 = arith.addi %add3A_249, %add3A_394 : i32
      %get3A_396 = arith.constant 0 : i32
      %get3A_397 = tpu.memref_slice %arg7[%scan3A_184, %get3A_396] : memref<1x13312xf32, #tpu.memory_space<vmem>> -> memref<1x13312xf32, #tpu.memory_space<vmem>>
      %get3A_398 = tpu.memref_squeeze %get3A_397 : memref<1x13312xf32, #tpu.memory_space<vmem>> -> memref<13312xf32, #tpu.memory_space<vmem>>
      %get3A_399 = arith.index_cast %add3A_395 : i32 to index
      %get3A_400 = tpu.vector_load %get3A_398[%get3A_399] {strides = array<i32>} : memref<13312xf32, #tpu.memory_space<vmem>>, vector<16xf32>,
      %get3A_401 = vector.shape_cast %get3A_400 : vector<16xf32> to vector<16xf32>
      %add3A_402 = arith.addf %add3A_393, %get3A_401 : vector<16xf32>
      %add3A_403 = arith.constant 2176 : i32
      %add3A_404 = arith.addi %add3A_249, %add3A_403 : i32
      %get3A_405 = arith.constant 0 : i32
      %get3A_406 = tpu.memref_slice %arg7[%scan3A_184, %get3A_405] : memref<1x13312xf32, #tpu.memory_space<vmem>> -> memref<1x13312xf32, #tpu.memory_space<vmem>>
      %get3A_407 = tpu.memref_squeeze %get3A_406 : memref<1x13312xf32, #tpu.memory_space<vmem>> -> memref<13312xf32, #tpu.memory_space<vmem>>
      %get3A_408 = arith.index_cast %add3A_404 : i32 to index
      %get3A_409 = tpu.vector_load %get3A_407[%get3A_408] {strides = array<i32>} : memref<13312xf32, #tpu.memory_space<vmem>>, vector<16xf32>,
      %get3A_410 = vector.shape_cast %get3A_409 : vector<16xf32> to vector<16xf32>
      %add3A_411 = arith.addf %add3A_402, %get3A_410 : vector<16xf32>
      %add3A_412 = arith.constant 2304 : i32
      %add3A_413 = arith.addi %add3A_249, %add3A_412 : i32
      %get3A_414 = arith.constant 0 : i32
      %get3A_415 = tpu.memref_slice %arg7[%scan3A_184, %get3A_414] : memref<1x13312xf32, #tpu.memory_space<vmem>> -> memref<1x13312xf32, #tpu.memory_space<vmem>>
      %get3A_416 = tpu.memref_squeeze %get3A_415 : memref<1x13312xf32, #tpu.memory_space<vmem>> -> memref<13312xf32, #tpu.memory_space<vmem>>
      %get3A_417 = arith.index_cast %add3A_413 : i32 to index
      %get3A_418 = tpu.vector_load %get3A_416[%get3A_417] {strides = array<i32>} : memref<13312xf32, #tpu.memory_space<vmem>>, vector<16xf32>,
      %get3A_419 = vector.shape_cast %get3A_418 : vector<16xf32> to vector<16xf32>
      %add3A_420 = arith.addf %add3A_411, %get3A_419 : vector<16xf32>
      %add3A_421 = arith.constant 2432 : i32
      %add3A_422 = arith.addi %add3A_249, %add3A_421 : i32
      %get3A_423 = arith.constant 0 : i32
      %get3A_424 = tpu.memref_slice %arg7[%scan3A_184, %get3A_423] : memref<1x13312xf32, #tpu.memory_space<vmem>> -> memref<1x13312xf32, #tpu.memory_space<vmem>>
      %get3A_425 = tpu.memref_squeeze %get3A_424 : memref<1x13312xf32, #tpu.memory_space<vmem>> -> memref<13312xf32, #tpu.memory_space<vmem>>
      %get3A_426 = arith.index_cast %add3A_422 : i32 to index
      %get3A_427 = tpu.vector_load %get3A_425[%get3A_426] {strides = array<i32>} : memref<13312xf32, #tpu.memory_space<vmem>>, vector<16xf32>,
      %get3A_428 = vector.shape_cast %get3A_427 : vector<16xf32> to vector<16xf32>
      %add3A_429 = arith.addf %add3A_420, %get3A_428 : vector<16xf32>
      %add3A_430 = arith.constant 2560 : i32
      %add3A_431 = arith.addi %add3A_249, %add3A_430 : i32
      %get3A_432 = arith.constant 0 : i32
      %get3A_433 = tpu.memref_slice %arg7[%scan3A_184, %get3A_432] : memref<1x13312xf32, #tpu.memory_space<vmem>> -> memref<1x13312xf32, #tpu.memory_space<vmem>>
      %get3A_434 = tpu.memref_squeeze %get3A_433 : memref<1x13312xf32, #tpu.memory_space<vmem>> -> memref<13312xf32, #tpu.memory_space<vmem>>
      %get3A_435 = arith.index_cast %add3A_431 : i32 to index
      %get3A_436 = tpu.vector_load %get3A_434[%get3A_435] {strides = array<i32>} : memref<13312xf32, #tpu.memory_space<vmem>>, vector<16xf32>,
      %get3A_437 = vector.shape_cast %get3A_436 : vector<16xf32> to vector<16xf32>
      %add3A_438 = arith.addf %add3A_429, %get3A_437 : vector<16xf32>
      %add3A_439 = arith.constant 2688 : i32
      %add3A_440 = arith.addi %add3A_249, %add3A_439 : i32
      %get3A_441 = arith.constant 0 : i32
      %get3A_442 = tpu.memref_slice %arg7[%scan3A_184, %get3A_441] : memref<1x13312xf32, #tpu.memory_space<vmem>> -> memref<1x13312xf32, #tpu.memory_space<vmem>>
      %get3A_443 = tpu.memref_squeeze %get3A_442 : memref<1x13312xf32, #tpu.memory_space<vmem>> -> memref<13312xf32, #tpu.memory_space<vmem>>
      %get3A_444 = arith.index_cast %add3A_440 : i32 to index
      %get3A_445 = tpu.vector_load %get3A_443[%get3A_444] {strides = array<i32>} : memref<13312xf32, #tpu.memory_space<vmem>>, vector<16xf32>,
      %get3A_446 = vector.shape_cast %get3A_445 : vector<16xf32> to vector<16xf32>
      %add3A_447 = arith.addf %add3A_438, %get3A_446 : vector<16xf32>
      %add3A_448 = arith.constant 2816 : i32
      %add3A_449 = arith.addi %add3A_249, %add3A_448 : i32
      %get3A_450 = arith.constant 0 : i32
      %get3A_451 = tpu.memref_slice %arg7[%scan3A_184, %get3A_450] : memref<1x13312xf32, #tpu.memory_space<vmem>> -> memref<1x13312xf32, #tpu.memory_space<vmem>>
      %get3A_452 = tpu.memref_squeeze %get3A_451 : memref<1x13312xf32, #tpu.memory_space<vmem>> -> memref<13312xf32, #tpu.memory_space<vmem>>
      %get3A_453 = arith.index_cast %add3A_449 : i32 to index
      %get3A_454 = tpu.vector_load %get3A_452[%get3A_453] {strides = array<i32>} : memref<13312xf32, #tpu.memory_space<vmem>>, vector<16xf32>,
      %get3A_455 = vector.shape_cast %get3A_454 : vector<16xf32> to vector<16xf32>
      %add3A_456 = arith.addf %add3A_447, %get3A_455 : vector<16xf32>
      %add3A_457 = arith.constant 2944 : i32
      %add3A_458 = arith.addi %add3A_249, %add3A_457 : i32
      %get3A_459 = arith.constant 0 : i32
      %get3A_460 = tpu.memref_slice %arg7[%scan3A_184, %get3A_459] : memref<1x13312xf32, #tpu.memory_space<vmem>> -> memref<1x13312xf32, #tpu.memory_space<vmem>>
      %get3A_461 = tpu.memref_squeeze %get3A_460 : memref<1x13312xf32, #tpu.memory_space<vmem>> -> memref<13312xf32, #tpu.memory_space<vmem>>
      %get3A_462 = arith.index_cast %add3A_458 : i32 to index
      %get3A_463 = tpu.vector_load %get3A_461[%get3A_462] {strides = array<i32>} : memref<13312xf32, #tpu.memory_space<vmem>>, vector<16xf32>,
      %get3A_464 = vector.shape_cast %get3A_463 : vector<16xf32> to vector<16xf32>
      %add3A_465 = arith.addf %add3A_456, %get3A_464 : vector<16xf32>
      %add3A_466 = arith.constant 3072 : i32
      %add3A_467 = arith.addi %add3A_249, %add3A_466 : i32
      %get3A_468 = arith.constant 0 : i32
      %get3A_469 = tpu.memref_slice %arg7[%scan3A_184, %get3A_468] : memref<1x13312xf32, #tpu.memory_space<vmem>> -> memref<1x13312xf32, #tpu.memory_space<vmem>>
      %get3A_470 = tpu.memref_squeeze %get3A_469 : memref<1x13312xf32, #tpu.memory_space<vmem>> -> memref<13312xf32, #tpu.memory_space<vmem>>
      %get3A_471 = arith.index_cast %add3A_467 : i32 to index
      %get3A_472 = tpu.vector_load %get3A_470[%get3A_471] {strides = array<i32>} : memref<13312xf32, #tpu.memory_space<vmem>>, vector<16xf32>,
      %get3A_473 = vector.shape_cast %get3A_472 : vector<16xf32> to vector<16xf32>
      %add3A_474 = arith.addf %add3A_465, %get3A_473 : vector<16xf32>
      %add3A_475 = arith.constant 3200 : i32
      %add3A_476 = arith.addi %add3A_249, %add3A_475 : i32
      %get3A_477 = arith.constant 0 : i32
      %get3A_478 = tpu.memref_slice %arg7[%scan3A_184, %get3A_477] : memref<1x13312xf32, #tpu.memory_space<vmem>> -> memref<1x13312xf32, #tpu.memory_space<vmem>>
      %get3A_479 = tpu.memref_squeeze %get3A_478 : memref<1x13312xf32, #tpu.memory_space<vmem>> -> memref<13312xf32, #tpu.memory_space<vmem>>
      %get3A_480 = arith.index_cast %add3A_476 : i32 to index
      %get3A_481 = tpu.vector_load %get3A_479[%get3A_480] {strides = array<i32>} : memref<13312xf32, #tpu.memory_space<vmem>>, vector<16xf32>,
      %get3A_482 = vector.shape_cast %get3A_481 : vector<16xf32> to vector<16xf32>
      %add3A_483 = arith.addf %add3A_474, %get3A_482 : vector<16xf32>
      %neg3A = arith.constant 0.000000e+00 : f32
      %neg3A_484 = vector.broadcast %neg3A : f32 to vector<16xf32>
      %neg3A_485 = arith.subf %neg3A_484, %add3A_483 : vector<16xf32>
      %exp3A = math.exp %neg3A_485 : vector<16xf32>
      %add3A_486 = arith.constant 1.000000e+00 : f32
      %add3A_487 = vector.broadcast %add3A_486 : f32 to vector<16xf32>
      %add3A_488 = arith.addf %add3A_487, %exp3A : vector<16xf32>
      %div3A = arith.constant 1.000000e+00 : f32
      %div3A_489 = vector.broadcast %div3A : f32 to vector<16xf32>
      %div3A_490 = arith.divf %div3A_489, %add3A_488 : vector<16xf32>
      %mul3A_491 = arith.constant 16 : i32
      %mul3A_492 = arith.muli %scan3A_244, %mul3A_491 : i32
      %add3A_493 = arith.constant 128 : i32
      %add3A_494 = arith.addi %add3A_493, %mul3A_492 : i32
      %swap3A = arith.index_cast %add3A_494 : i32 to index
      %swap3A_495 = tpu.vector_load %arg9[%swap3A] {strides = array<i32>} : memref<512xf32, #tpu.memory_space<vmem>>, vector<16xf32>,
      %swap3A_496 = vector.shape_cast %swap3A_495 : vector<16xf32> to vector<16xf32>
      %swap3A_497 = vector.shape_cast %div3A_490 : vector<16xf32> to vector<16xf32>
      tpu.vector_store %arg9[%swap3A], %swap3A_497 {strides = array<i32>} : memref<512xf32, #tpu.memory_space<vmem>>, vector<16xf32>,
      %scan3A_498 = arith.constant 0 : i32
      scf.yield %scan3A_498 : i32
    }
    %scan3A_191 = arith.constant 8 : i32
    %mul3A_192 = arith.constant 512 : i32
    %mul3A_193 = arith.muli %add3A, %mul3A_192 : i32
    %add3A_194 = arith.constant 128 : i32
    %add3A_195 = arith.addi %mul3A_193, %add3A_194 : i32
    "tpu.region"() ({
      %run_scoped3A = tpu.sem_alloc : memref<!tpu.dma_semaphore, #tpu.memory_space<semaphore_mem>>
      %dma_start3A_244 = arith.constant 128 : i32
      %dma_start3A_245 = tpu.memref_slice %arg9[%dma_start3A_244] : memref<512xf32, #tpu.memory_space<vmem>> -> memref<128xf32, #tpu.memory_space<vmem>>
      %dma_start3A_246 = tpu.memref_slice %arg5[%add3A_195] : memref<16384xf32, #tpu.memory_space<hbm>> -> memref<128xf32, #tpu.memory_space<hbm>>
      %dma_start3A_247 = tpu.memref_slice %arg5[%add3A_195] : memref<16384xf32, #tpu.memory_space<hbm>> -> memref<128xf32, #tpu.memory_space<hbm>>
      %dma_start3A_248 = arith.constant 128 : i32
      %dma_start3A_249 = tpu.memref_slice %arg9[%dma_start3A_248] : memref<512xf32, #tpu.memory_space<vmem>> -> memref<128xf32, #tpu.memory_space<vmem>>
      tpu.enqueue_dma source(%dma_start3A_249 : memref<128xf32, #tpu.memory_space<vmem>>) target(%dma_start3A_247 : memref<128xf32, #tpu.memory_space<hbm>>) target_semaphore(%run_scoped3A : memref<!tpu.dma_semaphore, #tpu.memory_space<semaphore_mem>>)
      %dma_wait3A_250 = arith.constant 128 : i32
      %dma_wait3A_251 = tpu.memref_slice %arg9[%dma_wait3A_250] : memref<512xf32, #tpu.memory_space<vmem>> -> memref<128xf32, #tpu.memory_space<vmem>>
      %dma_wait3A_252 = tpu.memref_slice %arg5[%add3A_195] : memref<16384xf32, #tpu.memory_space<hbm>> -> memref<128xf32, #tpu.memory_space<hbm>>
      %dma_wait3A_253 = tpu.memref_slice %arg5[%add3A_195] : memref<16384xf32, #tpu.memory_space<hbm>> -> memref<128xf32, #tpu.memory_space<hbm>>
      %dma_wait3A_254 = arith.constant 128 : i32
      %dma_wait3A_255 = tpu.memref_slice %arg9[%dma_wait3A_254] : memref<512xf32, #tpu.memory_space<vmem>> -> memref<128xf32, #tpu.memory_space<vmem>>
      tpu.wait_dma2 semaphore(%run_scoped3A : memref<!tpu.dma_semaphore, #tpu.memory_space<semaphore_mem>>) src(%dma_wait3A_255 : memref<128xf32, #tpu.memory_space<vmem>>) dst(%dma_wait3A_253 : memref<128xf32, #tpu.memory_space<hbm>>)
      tpu.yield
    }) : () -> ()
    %dma_wait3A_196 = arith.constant 0 : i32
    %dma_wait3A_197 = arith.constant 6656 : i32
    %dma_wait3A_198 = tpu.memref_slice %arg7[%dma_wait3A_196, %dma_wait3A_197] : memref<1x13312xf32, #tpu.memory_space<vmem>> -> memref<1x3328xf32, #tpu.memory_space<vmem>>
    %dma_wait3A_199 = arith.constant 0 : i32
    %dma_wait3A_200 = arith.constant 0 : i32
    %dma_wait3A_201 = tpu.memref_slice %arg3[%dma_wait3A_199, %dma_wait3A_200] : memref<1x999986xf32, #tpu.memory_space<hbm>> -> memref<1x3328xf32, #tpu.memory_space<hbm>>
    %dma_wait3A_202 = arith.constant 0 : i32
    %dma_wait3A_203 = arith.constant 6656 : i32
    %dma_wait3A_204 = tpu.memref_slice %arg7[%dma_wait3A_202, %dma_wait3A_203] : memref<1x13312xf32, #tpu.memory_space<vmem>> -> memref<1x3328xf32, #tpu.memory_space<vmem>>
    %dma_wait3A_205 = arith.constant 0 : i32
    %dma_wait3A_206 = arith.constant 0 : i32
    %dma_wait3A_207 = tpu.memref_slice %arg3[%dma_wait3A_205, %dma_wait3A_206] : memref<1x999986xf32, #tpu.memory_space<hbm>> -> memref<1x3328xf32, #tpu.memory_space<hbm>>
    tpu.wait_dma2 semaphore(%arg12 : memref<!tpu.dma_semaphore, #tpu.memory_space<semaphore_mem>>) src(%dma_wait3A_207 : memref<1x3328xf32, #tpu.memory_space<hbm>>) dst(%dma_wait3A_204 : memref<1x3328xf32, #tpu.memory_space<vmem>>)
    %scan3A_208 = arith.constant 0 : i32
    %scan3A_209 = arith.constant 0 : i32
    %scan3A_210 = arith.constant 0 : i32
    %scan3A_211 = arith.constant 8 : i32
    %scan3A_212 = arith.addi %scan3A_210, %scan3A_211 : i32
    %scan3A_213 = arith.constant 1 : i32
    %scan3A_214 = scf.for %scan3A_244 = %scan3A_210 to %scan3A_212 step %scan3A_213 iter_args(%scan3A_245 = %scan3A_209) -> (i32)  : i32 {
      %mul3A_246 = arith.constant 16 : i32
      %mul3A_247 = arith.muli %scan3A_244, %mul3A_246 : i32
      %add3A_248 = arith.constant 6656 : i32
      %add3A_249 = arith.addi %add3A_248, %mul3A_247 : i32
      %add3A_250 = arith.constant 0 : i32
      %add3A_251 = arith.addi %add3A_249, %add3A_250 : i32
      %get3A_252 = arith.constant 0 : i32
      %get3A_253 = tpu.memref_slice %arg7[%scan3A_208, %get3A_252] : memref<1x13312xf32, #tpu.memory_space<vmem>> -> memref<1x13312xf32, #tpu.memory_space<vmem>>
      %get3A_254 = tpu.memref_squeeze %get3A_253 : memref<1x13312xf32, #tpu.memory_space<vmem>> -> memref<13312xf32, #tpu.memory_space<vmem>>
      %get3A_255 = arith.index_cast %add3A_251 : i32 to index
      %get3A_256 = tpu.vector_load %get3A_254[%get3A_255] {strides = array<i32>} : memref<13312xf32, #tpu.memory_space<vmem>>, vector<16xf32>,
      %get3A_257 = vector.shape_cast %get3A_256 : vector<16xf32> to vector<16xf32>
      %add3A_258 = arith.addf %get3A_147, %get3A_257 : vector<16xf32>
      %add3A_259 = arith.constant 128 : i32
      %add3A_260 = arith.addi %add3A_249, %add3A_259 : i32
      %get3A_261 = arith.constant 0 : i32
      %get3A_262 = tpu.memref_slice %arg7[%scan3A_208, %get3A_261] : memref<1x13312xf32, #tpu.memory_space<vmem>> -> memref<1x13312xf32, #tpu.memory_space<vmem>>
      %get3A_263 = tpu.memref_squeeze %get3A_262 : memref<1x13312xf32, #tpu.memory_space<vmem>> -> memref<13312xf32, #tpu.memory_space<vmem>>
      %get3A_264 = arith.index_cast %add3A_260 : i32 to index
      %get3A_265 = tpu.vector_load %get3A_263[%get3A_264] {strides = array<i32>} : memref<13312xf32, #tpu.memory_space<vmem>>, vector<16xf32>,
      %get3A_266 = vector.shape_cast %get3A_265 : vector<16xf32> to vector<16xf32>
      %add3A_267 = arith.addf %add3A_258, %get3A_266 : vector<16xf32>
      %add3A_268 = arith.constant 256 : i32
      %add3A_269 = arith.addi %add3A_249, %add3A_268 : i32
      %get3A_270 = arith.constant 0 : i32
      %get3A_271 = tpu.memref_slice %arg7[%scan3A_208, %get3A_270] : memref<1x13312xf32, #tpu.memory_space<vmem>> -> memref<1x13312xf32, #tpu.memory_space<vmem>>
      %get3A_272 = tpu.memref_squeeze %get3A_271 : memref<1x13312xf32, #tpu.memory_space<vmem>> -> memref<13312xf32, #tpu.memory_space<vmem>>
      %get3A_273 = arith.index_cast %add3A_269 : i32 to index
      %get3A_274 = tpu.vector_load %get3A_272[%get3A_273] {strides = array<i32>} : memref<13312xf32, #tpu.memory_space<vmem>>, vector<16xf32>,
      %get3A_275 = vector.shape_cast %get3A_274 : vector<16xf32> to vector<16xf32>
      %add3A_276 = arith.addf %add3A_267, %get3A_275 : vector<16xf32>
      %add3A_277 = arith.constant 384 : i32
      %add3A_278 = arith.addi %add3A_249, %add3A_277 : i32
      %get3A_279 = arith.constant 0 : i32
      %get3A_280 = tpu.memref_slice %arg7[%scan3A_208, %get3A_279] : memref<1x13312xf32, #tpu.memory_space<vmem>> -> memref<1x13312xf32, #tpu.memory_space<vmem>>
      %get3A_281 = tpu.memref_squeeze %get3A_280 : memref<1x13312xf32, #tpu.memory_space<vmem>> -> memref<13312xf32, #tpu.memory_space<vmem>>
      %get3A_282 = arith.index_cast %add3A_278 : i32 to index
      %get3A_283 = tpu.vector_load %get3A_281[%get3A_282] {strides = array<i32>} : memref<13312xf32, #tpu.memory_space<vmem>>, vector<16xf32>,
      %get3A_284 = vector.shape_cast %get3A_283 : vector<16xf32> to vector<16xf32>
      %add3A_285 = arith.addf %add3A_276, %get3A_284 : vector<16xf32>
      %add3A_286 = arith.constant 512 : i32
      %add3A_287 = arith.addi %add3A_249, %add3A_286 : i32
      %get3A_288 = arith.constant 0 : i32
      %get3A_289 = tpu.memref_slice %arg7[%scan3A_208, %get3A_288] : memref<1x13312xf32, #tpu.memory_space<vmem>> -> memref<1x13312xf32, #tpu.memory_space<vmem>>
      %get3A_290 = tpu.memref_squeeze %get3A_289 : memref<1x13312xf32, #tpu.memory_space<vmem>> -> memref<13312xf32, #tpu.memory_space<vmem>>
      %get3A_291 = arith.index_cast %add3A_287 : i32 to index
      %get3A_292 = tpu.vector_load %get3A_290[%get3A_291] {strides = array<i32>} : memref<13312xf32, #tpu.memory_space<vmem>>, vector<16xf32>,
      %get3A_293 = vector.shape_cast %get3A_292 : vector<16xf32> to vector<16xf32>
      %add3A_294 = arith.addf %add3A_285, %get3A_293 : vector<16xf32>
      %add3A_295 = arith.constant 640 : i32
      %add3A_296 = arith.addi %add3A_249, %add3A_295 : i32
      %get3A_297 = arith.constant 0 : i32
      %get3A_298 = tpu.memref_slice %arg7[%scan3A_208, %get3A_297] : memref<1x13312xf32, #tpu.memory_space<vmem>> -> memref<1x13312xf32, #tpu.memory_space<vmem>>
      %get3A_299 = tpu.memref_squeeze %get3A_298 : memref<1x13312xf32, #tpu.memory_space<vmem>> -> memref<13312xf32, #tpu.memory_space<vmem>>
      %get3A_300 = arith.index_cast %add3A_296 : i32 to index
      %get3A_301 = tpu.vector_load %get3A_299[%get3A_300] {strides = array<i32>} : memref<13312xf32, #tpu.memory_space<vmem>>, vector<16xf32>,
      %get3A_302 = vector.shape_cast %get3A_301 : vector<16xf32> to vector<16xf32>
      %add3A_303 = arith.addf %add3A_294, %get3A_302 : vector<16xf32>
      %add3A_304 = arith.constant 768 : i32
      %add3A_305 = arith.addi %add3A_249, %add3A_304 : i32
      %get3A_306 = arith.constant 0 : i32
      %get3A_307 = tpu.memref_slice %arg7[%scan3A_208, %get3A_306] : memref<1x13312xf32, #tpu.memory_space<vmem>> -> memref<1x13312xf32, #tpu.memory_space<vmem>>
      %get3A_308 = tpu.memref_squeeze %get3A_307 : memref<1x13312xf32, #tpu.memory_space<vmem>> -> memref<13312xf32, #tpu.memory_space<vmem>>
      %get3A_309 = arith.index_cast %add3A_305 : i32 to index
      %get3A_310 = tpu.vector_load %get3A_308[%get3A_309] {strides = array<i32>} : memref<13312xf32, #tpu.memory_space<vmem>>, vector<16xf32>,
      %get3A_311 = vector.shape_cast %get3A_310 : vector<16xf32> to vector<16xf32>
      %add3A_312 = arith.addf %add3A_303, %get3A_311 : vector<16xf32>
      %add3A_313 = arith.constant 896 : i32
      %add3A_314 = arith.addi %add3A_249, %add3A_313 : i32
      %get3A_315 = arith.constant 0 : i32
      %get3A_316 = tpu.memref_slice %arg7[%scan3A_208, %get3A_315] : memref<1x13312xf32, #tpu.memory_space<vmem>> -> memref<1x13312xf32, #tpu.memory_space<vmem>>
      %get3A_317 = tpu.memref_squeeze %get3A_316 : memref<1x13312xf32, #tpu.memory_space<vmem>> -> memref<13312xf32, #tpu.memory_space<vmem>>
      %get3A_318 = arith.index_cast %add3A_314 : i32 to index
      %get3A_319 = tpu.vector_load %get3A_317[%get3A_318] {strides = array<i32>} : memref<13312xf32, #tpu.memory_space<vmem>>, vector<16xf32>,
      %get3A_320 = vector.shape_cast %get3A_319 : vector<16xf32> to vector<16xf32>
      %add3A_321 = arith.addf %add3A_312, %get3A_320 : vector<16xf32>
      %add3A_322 = arith.constant 1024 : i32
      %add3A_323 = arith.addi %add3A_249, %add3A_322 : i32
      %get3A_324 = arith.constant 0 : i32
      %get3A_325 = tpu.memref_slice %arg7[%scan3A_208, %get3A_324] : memref<1x13312xf32, #tpu.memory_space<vmem>> -> memref<1x13312xf32, #tpu.memory_space<vmem>>
      %get3A_326 = tpu.memref_squeeze %get3A_325 : memref<1x13312xf32, #tpu.memory_space<vmem>> -> memref<13312xf32, #tpu.memory_space<vmem>>
      %get3A_327 = arith.index_cast %add3A_323 : i32 to index
      %get3A_328 = tpu.vector_load %get3A_326[%get3A_327] {strides = array<i32>} : memref<13312xf32, #tpu.memory_space<vmem>>, vector<16xf32>,
      %get3A_329 = vector.shape_cast %get3A_328 : vector<16xf32> to vector<16xf32>
      %add3A_330 = arith.addf %add3A_321, %get3A_329 : vector<16xf32>
      %add3A_331 = arith.constant 1152 : i32
      %add3A_332 = arith.addi %add3A_249, %add3A_331 : i32
      %get3A_333 = arith.constant 0 : i32
      %get3A_334 = tpu.memref_slice %arg7[%scan3A_208, %get3A_333] : memref<1x13312xf32, #tpu.memory_space<vmem>> -> memref<1x13312xf32, #tpu.memory_space<vmem>>
      %get3A_335 = tpu.memref_squeeze %get3A_334 : memref<1x13312xf32, #tpu.memory_space<vmem>> -> memref<13312xf32, #tpu.memory_space<vmem>>
      %get3A_336 = arith.index_cast %add3A_332 : i32 to index
      %get3A_337 = tpu.vector_load %get3A_335[%get3A_336] {strides = array<i32>} : memref<13312xf32, #tpu.memory_space<vmem>>, vector<16xf32>,
      %get3A_338 = vector.shape_cast %get3A_337 : vector<16xf32> to vector<16xf32>
      %add3A_339 = arith.addf %add3A_330, %get3A_338 : vector<16xf32>
      %add3A_340 = arith.constant 1280 : i32
      %add3A_341 = arith.addi %add3A_249, %add3A_340 : i32
      %get3A_342 = arith.constant 0 : i32
      %get3A_343 = tpu.memref_slice %arg7[%scan3A_208, %get3A_342] : memref<1x13312xf32, #tpu.memory_space<vmem>> -> memref<1x13312xf32, #tpu.memory_space<vmem>>
      %get3A_344 = tpu.memref_squeeze %get3A_343 : memref<1x13312xf32, #tpu.memory_space<vmem>> -> memref<13312xf32, #tpu.memory_space<vmem>>
      %get3A_345 = arith.index_cast %add3A_341 : i32 to index
      %get3A_346 = tpu.vector_load %get3A_344[%get3A_345] {strides = array<i32>} : memref<13312xf32, #tpu.memory_space<vmem>>, vector<16xf32>,
      %get3A_347 = vector.shape_cast %get3A_346 : vector<16xf32> to vector<16xf32>
      %add3A_348 = arith.addf %add3A_339, %get3A_347 : vector<16xf32>
      %add3A_349 = arith.constant 1408 : i32
      %add3A_350 = arith.addi %add3A_249, %add3A_349 : i32
      %get3A_351 = arith.constant 0 : i32
      %get3A_352 = tpu.memref_slice %arg7[%scan3A_208, %get3A_351] : memref<1x13312xf32, #tpu.memory_space<vmem>> -> memref<1x13312xf32, #tpu.memory_space<vmem>>
      %get3A_353 = tpu.memref_squeeze %get3A_352 : memref<1x13312xf32, #tpu.memory_space<vmem>> -> memref<13312xf32, #tpu.memory_space<vmem>>
      %get3A_354 = arith.index_cast %add3A_350 : i32 to index
      %get3A_355 = tpu.vector_load %get3A_353[%get3A_354] {strides = array<i32>} : memref<13312xf32, #tpu.memory_space<vmem>>, vector<16xf32>,
      %get3A_356 = vector.shape_cast %get3A_355 : vector<16xf32> to vector<16xf32>
      %add3A_357 = arith.addf %add3A_348, %get3A_356 : vector<16xf32>
      %add3A_358 = arith.constant 1536 : i32
      %add3A_359 = arith.addi %add3A_249, %add3A_358 : i32
      %get3A_360 = arith.constant 0 : i32
      %get3A_361 = tpu.memref_slice %arg7[%scan3A_208, %get3A_360] : memref<1x13312xf32, #tpu.memory_space<vmem>> -> memref<1x13312xf32, #tpu.memory_space<vmem>>
      %get3A_362 = tpu.memref_squeeze %get3A_361 : memref<1x13312xf32, #tpu.memory_space<vmem>> -> memref<13312xf32, #tpu.memory_space<vmem>>
      %get3A_363 = arith.index_cast %add3A_359 : i32 to index
      %get3A_364 = tpu.vector_load %get3A_362[%get3A_363] {strides = array<i32>} : memref<13312xf32, #tpu.memory_space<vmem>>, vector<16xf32>,
      %get3A_365 = vector.shape_cast %get3A_364 : vector<16xf32> to vector<16xf32>
      %add3A_366 = arith.addf %add3A_357, %get3A_365 : vector<16xf32>
      %add3A_367 = arith.constant 1664 : i32
      %add3A_368 = arith.addi %add3A_249, %add3A_367 : i32
      %get3A_369 = arith.constant 0 : i32
      %get3A_370 = tpu.memref_slice %arg7[%scan3A_208, %get3A_369] : memref<1x13312xf32, #tpu.memory_space<vmem>> -> memref<1x13312xf32, #tpu.memory_space<vmem>>
      %get3A_371 = tpu.memref_squeeze %get3A_370 : memref<1x13312xf32, #tpu.memory_space<vmem>> -> memref<13312xf32, #tpu.memory_space<vmem>>
      %get3A_372 = arith.index_cast %add3A_368 : i32 to index
      %get3A_373 = tpu.vector_load %get3A_371[%get3A_372] {strides = array<i32>} : memref<13312xf32, #tpu.memory_space<vmem>>, vector<16xf32>,
      %get3A_374 = vector.shape_cast %get3A_373 : vector<16xf32> to vector<16xf32>
      %add3A_375 = arith.addf %add3A_366, %get3A_374 : vector<16xf32>
      %add3A_376 = arith.constant 1792 : i32
      %add3A_377 = arith.addi %add3A_249, %add3A_376 : i32
      %get3A_378 = arith.constant 0 : i32
      %get3A_379 = tpu.memref_slice %arg7[%scan3A_208, %get3A_378] : memref<1x13312xf32, #tpu.memory_space<vmem>> -> memref<1x13312xf32, #tpu.memory_space<vmem>>
      %get3A_380 = tpu.memref_squeeze %get3A_379 : memref<1x13312xf32, #tpu.memory_space<vmem>> -> memref<13312xf32, #tpu.memory_space<vmem>>
      %get3A_381 = arith.index_cast %add3A_377 : i32 to index
      %get3A_382 = tpu.vector_load %get3A_380[%get3A_381] {strides = array<i32>} : memref<13312xf32, #tpu.memory_space<vmem>>, vector<16xf32>,
      %get3A_383 = vector.shape_cast %get3A_382 : vector<16xf32> to vector<16xf32>
      %add3A_384 = arith.addf %add3A_375, %get3A_383 : vector<16xf32>
      %add3A_385 = arith.constant 1920 : i32
      %add3A_386 = arith.addi %add3A_249, %add3A_385 : i32
      %get3A_387 = arith.constant 0 : i32
      %get3A_388 = tpu.memref_slice %arg7[%scan3A_208, %get3A_387] : memref<1x13312xf32, #tpu.memory_space<vmem>> -> memref<1x13312xf32, #tpu.memory_space<vmem>>
      %get3A_389 = tpu.memref_squeeze %get3A_388 : memref<1x13312xf32, #tpu.memory_space<vmem>> -> memref<13312xf32, #tpu.memory_space<vmem>>
      %get3A_390 = arith.index_cast %add3A_386 : i32 to index
      %get3A_391 = tpu.vector_load %get3A_389[%get3A_390] {strides = array<i32>} : memref<13312xf32, #tpu.memory_space<vmem>>, vector<16xf32>,
      %get3A_392 = vector.shape_cast %get3A_391 : vector<16xf32> to vector<16xf32>
      %add3A_393 = arith.addf %add3A_384, %get3A_392 : vector<16xf32>
      %add3A_394 = arith.constant 2048 : i32
      %add3A_395 = arith.addi %add3A_249, %add3A_394 : i32
      %get3A_396 = arith.constant 0 : i32
      %get3A_397 = tpu.memref_slice %arg7[%scan3A_208, %get3A_396] : memref<1x13312xf32, #tpu.memory_space<vmem>> -> memref<1x13312xf32, #tpu.memory_space<vmem>>
      %get3A_398 = tpu.memref_squeeze %get3A_397 : memref<1x13312xf32, #tpu.memory_space<vmem>> -> memref<13312xf32, #tpu.memory_space<vmem>>
      %get3A_399 = arith.index_cast %add3A_395 : i32 to index
      %get3A_400 = tpu.vector_load %get3A_398[%get3A_399] {strides = array<i32>} : memref<13312xf32, #tpu.memory_space<vmem>>, vector<16xf32>,
      %get3A_401 = vector.shape_cast %get3A_400 : vector<16xf32> to vector<16xf32>
      %add3A_402 = arith.addf %add3A_393, %get3A_401 : vector<16xf32>
      %add3A_403 = arith.constant 2176 : i32
      %add3A_404 = arith.addi %add3A_249, %add3A_403 : i32
      %get3A_405 = arith.constant 0 : i32
      %get3A_406 = tpu.memref_slice %arg7[%scan3A_208, %get3A_405] : memref<1x13312xf32, #tpu.memory_space<vmem>> -> memref<1x13312xf32, #tpu.memory_space<vmem>>
      %get3A_407 = tpu.memref_squeeze %get3A_406 : memref<1x13312xf32, #tpu.memory_space<vmem>> -> memref<13312xf32, #tpu.memory_space<vmem>>
      %get3A_408 = arith.index_cast %add3A_404 : i32 to index
      %get3A_409 = tpu.vector_load %get3A_407[%get3A_408] {strides = array<i32>} : memref<13312xf32, #tpu.memory_space<vmem>>, vector<16xf32>,
      %get3A_410 = vector.shape_cast %get3A_409 : vector<16xf32> to vector<16xf32>
      %add3A_411 = arith.addf %add3A_402, %get3A_410 : vector<16xf32>
      %add3A_412 = arith.constant 2304 : i32
      %add3A_413 = arith.addi %add3A_249, %add3A_412 : i32
      %get3A_414 = arith.constant 0 : i32
      %get3A_415 = tpu.memref_slice %arg7[%scan3A_208, %get3A_414] : memref<1x13312xf32, #tpu.memory_space<vmem>> -> memref<1x13312xf32, #tpu.memory_space<vmem>>
      %get3A_416 = tpu.memref_squeeze %get3A_415 : memref<1x13312xf32, #tpu.memory_space<vmem>> -> memref<13312xf32, #tpu.memory_space<vmem>>
      %get3A_417 = arith.index_cast %add3A_413 : i32 to index
      %get3A_418 = tpu.vector_load %get3A_416[%get3A_417] {strides = array<i32>} : memref<13312xf32, #tpu.memory_space<vmem>>, vector<16xf32>,
      %get3A_419 = vector.shape_cast %get3A_418 : vector<16xf32> to vector<16xf32>
      %add3A_420 = arith.addf %add3A_411, %get3A_419 : vector<16xf32>
      %add3A_421 = arith.constant 2432 : i32
      %add3A_422 = arith.addi %add3A_249, %add3A_421 : i32
      %get3A_423 = arith.constant 0 : i32
      %get3A_424 = tpu.memref_slice %arg7[%scan3A_208, %get3A_423] : memref<1x13312xf32, #tpu.memory_space<vmem>> -> memref<1x13312xf32, #tpu.memory_space<vmem>>
      %get3A_425 = tpu.memref_squeeze %get3A_424 : memref<1x13312xf32, #tpu.memory_space<vmem>> -> memref<13312xf32, #tpu.memory_space<vmem>>
      %get3A_426 = arith.index_cast %add3A_422 : i32 to index
      %get3A_427 = tpu.vector_load %get3A_425[%get3A_426] {strides = array<i32>} : memref<13312xf32, #tpu.memory_space<vmem>>, vector<16xf32>,
      %get3A_428 = vector.shape_cast %get3A_427 : vector<16xf32> to vector<16xf32>
      %add3A_429 = arith.addf %add3A_420, %get3A_428 : vector<16xf32>
      %add3A_430 = arith.constant 2560 : i32
      %add3A_431 = arith.addi %add3A_249, %add3A_430 : i32
      %get3A_432 = arith.constant 0 : i32
      %get3A_433 = tpu.memref_slice %arg7[%scan3A_208, %get3A_432] : memref<1x13312xf32, #tpu.memory_space<vmem>> -> memref<1x13312xf32, #tpu.memory_space<vmem>>
      %get3A_434 = tpu.memref_squeeze %get3A_433 : memref<1x13312xf32, #tpu.memory_space<vmem>> -> memref<13312xf32, #tpu.memory_space<vmem>>
      %get3A_435 = arith.index_cast %add3A_431 : i32 to index
      %get3A_436 = tpu.vector_load %get3A_434[%get3A_435] {strides = array<i32>} : memref<13312xf32, #tpu.memory_space<vmem>>, vector<16xf32>,
      %get3A_437 = vector.shape_cast %get3A_436 : vector<16xf32> to vector<16xf32>
      %add3A_438 = arith.addf %add3A_429, %get3A_437 : vector<16xf32>
      %add3A_439 = arith.constant 2688 : i32
      %add3A_440 = arith.addi %add3A_249, %add3A_439 : i32
      %get3A_441 = arith.constant 0 : i32
      %get3A_442 = tpu.memref_slice %arg7[%scan3A_208, %get3A_441] : memref<1x13312xf32, #tpu.memory_space<vmem>> -> memref<1x13312xf32, #tpu.memory_space<vmem>>
      %get3A_443 = tpu.memref_squeeze %get3A_442 : memref<1x13312xf32, #tpu.memory_space<vmem>> -> memref<13312xf32, #tpu.memory_space<vmem>>
      %get3A_444 = arith.index_cast %add3A_440 : i32 to index
      %get3A_445 = tpu.vector_load %get3A_443[%get3A_444] {strides = array<i32>} : memref<13312xf32, #tpu.memory_space<vmem>>, vector<16xf32>,
      %get3A_446 = vector.shape_cast %get3A_445 : vector<16xf32> to vector<16xf32>
      %add3A_447 = arith.addf %add3A_438, %get3A_446 : vector<16xf32>
      %add3A_448 = arith.constant 2816 : i32
      %add3A_449 = arith.addi %add3A_249, %add3A_448 : i32
      %get3A_450 = arith.constant 0 : i32
      %get3A_451 = tpu.memref_slice %arg7[%scan3A_208, %get3A_450] : memref<1x13312xf32, #tpu.memory_space<vmem>> -> memref<1x13312xf32, #tpu.memory_space<vmem>>
      %get3A_452 = tpu.memref_squeeze %get3A_451 : memref<1x13312xf32, #tpu.memory_space<vmem>> -> memref<13312xf32, #tpu.memory_space<vmem>>
      %get3A_453 = arith.index_cast %add3A_449 : i32 to index
      %get3A_454 = tpu.vector_load %get3A_452[%get3A_453] {strides = array<i32>} : memref<13312xf32, #tpu.memory_space<vmem>>, vector<16xf32>,
      %get3A_455 = vector.shape_cast %get3A_454 : vector<16xf32> to vector<16xf32>
      %add3A_456 = arith.addf %add3A_447, %get3A_455 : vector<16xf32>
      %add3A_457 = arith.constant 2944 : i32
      %add3A_458 = arith.addi %add3A_249, %add3A_457 : i32
      %get3A_459 = arith.constant 0 : i32
      %get3A_460 = tpu.memref_slice %arg7[%scan3A_208, %get3A_459] : memref<1x13312xf32, #tpu.memory_space<vmem>> -> memref<1x13312xf32, #tpu.memory_space<vmem>>
      %get3A_461 = tpu.memref_squeeze %get3A_460 : memref<1x13312xf32, #tpu.memory_space<vmem>> -> memref<13312xf32, #tpu.memory_space<vmem>>
      %get3A_462 = arith.index_cast %add3A_458 : i32 to index
      %get3A_463 = tpu.vector_load %get3A_461[%get3A_462] {strides = array<i32>} : memref<13312xf32, #tpu.memory_space<vmem>>, vector<16xf32>,
      %get3A_464 = vector.shape_cast %get3A_463 : vector<16xf32> to vector<16xf32>
      %add3A_465 = arith.addf %add3A_456, %get3A_464 : vector<16xf32>
      %add3A_466 = arith.constant 3072 : i32
      %add3A_467 = arith.addi %add3A_249, %add3A_466 : i32
      %get3A_468 = arith.constant 0 : i32
      %get3A_469 = tpu.memref_slice %arg7[%scan3A_208, %get3A_468] : memref<1x13312xf32, #tpu.memory_space<vmem>> -> memref<1x13312xf32, #tpu.memory_space<vmem>>
      %get3A_470 = tpu.memref_squeeze %get3A_469 : memref<1x13312xf32, #tpu.memory_space<vmem>> -> memref<13312xf32, #tpu.memory_space<vmem>>
      %get3A_471 = arith.index_cast %add3A_467 : i32 to index
      %get3A_472 = tpu.vector_load %get3A_470[%get3A_471] {strides = array<i32>} : memref<13312xf32, #tpu.memory_space<vmem>>, vector<16xf32>,
      %get3A_473 = vector.shape_cast %get3A_472 : vector<16xf32> to vector<16xf32>
      %add3A_474 = arith.addf %add3A_465, %get3A_473 : vector<16xf32>
      %add3A_475 = arith.constant 3200 : i32
      %add3A_476 = arith.addi %add3A_249, %add3A_475 : i32
      %get3A_477 = arith.constant 0 : i32
      %get3A_478 = tpu.memref_slice %arg7[%scan3A_208, %get3A_477] : memref<1x13312xf32, #tpu.memory_space<vmem>> -> memref<1x13312xf32, #tpu.memory_space<vmem>>
      %get3A_479 = tpu.memref_squeeze %get3A_478 : memref<1x13312xf32, #tpu.memory_space<vmem>> -> memref<13312xf32, #tpu.memory_space<vmem>>
      %get3A_480 = arith.index_cast %add3A_476 : i32 to index
      %get3A_481 = tpu.vector_load %get3A_479[%get3A_480] {strides = array<i32>} : memref<13312xf32, #tpu.memory_space<vmem>>, vector<16xf32>,
      %get3A_482 = vector.shape_cast %get3A_481 : vector<16xf32> to vector<16xf32>
      %add3A_483 = arith.addf %add3A_474, %get3A_482 : vector<16xf32>
      %neg3A = arith.constant 0.000000e+00 : f32
      %neg3A_484 = vector.broadcast %neg3A : f32 to vector<16xf32>
      %neg3A_485 = arith.subf %neg3A_484, %add3A_483 : vector<16xf32>
      %exp3A = math.exp %neg3A_485 : vector<16xf32>
      %add3A_486 = arith.constant 1.000000e+00 : f32
      %add3A_487 = vector.broadcast %add3A_486 : f32 to vector<16xf32>
      %add3A_488 = arith.addf %add3A_487, %exp3A : vector<16xf32>
      %div3A = arith.constant 1.000000e+00 : f32
      %div3A_489 = vector.broadcast %div3A : f32 to vector<16xf32>
      %div3A_490 = arith.divf %div3A_489, %add3A_488 : vector<16xf32>
      %mul3A_491 = arith.constant 16 : i32
      %mul3A_492 = arith.muli %scan3A_244, %mul3A_491 : i32
      %add3A_493 = arith.constant 256 : i32
      %add3A_494 = arith.addi %add3A_493, %mul3A_492 : i32
      %swap3A = arith.index_cast %add3A_494 : i32 to index
      %swap3A_495 = tpu.vector_load %arg9[%swap3A] {strides = array<i32>} : memref<512xf32, #tpu.memory_space<vmem>>, vector<16xf32>,
      %swap3A_496 = vector.shape_cast %swap3A_495 : vector<16xf32> to vector<16xf32>
      %swap3A_497 = vector.shape_cast %div3A_490 : vector<16xf32> to vector<16xf32>
      tpu.vector_store %arg9[%swap3A], %swap3A_497 {strides = array<i32>} : memref<512xf32, #tpu.memory_space<vmem>>, vector<16xf32>,
      %scan3A_498 = arith.constant 0 : i32
      scf.yield %scan3A_498 : i32
    }
    %scan3A_215 = arith.constant 8 : i32
    %mul3A_216 = arith.constant 512 : i32
    %mul3A_217 = arith.muli %add3A, %mul3A_216 : i32
    %add3A_218 = arith.constant 256 : i32
    %add3A_219 = arith.addi %mul3A_217, %add3A_218 : i32
    "tpu.region"() ({
      %run_scoped3A = tpu.sem_alloc : memref<!tpu.dma_semaphore, #tpu.memory_space<semaphore_mem>>
      %dma_start3A_244 = arith.constant 256 : i32
      %dma_start3A_245 = tpu.memref_slice %arg9[%dma_start3A_244] : memref<512xf32, #tpu.memory_space<vmem>> -> memref<128xf32, #tpu.memory_space<vmem>>
      %dma_start3A_246 = tpu.memref_slice %arg5[%add3A_219] : memref<16384xf32, #tpu.memory_space<hbm>> -> memref<128xf32, #tpu.memory_space<hbm>>
      %dma_start3A_247 = tpu.memref_slice %arg5[%add3A_219] : memref<16384xf32, #tpu.memory_space<hbm>> -> memref<128xf32, #tpu.memory_space<hbm>>
      %dma_start3A_248 = arith.constant 256 : i32
      %dma_start3A_249 = tpu.memref_slice %arg9[%dma_start3A_248] : memref<512xf32, #tpu.memory_space<vmem>> -> memref<128xf32, #tpu.memory_space<vmem>>
      tpu.enqueue_dma source(%dma_start3A_249 : memref<128xf32, #tpu.memory_space<vmem>>) target(%dma_start3A_247 : memref<128xf32, #tpu.memory_space<hbm>>) target_semaphore(%run_scoped3A : memref<!tpu.dma_semaphore, #tpu.memory_space<semaphore_mem>>)
      %dma_wait3A_250 = arith.constant 256 : i32
      %dma_wait3A_251 = tpu.memref_slice %arg9[%dma_wait3A_250] : memref<512xf32, #tpu.memory_space<vmem>> -> memref<128xf32, #tpu.memory_space<vmem>>
      %dma_wait3A_252 = tpu.memref_slice %arg5[%add3A_219] : memref<16384xf32, #tpu.memory_space<hbm>> -> memref<128xf32, #tpu.memory_space<hbm>>
      %dma_wait3A_253 = tpu.memref_slice %arg5[%add3A_219] : memref<16384xf32, #tpu.memory_space<hbm>> -> memref<128xf32, #tpu.memory_space<hbm>>
      %dma_wait3A_254 = arith.constant 256 : i32
      %dma_wait3A_255 = tpu.memref_slice %arg9[%dma_wait3A_254] : memref<512xf32, #tpu.memory_space<vmem>> -> memref<128xf32, #tpu.memory_space<vmem>>
      tpu.wait_dma2 semaphore(%run_scoped3A : memref<!tpu.dma_semaphore, #tpu.memory_space<semaphore_mem>>) src(%dma_wait3A_255 : memref<128xf32, #tpu.memory_space<vmem>>) dst(%dma_wait3A_253 : memref<128xf32, #tpu.memory_space<hbm>>)
      tpu.yield
    }) : () -> ()
    %dma_wait3A_220 = arith.constant 0 : i32
    %dma_wait3A_221 = arith.constant 9984 : i32
    %dma_wait3A_222 = tpu.memref_slice %arg7[%dma_wait3A_220, %dma_wait3A_221] : memref<1x13312xf32, #tpu.memory_space<vmem>> -> memref<1x3328xf32, #tpu.memory_space<vmem>>
    %dma_wait3A_223 = arith.constant 0 : i32
    %dma_wait3A_224 = arith.constant 0 : i32
    %dma_wait3A_225 = tpu.memref_slice %arg3[%dma_wait3A_223, %dma_wait3A_224] : memref<1x999986xf32, #tpu.memory_space<hbm>> -> memref<1x3328xf32, #tpu.memory_space<hbm>>
    %dma_wait3A_226 = arith.constant 0 : i32
    %dma_wait3A_227 = arith.constant 9984 : i32
    %dma_wait3A_228 = tpu.memref_slice %arg7[%dma_wait3A_226, %dma_wait3A_227] : memref<1x13312xf32, #tpu.memory_space<vmem>> -> memref<1x3328xf32, #tpu.memory_space<vmem>>
    %dma_wait3A_229 = arith.constant 0 : i32
    %dma_wait3A_230 = arith.constant 0 : i32
    %dma_wait3A_231 = tpu.memref_slice %arg3[%dma_wait3A_229, %dma_wait3A_230] : memref<1x999986xf32, #tpu.memory_space<hbm>> -> memref<1x3328xf32, #tpu.memory_space<hbm>>
    tpu.wait_dma2 semaphore(%arg13 : memref<!tpu.dma_semaphore, #tpu.memory_space<semaphore_mem>>) src(%dma_wait3A_231 : memref<1x3328xf32, #tpu.memory_space<hbm>>) dst(%dma_wait3A_228 : memref<1x3328xf32, #tpu.memory_space<vmem>>)
    %scan3A_232 = arith.constant 0 : i32
    %scan3A_233 = arith.constant 0 : i32
    %scan3A_234 = arith.constant 0 : i32
    %scan3A_235 = arith.constant 8 : i32
    %scan3A_236 = arith.addi %scan3A_234, %scan3A_235 : i32
    %scan3A_237 = arith.constant 1 : i32
    %scan3A_238 = scf.for %scan3A_244 = %scan3A_234 to %scan3A_236 step %scan3A_237 iter_args(%scan3A_245 = %scan3A_233) -> (i32)  : i32 {
      %mul3A_246 = arith.constant 16 : i32
      %mul3A_247 = arith.muli %scan3A_244, %mul3A_246 : i32
      %add3A_248 = arith.constant 9984 : i32
      %add3A_249 = arith.addi %add3A_248, %mul3A_247 : i32
      %add3A_250 = arith.constant 0 : i32
      %add3A_251 = arith.addi %add3A_249, %add3A_250 : i32
      %get3A_252 = arith.constant 0 : i32
      %get3A_253 = tpu.memref_slice %arg7[%scan3A_232, %get3A_252] : memref<1x13312xf32, #tpu.memory_space<vmem>> -> memref<1x13312xf32, #tpu.memory_space<vmem>>
      %get3A_254 = tpu.memref_squeeze %get3A_253 : memref<1x13312xf32, #tpu.memory_space<vmem>> -> memref<13312xf32, #tpu.memory_space<vmem>>
      %get3A_255 = arith.index_cast %add3A_251 : i32 to index
      %get3A_256 = tpu.vector_load %get3A_254[%get3A_255] {strides = array<i32>} : memref<13312xf32, #tpu.memory_space<vmem>>, vector<16xf32>,
      %get3A_257 = vector.shape_cast %get3A_256 : vector<16xf32> to vector<16xf32>
      %add3A_258 = arith.addf %get3A_147, %get3A_257 : vector<16xf32>
      %add3A_259 = arith.constant 128 : i32
      %add3A_260 = arith.addi %add3A_249, %add3A_259 : i32
      %get3A_261 = arith.constant 0 : i32
      %get3A_262 = tpu.memref_slice %arg7[%scan3A_232, %get3A_261] : memref<1x13312xf32, #tpu.memory_space<vmem>> -> memref<1x13312xf32, #tpu.memory_space<vmem>>
      %get3A_263 = tpu.memref_squeeze %get3A_262 : memref<1x13312xf32, #tpu.memory_space<vmem>> -> memref<13312xf32, #tpu.memory_space<vmem>>
      %get3A_264 = arith.index_cast %add3A_260 : i32 to index
      %get3A_265 = tpu.vector_load %get3A_263[%get3A_264] {strides = array<i32>} : memref<13312xf32, #tpu.memory_space<vmem>>, vector<16xf32>,
      %get3A_266 = vector.shape_cast %get3A_265 : vector<16xf32> to vector<16xf32>
      %add3A_267 = arith.addf %add3A_258, %get3A_266 : vector<16xf32>
      %add3A_268 = arith.constant 256 : i32
      %add3A_269 = arith.addi %add3A_249, %add3A_268 : i32
      %get3A_270 = arith.constant 0 : i32
      %get3A_271 = tpu.memref_slice %arg7[%scan3A_232, %get3A_270] : memref<1x13312xf32, #tpu.memory_space<vmem>> -> memref<1x13312xf32, #tpu.memory_space<vmem>>
      %get3A_272 = tpu.memref_squeeze %get3A_271 : memref<1x13312xf32, #tpu.memory_space<vmem>> -> memref<13312xf32, #tpu.memory_space<vmem>>
      %get3A_273 = arith.index_cast %add3A_269 : i32 to index
      %get3A_274 = tpu.vector_load %get3A_272[%get3A_273] {strides = array<i32>} : memref<13312xf32, #tpu.memory_space<vmem>>, vector<16xf32>,
      %get3A_275 = vector.shape_cast %get3A_274 : vector<16xf32> to vector<16xf32>
      %add3A_276 = arith.addf %add3A_267, %get3A_275 : vector<16xf32>
      %add3A_277 = arith.constant 384 : i32
      %add3A_278 = arith.addi %add3A_249, %add3A_277 : i32
      %get3A_279 = arith.constant 0 : i32
      %get3A_280 = tpu.memref_slice %arg7[%scan3A_232, %get3A_279] : memref<1x13312xf32, #tpu.memory_space<vmem>> -> memref<1x13312xf32, #tpu.memory_space<vmem>>
      %get3A_281 = tpu.memref_squeeze %get3A_280 : memref<1x13312xf32, #tpu.memory_space<vmem>> -> memref<13312xf32, #tpu.memory_space<vmem>>
      %get3A_282 = arith.index_cast %add3A_278 : i32 to index
      %get3A_283 = tpu.vector_load %get3A_281[%get3A_282] {strides = array<i32>} : memref<13312xf32, #tpu.memory_space<vmem>>, vector<16xf32>,
      %get3A_284 = vector.shape_cast %get3A_283 : vector<16xf32> to vector<16xf32>
      %add3A_285 = arith.addf %add3A_276, %get3A_284 : vector<16xf32>
      %add3A_286 = arith.constant 512 : i32
      %add3A_287 = arith.addi %add3A_249, %add3A_286 : i32
      %get3A_288 = arith.constant 0 : i32
      %get3A_289 = tpu.memref_slice %arg7[%scan3A_232, %get3A_288] : memref<1x13312xf32, #tpu.memory_space<vmem>> -> memref<1x13312xf32, #tpu.memory_space<vmem>>
      %get3A_290 = tpu.memref_squeeze %get3A_289 : memref<1x13312xf32, #tpu.memory_space<vmem>> -> memref<13312xf32, #tpu.memory_space<vmem>>
      %get3A_291 = arith.index_cast %add3A_287 : i32 to index
      %get3A_292 = tpu.vector_load %get3A_290[%get3A_291] {strides = array<i32>} : memref<13312xf32, #tpu.memory_space<vmem>>, vector<16xf32>,
      %get3A_293 = vector.shape_cast %get3A_292 : vector<16xf32> to vector<16xf32>
      %add3A_294 = arith.addf %add3A_285, %get3A_293 : vector<16xf32>
      %add3A_295 = arith.constant 640 : i32
      %add3A_296 = arith.addi %add3A_249, %add3A_295 : i32
      %get3A_297 = arith.constant 0 : i32
      %get3A_298 = tpu.memref_slice %arg7[%scan3A_232, %get3A_297] : memref<1x13312xf32, #tpu.memory_space<vmem>> -> memref<1x13312xf32, #tpu.memory_space<vmem>>
      %get3A_299 = tpu.memref_squeeze %get3A_298 : memref<1x13312xf32, #tpu.memory_space<vmem>> -> memref<13312xf32, #tpu.memory_space<vmem>>
      %get3A_300 = arith.index_cast %add3A_296 : i32 to index
      %get3A_301 = tpu.vector_load %get3A_299[%get3A_300] {strides = array<i32>} : memref<13312xf32, #tpu.memory_space<vmem>>, vector<16xf32>,
      %get3A_302 = vector.shape_cast %get3A_301 : vector<16xf32> to vector<16xf32>
      %add3A_303 = arith.addf %add3A_294, %get3A_302 : vector<16xf32>
      %add3A_304 = arith.constant 768 : i32
      %add3A_305 = arith.addi %add3A_249, %add3A_304 : i32
      %get3A_306 = arith.constant 0 : i32
      %get3A_307 = tpu.memref_slice %arg7[%scan3A_232, %get3A_306] : memref<1x13312xf32, #tpu.memory_space<vmem>> -> memref<1x13312xf32, #tpu.memory_space<vmem>>
      %get3A_308 = tpu.memref_squeeze %get3A_307 : memref<1x13312xf32, #tpu.memory_space<vmem>> -> memref<13312xf32, #tpu.memory_space<vmem>>
      %get3A_309 = arith.index_cast %add3A_305 : i32 to index
      %get3A_310 = tpu.vector_load %get3A_308[%get3A_309] {strides = array<i32>} : memref<13312xf32, #tpu.memory_space<vmem>>, vector<16xf32>,
      %get3A_311 = vector.shape_cast %get3A_310 : vector<16xf32> to vector<16xf32>
      %add3A_312 = arith.addf %add3A_303, %get3A_311 : vector<16xf32>
      %add3A_313 = arith.constant 896 : i32
      %add3A_314 = arith.addi %add3A_249, %add3A_313 : i32
      %get3A_315 = arith.constant 0 : i32
      %get3A_316 = tpu.memref_slice %arg7[%scan3A_232, %get3A_315] : memref<1x13312xf32, #tpu.memory_space<vmem>> -> memref<1x13312xf32, #tpu.memory_space<vmem>>
      %get3A_317 = tpu.memref_squeeze %get3A_316 : memref<1x13312xf32, #tpu.memory_space<vmem>> -> memref<13312xf32, #tpu.memory_space<vmem>>
      %get3A_318 = arith.index_cast %add3A_314 : i32 to index
      %get3A_319 = tpu.vector_load %get3A_317[%get3A_318] {strides = array<i32>} : memref<13312xf32, #tpu.memory_space<vmem>>, vector<16xf32>,
      %get3A_320 = vector.shape_cast %get3A_319 : vector<16xf32> to vector<16xf32>
      %add3A_321 = arith.addf %add3A_312, %get3A_320 : vector<16xf32>
      %add3A_322 = arith.constant 1024 : i32
      %add3A_323 = arith.addi %add3A_249, %add3A_322 : i32
      %get3A_324 = arith.constant 0 : i32
      %get3A_325 = tpu.memref_slice %arg7[%scan3A_232, %get3A_324] : memref<1x13312xf32, #tpu.memory_space<vmem>> -> memref<1x13312xf32, #tpu.memory_space<vmem>>
      %get3A_326 = tpu.memref_squeeze %get3A_325 : memref<1x13312xf32, #tpu.memory_space<vmem>> -> memref<13312xf32, #tpu.memory_space<vmem>>
      %get3A_327 = arith.index_cast %add3A_323 : i32 to index
      %get3A_328 = tpu.vector_load %get3A_326[%get3A_327] {strides = array<i32>} : memref<13312xf32, #tpu.memory_space<vmem>>, vector<16xf32>,
      %get3A_329 = vector.shape_cast %get3A_328 : vector<16xf32> to vector<16xf32>
      %add3A_330 = arith.addf %add3A_321, %get3A_329 : vector<16xf32>
      %add3A_331 = arith.constant 1152 : i32
      %add3A_332 = arith.addi %add3A_249, %add3A_331 : i32
      %get3A_333 = arith.constant 0 : i32
      %get3A_334 = tpu.memref_slice %arg7[%scan3A_232, %get3A_333] : memref<1x13312xf32, #tpu.memory_space<vmem>> -> memref<1x13312xf32, #tpu.memory_space<vmem>>
      %get3A_335 = tpu.memref_squeeze %get3A_334 : memref<1x13312xf32, #tpu.memory_space<vmem>> -> memref<13312xf32, #tpu.memory_space<vmem>>
      %get3A_336 = arith.index_cast %add3A_332 : i32 to index
      %get3A_337 = tpu.vector_load %get3A_335[%get3A_336] {strides = array<i32>} : memref<13312xf32, #tpu.memory_space<vmem>>, vector<16xf32>,
      %get3A_338 = vector.shape_cast %get3A_337 : vector<16xf32> to vector<16xf32>
      %add3A_339 = arith.addf %add3A_330, %get3A_338 : vector<16xf32>
      %add3A_340 = arith.constant 1280 : i32
      %add3A_341 = arith.addi %add3A_249, %add3A_340 : i32
      %get3A_342 = arith.constant 0 : i32
      %get3A_343 = tpu.memref_slice %arg7[%scan3A_232, %get3A_342] : memref<1x13312xf32, #tpu.memory_space<vmem>> -> memref<1x13312xf32, #tpu.memory_space<vmem>>
      %get3A_344 = tpu.memref_squeeze %get3A_343 : memref<1x13312xf32, #tpu.memory_space<vmem>> -> memref<13312xf32, #tpu.memory_space<vmem>>
      %get3A_345 = arith.index_cast %add3A_341 : i32 to index
      %get3A_346 = tpu.vector_load %get3A_344[%get3A_345] {strides = array<i32>} : memref<13312xf32, #tpu.memory_space<vmem>>, vector<16xf32>,
      %get3A_347 = vector.shape_cast %get3A_346 : vector<16xf32> to vector<16xf32>
      %add3A_348 = arith.addf %add3A_339, %get3A_347 : vector<16xf32>
      %add3A_349 = arith.constant 1408 : i32
      %add3A_350 = arith.addi %add3A_249, %add3A_349 : i32
      %get3A_351 = arith.constant 0 : i32
      %get3A_352 = tpu.memref_slice %arg7[%scan3A_232, %get3A_351] : memref<1x13312xf32, #tpu.memory_space<vmem>> -> memref<1x13312xf32, #tpu.memory_space<vmem>>
      %get3A_353 = tpu.memref_squeeze %get3A_352 : memref<1x13312xf32, #tpu.memory_space<vmem>> -> memref<13312xf32, #tpu.memory_space<vmem>>
      %get3A_354 = arith.index_cast %add3A_350 : i32 to index
      %get3A_355 = tpu.vector_load %get3A_353[%get3A_354] {strides = array<i32>} : memref<13312xf32, #tpu.memory_space<vmem>>, vector<16xf32>,
      %get3A_356 = vector.shape_cast %get3A_355 : vector<16xf32> to vector<16xf32>
      %add3A_357 = arith.addf %add3A_348, %get3A_356 : vector<16xf32>
      %add3A_358 = arith.constant 1536 : i32
      %add3A_359 = arith.addi %add3A_249, %add3A_358 : i32
      %get3A_360 = arith.constant 0 : i32
      %get3A_361 = tpu.memref_slice %arg7[%scan3A_232, %get3A_360] : memref<1x13312xf32, #tpu.memory_space<vmem>> -> memref<1x13312xf32, #tpu.memory_space<vmem>>
      %get3A_362 = tpu.memref_squeeze %get3A_361 : memref<1x13312xf32, #tpu.memory_space<vmem>> -> memref<13312xf32, #tpu.memory_space<vmem>>
      %get3A_363 = arith.index_cast %add3A_359 : i32 to index
      %get3A_364 = tpu.vector_load %get3A_362[%get3A_363] {strides = array<i32>} : memref<13312xf32, #tpu.memory_space<vmem>>, vector<16xf32>,
      %get3A_365 = vector.shape_cast %get3A_364 : vector<16xf32> to vector<16xf32>
      %add3A_366 = arith.addf %add3A_357, %get3A_365 : vector<16xf32>
      %add3A_367 = arith.constant 1664 : i32
      %add3A_368 = arith.addi %add3A_249, %add3A_367 : i32
      %get3A_369 = arith.constant 0 : i32
      %get3A_370 = tpu.memref_slice %arg7[%scan3A_232, %get3A_369] : memref<1x13312xf32, #tpu.memory_space<vmem>> -> memref<1x13312xf32, #tpu.memory_space<vmem>>
      %get3A_371 = tpu.memref_squeeze %get3A_370 : memref<1x13312xf32, #tpu.memory_space<vmem>> -> memref<13312xf32, #tpu.memory_space<vmem>>
      %get3A_372 = arith.index_cast %add3A_368 : i32 to index
      %get3A_373 = tpu.vector_load %get3A_371[%get3A_372] {strides = array<i32>} : memref<13312xf32, #tpu.memory_space<vmem>>, vector<16xf32>,
      %get3A_374 = vector.shape_cast %get3A_373 : vector<16xf32> to vector<16xf32>
      %add3A_375 = arith.addf %add3A_366, %get3A_374 : vector<16xf32>
      %add3A_376 = arith.constant 1792 : i32
      %add3A_377 = arith.addi %add3A_249, %add3A_376 : i32
      %get3A_378 = arith.constant 0 : i32
      %get3A_379 = tpu.memref_slice %arg7[%scan3A_232, %get3A_378] : memref<1x13312xf32, #tpu.memory_space<vmem>> -> memref<1x13312xf32, #tpu.memory_space<vmem>>
      %get3A_380 = tpu.memref_squeeze %get3A_379 : memref<1x13312xf32, #tpu.memory_space<vmem>> -> memref<13312xf32, #tpu.memory_space<vmem>>
      %get3A_381 = arith.index_cast %add3A_377 : i32 to index
      %get3A_382 = tpu.vector_load %get3A_380[%get3A_381] {strides = array<i32>} : memref<13312xf32, #tpu.memory_space<vmem>>, vector<16xf32>,
      %get3A_383 = vector.shape_cast %get3A_382 : vector<16xf32> to vector<16xf32>
      %add3A_384 = arith.addf %add3A_375, %get3A_383 : vector<16xf32>
      %add3A_385 = arith.constant 1920 : i32
      %add3A_386 = arith.addi %add3A_249, %add3A_385 : i32
      %get3A_387 = arith.constant 0 : i32
      %get3A_388 = tpu.memref_slice %arg7[%scan3A_232, %get3A_387] : memref<1x13312xf32, #tpu.memory_space<vmem>> -> memref<1x13312xf32, #tpu.memory_space<vmem>>
      %get3A_389 = tpu.memref_squeeze %get3A_388 : memref<1x13312xf32, #tpu.memory_space<vmem>> -> memref<13312xf32, #tpu.memory_space<vmem>>
      %get3A_390 = arith.index_cast %add3A_386 : i32 to index
      %get3A_391 = tpu.vector_load %get3A_389[%get3A_390] {strides = array<i32>} : memref<13312xf32, #tpu.memory_space<vmem>>, vector<16xf32>,
      %get3A_392 = vector.shape_cast %get3A_391 : vector<16xf32> to vector<16xf32>
      %add3A_393 = arith.addf %add3A_384, %get3A_392 : vector<16xf32>
      %add3A_394 = arith.constant 2048 : i32
      %add3A_395 = arith.addi %add3A_249, %add3A_394 : i32
      %get3A_396 = arith.constant 0 : i32
      %get3A_397 = tpu.memref_slice %arg7[%scan3A_232, %get3A_396] : memref<1x13312xf32, #tpu.memory_space<vmem>> -> memref<1x13312xf32, #tpu.memory_space<vmem>>
      %get3A_398 = tpu.memref_squeeze %get3A_397 : memref<1x13312xf32, #tpu.memory_space<vmem>> -> memref<13312xf32, #tpu.memory_space<vmem>>
      %get3A_399 = arith.index_cast %add3A_395 : i32 to index
      %get3A_400 = tpu.vector_load %get3A_398[%get3A_399] {strides = array<i32>} : memref<13312xf32, #tpu.memory_space<vmem>>, vector<16xf32>,
      %get3A_401 = vector.shape_cast %get3A_400 : vector<16xf32> to vector<16xf32>
      %add3A_402 = arith.addf %add3A_393, %get3A_401 : vector<16xf32>
      %add3A_403 = arith.constant 2176 : i32
      %add3A_404 = arith.addi %add3A_249, %add3A_403 : i32
      %get3A_405 = arith.constant 0 : i32
      %get3A_406 = tpu.memref_slice %arg7[%scan3A_232, %get3A_405] : memref<1x13312xf32, #tpu.memory_space<vmem>> -> memref<1x13312xf32, #tpu.memory_space<vmem>>
      %get3A_407 = tpu.memref_squeeze %get3A_406 : memref<1x13312xf32, #tpu.memory_space<vmem>> -> memref<13312xf32, #tpu.memory_space<vmem>>
      %get3A_408 = arith.index_cast %add3A_404 : i32 to index
      %get3A_409 = tpu.vector_load %get3A_407[%get3A_408] {strides = array<i32>} : memref<13312xf32, #tpu.memory_space<vmem>>, vector<16xf32>,
      %get3A_410 = vector.shape_cast %get3A_409 : vector<16xf32> to vector<16xf32>
      %add3A_411 = arith.addf %add3A_402, %get3A_410 : vector<16xf32>
      %add3A_412 = arith.constant 2304 : i32
      %add3A_413 = arith.addi %add3A_249, %add3A_412 : i32
      %get3A_414 = arith.constant 0 : i32
      %get3A_415 = tpu.memref_slice %arg7[%scan3A_232, %get3A_414] : memref<1x13312xf32, #tpu.memory_space<vmem>> -> memref<1x13312xf32, #tpu.memory_space<vmem>>
      %get3A_416 = tpu.memref_squeeze %get3A_415 : memref<1x13312xf32, #tpu.memory_space<vmem>> -> memref<13312xf32, #tpu.memory_space<vmem>>
      %get3A_417 = arith.index_cast %add3A_413 : i32 to index
      %get3A_418 = tpu.vector_load %get3A_416[%get3A_417] {strides = array<i32>} : memref<13312xf32, #tpu.memory_space<vmem>>, vector<16xf32>,
      %get3A_419 = vector.shape_cast %get3A_418 : vector<16xf32> to vector<16xf32>
      %add3A_420 = arith.addf %add3A_411, %get3A_419 : vector<16xf32>
      %add3A_421 = arith.constant 2432 : i32
      %add3A_422 = arith.addi %add3A_249, %add3A_421 : i32
      %get3A_423 = arith.constant 0 : i32
      %get3A_424 = tpu.memref_slice %arg7[%scan3A_232, %get3A_423] : memref<1x13312xf32, #tpu.memory_space<vmem>> -> memref<1x13312xf32, #tpu.memory_space<vmem>>
      %get3A_425 = tpu.memref_squeeze %get3A_424 : memref<1x13312xf32, #tpu.memory_space<vmem>> -> memref<13312xf32, #tpu.memory_space<vmem>>
      %get3A_426 = arith.index_cast %add3A_422 : i32 to index
      %get3A_427 = tpu.vector_load %get3A_425[%get3A_426] {strides = array<i32>} : memref<13312xf32, #tpu.memory_space<vmem>>, vector<16xf32>,
      %get3A_428 = vector.shape_cast %get3A_427 : vector<16xf32> to vector<16xf32>
      %add3A_429 = arith.addf %add3A_420, %get3A_428 : vector<16xf32>
      %add3A_430 = arith.constant 2560 : i32
      %add3A_431 = arith.addi %add3A_249, %add3A_430 : i32
      %get3A_432 = arith.constant 0 : i32
      %get3A_433 = tpu.memref_slice %arg7[%scan3A_232, %get3A_432] : memref<1x13312xf32, #tpu.memory_space<vmem>> -> memref<1x13312xf32, #tpu.memory_space<vmem>>
      %get3A_434 = tpu.memref_squeeze %get3A_433 : memref<1x13312xf32, #tpu.memory_space<vmem>> -> memref<13312xf32, #tpu.memory_space<vmem>>
      %get3A_435 = arith.index_cast %add3A_431 : i32 to index
      %get3A_436 = tpu.vector_load %get3A_434[%get3A_435] {strides = array<i32>} : memref<13312xf32, #tpu.memory_space<vmem>>, vector<16xf32>,
      %get3A_437 = vector.shape_cast %get3A_436 : vector<16xf32> to vector<16xf32>
      %add3A_438 = arith.addf %add3A_429, %get3A_437 : vector<16xf32>
      %add3A_439 = arith.constant 2688 : i32
      %add3A_440 = arith.addi %add3A_249, %add3A_439 : i32
      %get3A_441 = arith.constant 0 : i32
      %get3A_442 = tpu.memref_slice %arg7[%scan3A_232, %get3A_441] : memref<1x13312xf32, #tpu.memory_space<vmem>> -> memref<1x13312xf32, #tpu.memory_space<vmem>>
      %get3A_443 = tpu.memref_squeeze %get3A_442 : memref<1x13312xf32, #tpu.memory_space<vmem>> -> memref<13312xf32, #tpu.memory_space<vmem>>
      %get3A_444 = arith.index_cast %add3A_440 : i32 to index
      %get3A_445 = tpu.vector_load %get3A_443[%get3A_444] {strides = array<i32>} : memref<13312xf32, #tpu.memory_space<vmem>>, vector<16xf32>,
      %get3A_446 = vector.shape_cast %get3A_445 : vector<16xf32> to vector<16xf32>
      %add3A_447 = arith.addf %add3A_438, %get3A_446 : vector<16xf32>
      %add3A_448 = arith.constant 2816 : i32
      %add3A_449 = arith.addi %add3A_249, %add3A_448 : i32
      %get3A_450 = arith.constant 0 : i32
      %get3A_451 = tpu.memref_slice %arg7[%scan3A_232, %get3A_450] : memref<1x13312xf32, #tpu.memory_space<vmem>> -> memref<1x13312xf32, #tpu.memory_space<vmem>>
      %get3A_452 = tpu.memref_squeeze %get3A_451 : memref<1x13312xf32, #tpu.memory_space<vmem>> -> memref<13312xf32, #tpu.memory_space<vmem>>
      %get3A_453 = arith.index_cast %add3A_449 : i32 to index
      %get3A_454 = tpu.vector_load %get3A_452[%get3A_453] {strides = array<i32>} : memref<13312xf32, #tpu.memory_space<vmem>>, vector<16xf32>,
      %get3A_455 = vector.shape_cast %get3A_454 : vector<16xf32> to vector<16xf32>
      %add3A_456 = arith.addf %add3A_447, %get3A_455 : vector<16xf32>
      %add3A_457 = arith.constant 2944 : i32
      %add3A_458 = arith.addi %add3A_249, %add3A_457 : i32
      %get3A_459 = arith.constant 0 : i32
      %get3A_460 = tpu.memref_slice %arg7[%scan3A_232, %get3A_459] : memref<1x13312xf32, #tpu.memory_space<vmem>> -> memref<1x13312xf32, #tpu.memory_space<vmem>>
      %get3A_461 = tpu.memref_squeeze %get3A_460 : memref<1x13312xf32, #tpu.memory_space<vmem>> -> memref<13312xf32, #tpu.memory_space<vmem>>
      %get3A_462 = arith.index_cast %add3A_458 : i32 to index
      %get3A_463 = tpu.vector_load %get3A_461[%get3A_462] {strides = array<i32>} : memref<13312xf32, #tpu.memory_space<vmem>>, vector<16xf32>,
      %get3A_464 = vector.shape_cast %get3A_463 : vector<16xf32> to vector<16xf32>
      %add3A_465 = arith.addf %add3A_456, %get3A_464 : vector<16xf32>
      %add3A_466 = arith.constant 3072 : i32
      %add3A_467 = arith.addi %add3A_249, %add3A_466 : i32
      %get3A_468 = arith.constant 0 : i32
      %get3A_469 = tpu.memref_slice %arg7[%scan3A_232, %get3A_468] : memref<1x13312xf32, #tpu.memory_space<vmem>> -> memref<1x13312xf32, #tpu.memory_space<vmem>>
      %get3A_470 = tpu.memref_squeeze %get3A_469 : memref<1x13312xf32, #tpu.memory_space<vmem>> -> memref<13312xf32, #tpu.memory_space<vmem>>
      %get3A_471 = arith.index_cast %add3A_467 : i32 to index
      %get3A_472 = tpu.vector_load %get3A_470[%get3A_471] {strides = array<i32>} : memref<13312xf32, #tpu.memory_space<vmem>>, vector<16xf32>,
      %get3A_473 = vector.shape_cast %get3A_472 : vector<16xf32> to vector<16xf32>
      %add3A_474 = arith.addf %add3A_465, %get3A_473 : vector<16xf32>
      %add3A_475 = arith.constant 3200 : i32
      %add3A_476 = arith.addi %add3A_249, %add3A_475 : i32
      %get3A_477 = arith.constant 0 : i32
      %get3A_478 = tpu.memref_slice %arg7[%scan3A_232, %get3A_477] : memref<1x13312xf32, #tpu.memory_space<vmem>> -> memref<1x13312xf32, #tpu.memory_space<vmem>>
      %get3A_479 = tpu.memref_squeeze %get3A_478 : memref<1x13312xf32, #tpu.memory_space<vmem>> -> memref<13312xf32, #tpu.memory_space<vmem>>
      %get3A_480 = arith.index_cast %add3A_476 : i32 to index
      %get3A_481 = tpu.vector_load %get3A_479[%get3A_480] {strides = array<i32>} : memref<13312xf32, #tpu.memory_space<vmem>>, vector<16xf32>,
      %get3A_482 = vector.shape_cast %get3A_481 : vector<16xf32> to vector<16xf32>
      %add3A_483 = arith.addf %add3A_474, %get3A_482 : vector<16xf32>
      %neg3A = arith.constant 0.000000e+00 : f32
      %neg3A_484 = vector.broadcast %neg3A : f32 to vector<16xf32>
      %neg3A_485 = arith.subf %neg3A_484, %add3A_483 : vector<16xf32>
      %exp3A = math.exp %neg3A_485 : vector<16xf32>
      %add3A_486 = arith.constant 1.000000e+00 : f32
      %add3A_487 = vector.broadcast %add3A_486 : f32 to vector<16xf32>
      %add3A_488 = arith.addf %add3A_487, %exp3A : vector<16xf32>
      %div3A = arith.constant 1.000000e+00 : f32
      %div3A_489 = vector.broadcast %div3A : f32 to vector<16xf32>
      %div3A_490 = arith.divf %div3A_489, %add3A_488 : vector<16xf32>
      %mul3A_491 = arith.constant 16 : i32
      %mul3A_492 = arith.muli %scan3A_244, %mul3A_491 : i32
      %add3A_493 = arith.constant 384 : i32
      %add3A_494 = arith.addi %add3A_493, %mul3A_492 : i32
      %swap3A = arith.index_cast %add3A_494 : i32 to index
      %swap3A_495 = tpu.vector_load %arg9[%swap3A] {strides = array<i32>} : memref<512xf32, #tpu.memory_space<vmem>>, vector<16xf32>,
      %swap3A_496 = vector.shape_cast %swap3A_495 : vector<16xf32> to vector<16xf32>
      %swap3A_497 = vector.shape_cast %div3A_490 : vector<16xf32> to vector<16xf32>
      tpu.vector_store %arg9[%swap3A], %swap3A_497 {strides = array<i32>} : memref<512xf32, #tpu.memory_space<vmem>>, vector<16xf32>,
      %scan3A_498 = arith.constant 0 : i32
      scf.yield %scan3A_498 : i32
    }
    %scan3A_239 = arith.constant 8 : i32
    %mul3A_240 = arith.constant 512 : i32
    %mul3A_241 = arith.muli %add3A, %mul3A_240 : i32
    %add3A_242 = arith.constant 384 : i32
    %add3A_243 = arith.addi %mul3A_241, %add3A_242 : i32
    "tpu.region"() ({
      %run_scoped3A = tpu.sem_alloc : memref<!tpu.dma_semaphore, #tpu.memory_space<semaphore_mem>>
      %dma_start3A_244 = arith.constant 384 : i32
      %dma_start3A_245 = tpu.memref_slice %arg9[%dma_start3A_244] : memref<512xf32, #tpu.memory_space<vmem>> -> memref<128xf32, #tpu.memory_space<vmem>>
      %dma_start3A_246 = tpu.memref_slice %arg5[%add3A_243] : memref<16384xf32, #tpu.memory_space<hbm>> -> memref<128xf32, #tpu.memory_space<hbm>>
      %dma_start3A_247 = tpu.memref_slice %arg5[%add3A_243] : memref<16384xf32, #tpu.memory_space<hbm>> -> memref<128xf32, #tpu.memory_space<hbm>>
      %dma_start3A_248 = arith.constant 384 : i32
      %dma_start3A_249 = tpu.memref_slice %arg9[%dma_start3A_248] : memref<512xf32, #tpu.memory_space<vmem>> -> memref<128xf32, #tpu.memory_space<vmem>>
      tpu.enqueue_dma source(%dma_start3A_249 : memref<128xf32, #tpu.memory_space<vmem>>) target(%dma_start3A_247 : memref<128xf32, #tpu.memory_space<hbm>>) target_semaphore(%run_scoped3A : memref<!tpu.dma_semaphore, #tpu.memory_space<semaphore_mem>>)
      %dma_wait3A_250 = arith.constant 384 : i32
      %dma_wait3A_251 = tpu.memref_slice %arg9[%dma_wait3A_250] : memref<512xf32, #tpu.memory_space<vmem>> -> memref<128xf32, #tpu.memory_space<vmem>>
      %dma_wait3A_252 = tpu.memref_slice %arg5[%add3A_243] : memref<16384xf32, #tpu.memory_space<hbm>> -> memref<128xf32, #tpu.memory_space<hbm>>
      %dma_wait3A_253 = tpu.memref_slice %arg5[%add3A_243] : memref<16384xf32, #tpu.memory_space<hbm>> -> memref<128xf32, #tpu.memory_space<hbm>>
      %dma_wait3A_254 = arith.constant 384 : i32
      %dma_wait3A_255 = tpu.memref_slice %arg9[%dma_wait3A_254] : memref<512xf32, #tpu.memory_space<vmem>> -> memref<128xf32, #tpu.memory_space<vmem>>
      tpu.wait_dma2 semaphore(%run_scoped3A : memref<!tpu.dma_semaphore, #tpu.memory_space<semaphore_mem>>) src(%dma_wait3A_255 : memref<128xf32, #tpu.memory_space<vmem>>) dst(%dma_wait3A_253 : memref<128xf32, #tpu.memory_space<hbm>>)
      tpu.yield
    }) : () -> ()
    return
  }
}

</mosaic_0001>

<sc_bundles>
// kernel: kernel.3.cloned.1.call-start
scs
__scs_entry_jumppad:
0x0: {  	(pc) =	sbr.rel $0x88, $3  }
0x1: {  	(tag) =	ssettag $0x0;
	lr =	simm.s32 $0x1  }
0x2: {  	[smem:$0x3F9E] =	sst lr;
	_ =	strace $0xD0000000  }
0x3: {  	_ = 	snop  }
0x4: {  	_ = 	snop  }
0x5: {  	_ = 	snop  }
0x6: {  	_ = 	snop  }
0x7: {  	_ = 	snop  }
__scs_overlays_trampoline_lowered:
0x8: {  	[smem:$0x3FAD] =	sst s0  }
0x9: {  	[smem:$0x3FAE] =	sst s1  }
0xa: {  	[smem:$0x3FAF] =	sst s2  }
0xb: {  	[smem:$0x3FB0] =	sst s3  }
0xc: {  	[smem:$0x3FB1] =	sst s4  }
0xd: {  	[smem:$0x3FB2] =	sst s5  }
0xe: {  	[smem:$0x3FB3] =	sst s6  }
0xf: {  	[smem:$0x3FB4] =	sst s7  }
0x10: {  	[smem:$0x3FB5] =	sst s8  }
0x11: {  	[smem:$0x3FB6] =	sst s9;
	s0 =	simm.s32 @!p0 $0x0  }
0x12: {  	s1 =	sld [smem:$0x3F9C];
	s0 =	simm.s32 @p0 $0x1  }
0x13: {  	[smem:$0x3FB7] =	sst s0;
	s0 =	simm.s32 @!p1 $0x0  }
0x14: {  	s2 =	sld [smem:$0x3F9B];
	s0 =	simm.s32 @p1 $0x1  }
0x15: {  	[smem:$0x3FB8] =	sst s0;
	s0 =	simm.s32 @!p2 $0x0  }
0x16: {  	s3 =	sld [smem:$0x3FDB];
	s0 =	simm.s32 @p2 $0x1  }
0x17: {  	s4 =	simm.s32 $0x1BF5;
	[smem:$0x3FBA] =	sst s0  }
0x18: {  	s0 =	sld [smem:$0x3F9D];
	_ =	swait.ge [sflag:s4], $0x0  }
0x19: {  	s7 =	sld [smem:$0x3F9E]  }
0x1a: {  	s8 =	sadd.s32 $0xFFFFE003, lr  }
0x1b: {  	s9 =	sadd.s32 $0xFFFFFEF7, lr;
	s5 =	simm.s32 $0xFFFFFFFF;
	p2 =	slt.u32 s8, $0xFFFFF086  }
0x1c: {  	p1 =	slt.u32 s9, $0xF7A;
	s5 =	simm.s32 @!p2 $0x0  }
0x1d: {  	s5 =	simm.s32 @p1 $0x1;
	p0 =	seq.s32 s7, s2  }
0x1e: {  	s7 =	smul.u32 @!p0 $0xF7A, s2;
	p2 =	seq.s32 @!p0 s5, $0x0  }
0x1f: {  	s9 =	smul.u32 $0xF7A, s1;
	s8 =	simm.s32 @!p0 $0x1BF5;
	p2 =	por !p2, p0  }
0x20: {  	[sflag:s8] =	ssyncset.s32 @!p0 $0xFFFFF086;
	s6 =	sadd.s32 @!p0 s3, s7;
	s7 =	simm.s32 @!p0 $0x108  }
0x21: {  	s3 =	sadd.s32 s3, s9;
	s6 =	sadd.s32 @!p0 $0x88, s6;
	s7 =	simm.s32 @p2 $0x1082  }
0x22: {  	[simem:s7], [sflag:s8] =	dma.local @!p0 [hbm:s6], $0xF7A  }
0x23: {  	s9 =	sor.u32 $0xD0000000, s2;
	s6 =	simm.s32 $0x108;
	_ =	swait.ge @!p0 [sflag:s8], $0x0  }
0x24: {  	s3 =	sadd.s32 $0x88, s3;
	s6 =	simm.s32 @!p1 $0x1082;
	[sflag:s4] =	ssyncset.s32 $0xFFFFF086  }
0x25: {  	[simem:s6], [sflag:s4] =	dma.local [hbm:s3], $0xF7A  }
0x26: {  	[smem:$0x3F9E] =	sst s1;
	(tag) =	ssettag s2;
	_ =	strace s9  }
0x27: {  	s1 =	sld [smem:$0x3FAE]  }
0x28: {  	s2 =	sld [smem:$0x3FAF]  }
0x29: {  	s4 =	sld [smem:$0x3FB1]  }
0x2a: {  	p0 =	seq.s32 s5, $0x0;
	s5 =	sld [smem:$0x3FB2]  }
0x2b: {  	s6 =	sld [smem:$0x3FB3]  }
0x2c: {  	s7 =	sld [smem:$0x3FB4]  }
0x2d: {  	s3 =	simm.s32 $0x108;
	s8 =	sld [smem:$0x3FB5]  }
0x2e: {  	s3 =	simm.s32 @!p0 $0x1082;
	s9 =	sld [smem:$0x3FB6]  }
0x2f: {  	lr =	sadd.s32 s0, s3;
	s0 =	sld [smem:$0x3FAD]  }
0x30: {  	s3 =	sld [smem:$0x3FB0]  }
0x31: {  	[smem:$0x3FB9] =	sst s10  }
0x32: {  	s10 =	sld [smem:$0x3FB7];
	_ =	sdelay $0x3  }
0x33: {  	p0 =	seq.s32 s10, $0x1;
	s10 =	sld [smem:$0x3FB9];
	_ =	sdelay $0x3  }
0x34: {  	[smem:$0x3FB9] =	sst s10  }
0x35: {  	s10 =	sld [smem:$0x3FB8];
	_ =	sdelay $0x3  }
0x36: {  	p1 =	seq.s32 s10, $0x1;
	s10 =	sld [smem:$0x3FB9];
	_ =	sdelay $0x3  }
0x37: {  	[smem:$0x3FB9] =	sst s10  }
0x38: {  	s10 =	sld [smem:$0x3FBA]  }
0x39: {  	_ = 	snop;
	(pc) =	sbr.ind lr, $3  }
0x3a: {  	_ = 	snop  }
0x3b: {  	_ = 	snop  }
0x3c: {  	p2 =	seq.s32 s10, $0x1;
	s10 =	sld [smem:$0x3FB9]  }
0x3d: {  	_ =	shalt  }
0x3e: {  	_ =	shalt  }
0x3f: {  	_ =	shalt  }
0x40: {  	_ =	shalt  }
0x41: {  	_ =	shalt  }
0x42: {  	_ =	shalt  }
0x43: {  	_ =	shalt  }
0x44: {  	_ =	shalt  }
0x45: {  	_ =	shalt  }
0x46: {  	_ =	shalt  }
0x47: {  	_ =	shalt  }
0x48: {  	_ =	shalt  }
0x49: {  	_ =	shalt  }
0x4a: {  	_ =	shalt  }
0x4b: {  	_ =	shalt  }
0x4c: {  	_ =	shalt  }
0x4d: {  	_ =	shalt  }
0x4e: {  	_ =	shalt  }
0x4f: {  	_ =	shalt  }
0x50: {  	_ =	shalt  }
0x51: {  	_ =	shalt  }
0x52: {  	_ =	shalt  }
0x53: {  	_ =	shalt  }
0x54: {  	_ =	shalt  }
0x55: {  	_ =	shalt  }
0x56: {  	_ =	shalt  }
0x57: {  	_ =	shalt  }
0x58: {  	_ =	shalt  }
0x59: {  	_ =	shalt  }
0x5a: {  	_ =	shalt  }
0x5b: {  	_ =	shalt  }
0x5c: {  	_ =	shalt  }
0x5d: {  	_ =	shalt  }
0x5e: {  	_ =	shalt  }
0x5f: {  	_ =	shalt  }
0x60: {  	_ =	shalt  }
0x61: {  	_ =	shalt  }
0x62: {  	_ =	shalt  }
0x63: {  	_ =	shalt  }
0x64: {  	_ =	shalt  }
0x65: {  	_ =	shalt  }
0x66: {  	_ =	shalt  }
0x67: {  	_ =	shalt  }
0x68: {  	_ =	shalt  }
0x69: {  	_ =	shalt  }
0x6a: {  	_ =	shalt  }
0x6b: {  	_ =	shalt  }
0x6c: {  	_ =	shalt  }
0x6d: {  	_ =	shalt  }
0x6e: {  	_ =	shalt  }
0x6f: {  	_ =	shalt  }
0x70: {  	_ =	shalt  }
0x71: {  	_ =	shalt  }
0x72: {  	_ =	shalt  }
0x73: {  	_ =	shalt  }
0x74: {  	_ =	shalt  }
0x75: {  	_ =	shalt  }
0x76: {  	_ =	shalt  }
0x77: {  	_ =	shalt  }
0x78: {  	_ =	shalt  }
0x79: {  	_ =	shalt  }
0x7a: {  	_ =	shalt  }
0x7b: {  	_ =	shalt  }
0x7c: {  	_ =	shalt  }
0x7d: {  	_ =	shalt  }
0x7e: {  	_ =	shalt  }
0x7f: {  	_ =	shalt  }
0x80: {  	_ =	shalt  }
0x81: {  	_ =	shalt  }
0x82: {  	_ =	shalt  }
0x83: {  	_ =	shalt  }
0x84: {  	_ =	shalt  }
0x85: {  	_ =	shalt  }
0x86: {  	_ =	shalt  }
0x87: {  	_ =	shalt  }
.Lfunc_end0:
.L_simem_size_0:
called_computation_lowered:
.L_overlay_start_0:
0x88: {  	s2 =	sld [smem:$0x3FD9]  }
0x89: {  	s3 =	sld [smem:$0x3FFE];
	_ =	sdelay $0x1  }
0x8a: {  	s1 =	srdreg.scid  }
0x8b: {  	s0 =	sand.u32 $0x1, s1  }
0x8c: {  	s17 =	sshll.u32 s0, $0xA;
	s2 =	sadd.s32 s3, s2  }
0x8d: {  	s2 =	sadd.s32 s2, s17  }
0x8e: {  	[smem:$0x3FC5] =	sst s2  }
0x8f: {  	_ = 	snop  }
0x90: {  	s2 =	sld [smem:$0x3FC8]  }
0x91: {  	s18 =	sld [smem:$0x3FD0];
	(tm) =	ssettm $0x1  }
0x92: {  	s4 =	sld [smem:$0x3FFB];
	_ =	sdelay $0x3  }
0x93: {  	_ =	strace s4  }
0x94: {  	s4 =	sld [smem:$0x3FFC];
	_ =	sdelay $0x3  }
0x95: {  	_ =	strace s4  }
0x96: {  	s4 =	sld [smem:$0x3FFD];
	_ =	sdelay $0x3  }
0x97: {  	_ =	strace s4  }
0x98: {  	_ =	strace $0x8FFFFFFF  }
0x99: {  	s19 =	sld [smem:$0x3FDB];
	_ =	sdelay $0x1  }
0x9a: {  	s5 =	simm.s32 $_scs_section_size  }
0x9b: {  	s6 =	simm.s32 $_size__tile_overlayer_lowered;
	s7 =	simm.s32 $_tile_overlayer_lowered  }
0x9c: {  	s22 =	simm.s32 $0x1BFF;
	s21 =	sshll.u32 s7, $0x1;
	s4 =	sadd.s32 s5, s19  }
0x9d: {  	s8 =	simm.s32 $0x0;
	s20 =	sshll.u32 s6, $0x1;
	s6 =	sadd.s32 s21, s4  }
0x9e: {  	[timem:s8], [sflag:s22] =	dma.local [hbm:s6], s20  }
0x9f: {  	_ =	swait.ge [sflag:s22], s20  }
0xa0: {  	s5 =	ssub.s32 $0x0, s20;
	[sflag:s22] =	ssyncset.done $0x0  }
0xa1: {  	[sflag:s22] =	ssyncadd.s32 s5;
	_ =	sdelay $0x1  }
0xa2: {  	s23 =	simm.s32 $0x1B8B  }
0xa3: {  	_ =	swait.ge [sflag:s23], $0x1  }
0xa4: {  	[sflag:s23] =	ssyncset.done $0x0  }
0xa5: {  	s25 =	simm.s32 $0x1B8E;
	s24 =	sld [smem:$0x3FFE];
	[sflag:s23] =	ssyncadd.s32 $0xFFFFFFFF  }
0xa6: {  	s26 =	simm.s32 $execute0_lowered;
	[smem:$0x3FD2] =	sst s25  }
0xa7: {  	s6 =	sshll.u32 s26, $0x1;
	_ =	strace $0x80000046;
	[dreg:$0x1] =	wrdreg $0xFFFFFFFF  }
0xa8: {  	s28 =	simm.s32 $_size_execute0_lowered;
	s4 =	sadd.s32 s4, s6;
	[dreg:$0x0] =	wrdreg $0x0  }
0xa9: {  	s6 =	sshll.u32 s28, $0x1;
	[dreg:$0x2] =	wrdreg s4  }
0xaa: {  	[dreg:$0x3] =	wrdreg s6  }
0xab: {  	[dreg:$0x4] =	wrdreg $0xC0  }
0xac: {  	_ =	task [dreg:s8], $0x5FFFF  }
0xad: {  	[dreg:$0x1] =	wrdreg $0xFFFFFFFF  }
0xae: {  	[dreg:$0x0] =	wrdreg $0x60  }
0xaf: {  	[dreg:$0x2] =	wrdreg s24  }
0xb0: {  	[dreg:$0x3] =	wrdreg s2  }
0xb1: {  	[dreg:$0x4] =	wrdreg s18  }
0xb2: {  	[dreg:$0x5] =	wrdreg $0x9  }
0xb3: {  	_ =	task.clear_ibuf [dreg:s8], $0x6FFFF;
	_ =	strace $0x90000046  }
0xb4: {  	s29 =	simm.s32 $0x9;
	_ =	strace $0x80000048  }
0xb5: {  	_ =	swait.ge [sflag:s29], $0x1  }
0xb6: {  	[sflag:s29] =	ssyncadd.s32 $0xFFFFFFFF  }
0xb7: {  	_ =	strace $0x90000048  }
0xb8: {  	_ =	sfence  }
0xb9: {  	s30 =	sld [smem:$0x0];
	_ =	sdelay $0x2  }
0xba: {  	s31 =	sshll.u32 s1, $0xD;
	s1 =	sshrl.u32 s1, $0x2  }
0xbb: {  	s3 =	sand.u32 $0x4000, s31;
	s1 =	sadd.s32 s1, s30  }
0xbc: {  	s0 =	sor.u32 s3, s0;
	s1 =	sshll.u32 s1, $0x11  }
0xbd: {  	s0 =	sor.u32 s1, s0  }
0xbe: {  	s0 =	sadd.s32 $0x8F2B, s0  }
0xbf: {  	[sflag:s0] =	ssyncadd.remote.s32 $0x1  }
0xc0: {  	_ =	sfence.sel $0xFFFF  }
0xc1: {  	[dreg:$0x0] =	wrdreg $0xFFFFFFFF;
	(pc) =	sbr.abs _section_cstart, $3  }
0xc2: {  	[dreg:$0x1] =	wrdreg $0xFFFFFFFF  }
0xc3: {  	_ =	task.clear_ibuf [dreg:s8], $0x2FFFF;
	_ =	strace $0x9FFFFFFF  }
0xc4: {  	(tm) =	ssettm $0x7FFFFFFF  }
0xc5: {  	_ =	shalt  }
tec
execute0_lowered:
.L_overlay_start_1:
0x0: {  	(tag) =	ssettag $0x1  }
0x1: {  	s0 =	rddreg [dreg:$0x0]  }
0x2: {  	s1 =	rddreg [dreg:$0x1]  }
0x3: {  	s2 =	rddreg [dreg:$0x2];
	s3 =	simm.s32 $0x0;
	s4 =	srdreg.scid  }
0x4: {  	s5 =	stileid.u32;
	s15 =	simm.s32 $0x5;
	s16 =	simm.s32 $0x400  }
0x5: {  	s17 =	simm.s32 $0x20000;
	s21 =	simm.s32 $0x1C00;
	s22 =	simm.s32 $0x2000  }
0x6: {  	s28 =	simm.s32 $0x80;
	s29 =	simm.s32 $0x2;
	s30 =	simm.s32 $0x3  }
0x7: {  	s14 =	simm.s32 $0x0;
	[smem:$0x7FF] =	sst s3;
	s4 =	sand.u32 $0x1, s4  }
0x8: {  	s5 =	sshll.u32 s5, $0xA;
	s8 =	sadd.s32 $0x400, s0;
	s0 =	sadd.s32 $0x10400, s0  }
0x9: {  	_ =	strace $0x80000047;
	s6 =	sshll.u32 s4, $0x9;
	s4 =	ssub.s32 $0x2, s4  }
0xa: {  	[dreg:$0x4] =	wrdreg s0;
	s9 =	sor.u32 s6, s5;
	s23 =	sshrl.u32 s4, $0x1  }
0xb: {  	s6 =	sshrl.u32 s9, $0x7;
	s0 =	ssub.s32 s4, s23;
	s5 =	sadd.s32 s8, s9  }
0xc: {  	s9 =	sshrl.u32 s9, $0x3;
	s23 =	simm.s32 $0x2C00;
	s24 =	sor.u32 $0x1, s6  }
0xd: {  	s10 =	sor.u32 $0x2, s6;
	s12 =	sor.u32 $0x3, s6;
	s9 =	sadd.s32 s2, s9  }
0xe: {  	s13 =	smax.u32 s0, $0x1;
	s18 =	sadd.s32 $0xC000, s5;
	s7 =	sshll.u32 s24, $0x7  }
0xf: {  	s25 =	sshll.u32 s10, $0x7;
	s11 =	sshll.u32 s12, $0x7;
	s4 =	sshll.u32 s24, $0x4  }
0x10: {  	s26 =	sshll.u32 s10, $0x4;
	s31 =	sshll.u32 s12, $0x4;
	s24 =	simm.s32 $0x3000  }
0x11: {  	s6 =	sadd.s32 s8, s7;
	s7 =	sadd.s32 s8, s25;
	s8 =	sadd.s32 s8, s11  }
0x12: {  	s10 =	sadd.s32 s2, s4;
	s11 =	sadd.s32 s2, s26;
	s12 =	sadd.s32 s2, s31  }
0x13: {  	s25 =	simm.s32 $0x3C00;
	s26 =	simm.s32 $0x1;
	s2 =	simm.s32 $0x4  }
.LBB2_1:
0x14: {  	s0 =	rddreg [dreg:$0x4];
	s4 =	simm.s32 $0x7400  }
0x15: {  	[tilespmem:s4], [sflag:$0x5] =	stream.linear.gather [hbm4b:s0+s3], $0x80, $0x38;
	[tilespmem:$0x7680] =	vst v63  }
0x16: {  	_ =	swait.ge [sflag:s15], $0x80  }
0x17: {  	[sflag:s15] =	ssyncset.done $0x0  }
0x18: {  	[sflag:s15] =	ssyncadd.s32 $0xFFFFFF80  }
0x19: {  	[tilespmem:s3], [sflag:$0x1] =	stream.strided.gather [hbm4b:s5+s16], $0xC00, s17, s16, $0x38;
	[tilespmem:$0x7680] =	vst v63  }
0x1a: {  	s4 =	simm.s32 $0xC00  }
0x1b: {  	[tilespmem:s4], [sflag:$0x1] =	stream.linear.gather [hbm4b:s18+s3], $0x100, $0x38;
	[tilespmem:$0x7680] =	vst v63  }
0x1c: {  	s19 =	simm.s32 $0x1000  }
0x1d: {  	[tilespmem:s19], [sflag:$0x2] =	stream.strided.gather [hbm4b:s6+s16], $0xC00, s17, s16, $0x38;
	[tilespmem:$0x7680] =	vst v63  }
0x1e: {  	s20 =	sadd.s32 $0xC000, s6  }
0x1f: {  	[tilespmem:s21], [sflag:$0x2] =	stream.linear.gather [hbm4b:s20+s3], $0x100, $0x38;
	[tilespmem:$0x7680] =	vst v63  }
0x20: {  	_ = 	snop  }
0x21: {  	[tilespmem:s22], [sflag:$0x3] =	stream.strided.gather [hbm4b:s7+s16], $0xC00, s17, s16, $0x38;
	[tilespmem:$0x7680] =	vst v63  }
0x22: {  	s20 =	sadd.s32 $0xC000, s7  }
0x23: {  	[tilespmem:s23], [sflag:$0x3] =	stream.linear.gather [hbm4b:s20+s3], $0x100, $0x38;
	[tilespmem:$0x7680] =	vst v63  }
0x24: {  	_ = 	snop  }
0x25: {  	[tilespmem:s24], [sflag:$0x4] =	stream.strided.gather [hbm4b:s8+s16], $0xC00, s17, s16, $0x38;
	[tilespmem:$0x7680] =	vst v63  }
0x26: {  	s20 =	sadd.s32 $0xC000, s8  }
0x27: {  	[tilespmem:s25], [sflag:$0x4] =	stream.linear.gather [hbm4b:s20+s3], $0x100, $0x38;
	[tilespmem:$0x7680] =	vst v63  }
0x28: {  	_ =	swait.ge [sflag:s26], $0xD00  }
0x29: {  	[sflag:s26] =	ssyncset.done $0x0  }
0x2a: {  	s20 =	simm.s32 $0x4000;
	[sflag:s26] =	ssyncadd.s32 $0xFFFFF300  }
0x2b: {  	[tilespmem:s20], [sflag:$0x1] =	stream.indirect.gather [hbm4b:s1+s28], $0x1, s3, s28, $0xb8;
	[tilespmem:$0x7680] =	vst v63  }
0x2c: {  	s20 =	simm.s32 $0x4080  }
0x2d: {  	[tilespmem:s20], [sflag:$0x1] =	stream.indirect.gather [hbm4b:s1+s28], $0x1, s28, s28, $0xb8;
	[tilespmem:$0x7680] =	vst v63  }
0x2e: {  	s0 =	simm.s32 $0x100;
	s20 =	simm.s32 $0x4100  }
0x2f: {  	[tilespmem:s20], [sflag:$0x1] =	stream.indirect.gather [hbm4b:s1+s28], $0x1, s0, s28, $0xb8;
	[tilespmem:$0x7680] =	vst v63  }
0x30: {  	s0 =	simm.s32 $0x180;
	s20 =	simm.s32 $0x4180  }
0x31: {  	[tilespmem:s20], [sflag:$0x1] =	stream.indirect.gather [hbm4b:s1+s28], $0x1, s0, s28, $0xb8;
	[tilespmem:$0x7680] =	vst v63  }
0x32: {  	s0 =	simm.s32 $0x200;
	s20 =	simm.s32 $0x4200  }
0x33: {  	[tilespmem:s20], [sflag:$0x1] =	stream.indirect.gather [hbm4b:s1+s28], $0x1, s0, s28, $0xb8;
	[tilespmem:$0x7680] =	vst v63  }
0x34: {  	s0 =	simm.s32 $0x280;
	s20 =	simm.s32 $0x4280  }
0x35: {  	[tilespmem:s20], [sflag:$0x1] =	stream.indirect.gather [hbm4b:s1+s28], $0x1, s0, s28, $0xb8;
	[tilespmem:$0x7680] =	vst v63  }
0x36: {  	s0 =	simm.s32 $0x300;
	s20 =	simm.s32 $0x4300  }
0x37: {  	[tilespmem:s20], [sflag:$0x1] =	stream.indirect.gather [hbm4b:s1+s28], $0x1, s0, s28, $0xb8;
	[tilespmem:$0x7680] =	vst v63  }
0x38: {  	s0 =	simm.s32 $0x380;
	s20 =	simm.s32 $0x4380  }
0x39: {  	[tilespmem:s20], [sflag:$0x1] =	stream.indirect.gather [hbm4b:s1+s28], $0x1, s0, s28, $0xb8;
	[tilespmem:$0x7680] =	vst v63  }
0x3a: {  	s20 =	simm.s32 $0x4400  }
0x3b: {  	[tilespmem:s20], [sflag:$0x1] =	stream.indirect.gather [hbm4b:s1+s28], $0x1, s16, s28, $0xb8;
	[tilespmem:$0x7680] =	vst v63  }
0x3c: {  	s0 =	simm.s32 $0x480;
	s20 =	simm.s32 $0x4480  }
0x3d: {  	[tilespmem:s20], [sflag:$0x1] =	stream.indirect.gather [hbm4b:s1+s28], $0x1, s0, s28, $0xb8;
	[tilespmem:$0x7680] =	vst v63  }
0x3e: {  	s0 =	simm.s32 $0x500;
	s20 =	simm.s32 $0x4500  }
0x3f: {  	[tilespmem:s20], [sflag:$0x1] =	stream.indirect.gather [hbm4b:s1+s28], $0x1, s0, s28, $0xb8;
	[tilespmem:$0x7680] =	vst v63  }
0x40: {  	s0 =	simm.s32 $0x580;
	s20 =	simm.s32 $0x4580  }
0x41: {  	[tilespmem:s20], [sflag:$0x1] =	stream.indirect.gather [hbm4b:s1+s28], $0x1, s0, s28, $0xb8;
	[tilespmem:$0x7680] =	vst v63  }
0x42: {  	s0 =	simm.s32 $0x600;
	s20 =	simm.s32 $0x4600  }
0x43: {  	[tilespmem:s20], [sflag:$0x1] =	stream.indirect.gather [hbm4b:s1+s28], $0x1, s0, s28, $0xb8;
	[tilespmem:$0x7680] =	vst v63  }
0x44: {  	s0 =	simm.s32 $0x680;
	s20 =	simm.s32 $0x4680  }
0x45: {  	[tilespmem:s20], [sflag:$0x1] =	stream.indirect.gather [hbm4b:s1+s28], $0x1, s0, s28, $0xb8;
	[tilespmem:$0x7680] =	vst v63  }
0x46: {  	s0 =	simm.s32 $0x700;
	s20 =	simm.s32 $0x4700  }
0x47: {  	[tilespmem:s20], [sflag:$0x1] =	stream.indirect.gather [hbm4b:s1+s28], $0x1, s0, s28, $0xb8;
	[tilespmem:$0x7680] =	vst v63  }
0x48: {  	s0 =	simm.s32 $0x780;
	s20 =	simm.s32 $0x4780  }
0x49: {  	[tilespmem:s20], [sflag:$0x1] =	stream.indirect.gather [hbm4b:s1+s28], $0x1, s0, s28, $0xb8;
	[tilespmem:$0x7680] =	vst v63  }
0x4a: {  	s0 =	simm.s32 $0x800;
	s20 =	simm.s32 $0x4800  }
0x4b: {  	[tilespmem:s20], [sflag:$0x1] =	stream.indirect.gather [hbm4b:s1+s28], $0x1, s0, s28, $0xb8;
	[tilespmem:$0x7680] =	vst v63  }
0x4c: {  	s0 =	simm.s32 $0x880;
	s20 =	simm.s32 $0x4880  }
0x4d: {  	[tilespmem:s20], [sflag:$0x1] =	stream.indirect.gather [hbm4b:s1+s28], $0x1, s0, s28, $0xb8;
	[tilespmem:$0x7680] =	vst v63  }
0x4e: {  	s0 =	simm.s32 $0x900;
	s20 =	simm.s32 $0x4900  }
0x4f: {  	[tilespmem:s20], [sflag:$0x1] =	stream.indirect.gather [hbm4b:s1+s28], $0x1, s0, s28, $0xb8;
	[tilespmem:$0x7680] =	vst v63  }
0x50: {  	s0 =	simm.s32 $0x980;
	s20 =	simm.s32 $0x4980  }
0x51: {  	[tilespmem:s20], [sflag:$0x1] =	stream.indirect.gather [hbm4b:s1+s28], $0x1, s0, s28, $0xb8;
	[tilespmem:$0x7680] =	vst v63  }
0x52: {  	s0 =	simm.s32 $0xA00;
	s20 =	simm.s32 $0x4A00  }
0x53: {  	[tilespmem:s20], [sflag:$0x1] =	stream.indirect.gather [hbm4b:s1+s28], $0x1, s0, s28, $0xb8;
	[tilespmem:$0x7680] =	vst v63  }
0x54: {  	s0 =	simm.s32 $0xA80;
	s20 =	simm.s32 $0x4A80  }
0x55: {  	[tilespmem:s20], [sflag:$0x1] =	stream.indirect.gather [hbm4b:s1+s28], $0x1, s0, s28, $0xb8;
	[tilespmem:$0x7680] =	vst v63  }
0x56: {  	s0 =	simm.s32 $0xB00;
	s20 =	simm.s32 $0x4B00  }
0x57: {  	[tilespmem:s20], [sflag:$0x1] =	stream.indirect.gather [hbm4b:s1+s28], $0x1, s0, s28, $0xb8;
	[tilespmem:$0x7680] =	vst v63  }
0x58: {  	s0 =	simm.s32 $0xB80;
	s20 =	simm.s32 $0x4B80  }
0x59: {  	[tilespmem:s20], [sflag:$0x1] =	stream.indirect.gather [hbm4b:s1+s28], $0x1, s0, s28, $0xb8;
	[tilespmem:$0x7680] =	vst v63  }
0x5a: {  	s20 =	simm.s32 $0x4C00  }
0x5b: {  	[tilespmem:s20], [sflag:$0x1] =	stream.indirect.gather [hbm4b:s1+s28], $0x1, s4, s28, $0xb8;
	[tilespmem:$0x7680] =	vst v63  }
0x5c: {  	s4 =	simm.s32 $0xC80;
	s20 =	simm.s32 $0x4C80  }
0x5d: {  	[tilespmem:s20], [sflag:$0x1] =	stream.indirect.gather [hbm4b:s1+s28], $0x1, s4, s28, $0xb8;
	[tilespmem:$0x7680] =	vst v63  }
0x5e: {  	_ =	swait.ge [sflag:s29], $0xD00  }
0x5f: {  	[sflag:s29] =	ssyncset.done $0x0  }
0x60: {  	s4 =	simm.s32 $0x4D00;
	[sflag:s29] =	ssyncadd.s32 $0xFFFFF300  }
0x61: {  	[tilespmem:s4], [sflag:$0x2] =	stream.indirect.gather [hbm4b:s1+s28], $0x1, s19, s28, $0xb8;
	[tilespmem:$0x7680] =	vst v63  }
0x62: {  	s20 =	simm.s32 $0x4D80;
	s19 =	simm.s32 $0x1080  }
0x63: {  	[tilespmem:s20], [sflag:$0x2] =	stream.indirect.gather [hbm4b:s1+s28], $0x1, s19, s28, $0xb8;
	[tilespmem:$0x7680] =	vst v63  }
0x64: {  	s19 =	simm.s32 $0x1100;
	s20 =	simm.s32 $0x4E00  }
0x65: {  	[tilespmem:s20], [sflag:$0x2] =	stream.indirect.gather [hbm4b:s1+s28], $0x1, s19, s28, $0xb8;
	[tilespmem:$0x7680] =	vst v63  }
0x66: {  	s19 =	simm.s32 $0x1180;
	s20 =	simm.s32 $0x4E80  }
0x67: {  	[tilespmem:s20], [sflag:$0x2] =	stream.indirect.gather [hbm4b:s1+s28], $0x1, s19, s28, $0xb8;
	[tilespmem:$0x7680] =	vst v63  }
0x68: {  	s19 =	simm.s32 $0x1200;
	s20 =	simm.s32 $0x4F00  }
0x69: {  	[tilespmem:s20], [sflag:$0x2] =	stream.indirect.gather [hbm4b:s1+s28], $0x1, s19, s28, $0xb8;
	[tilespmem:$0x7680] =	vst v63  }
0x6a: {  	s19 =	simm.s32 $0x1280;
	s20 =	simm.s32 $0x4F80  }
0x6b: {  	[tilespmem:s20], [sflag:$0x2] =	stream.indirect.gather [hbm4b:s1+s28], $0x1, s19, s28, $0xb8;
	[tilespmem:$0x7680] =	vst v63  }
0x6c: {  	s19 =	simm.s32 $0x1300;
	s20 =	simm.s32 $0x5000  }
0x6d: {  	[tilespmem:s20], [sflag:$0x2] =	stream.indirect.gather [hbm4b:s1+s28], $0x1, s19, s28, $0xb8;
	[tilespmem:$0x7680] =	vst v63  }
0x6e: {  	s19 =	simm.s32 $0x1380;
	s20 =	simm.s32 $0x5080  }
0x6f: {  	[tilespmem:s20], [sflag:$0x2] =	stream.indirect.gather [hbm4b:s1+s28], $0x1, s19, s28, $0xb8;
	[tilespmem:$0x7680] =	vst v63  }
0x70: {  	s19 =	simm.s32 $0x1400;
	s20 =	simm.s32 $0x5100  }
0x71: {  	[tilespmem:s20], [sflag:$0x2] =	stream.indirect.gather [hbm4b:s1+s28], $0x1, s19, s28, $0xb8;
	[tilespmem:$0x7680] =	vst v63  }
0x72: {  	s19 =	simm.s32 $0x1480;
	s20 =	simm.s32 $0x5180  }
0x73: {  	[tilespmem:s20], [sflag:$0x2] =	stream.indirect.gather [hbm4b:s1+s28], $0x1, s19, s28, $0xb8;
	[tilespmem:$0x7680] =	vst v63  }
0x74: {  	s19 =	simm.s32 $0x1500;
	s20 =	simm.s32 $0x5200  }
0x75: {  	[tilespmem:s20], [sflag:$0x2] =	stream.indirect.gather [hbm4b:s1+s28], $0x1, s19, s28, $0xb8;
	[tilespmem:$0x7680] =	vst v63  }
0x76: {  	s19 =	simm.s32 $0x1580;
	s20 =	simm.s32 $0x5280  }
0x77: {  	[tilespmem:s20], [sflag:$0x2] =	stream.indirect.gather [hbm4b:s1+s28], $0x1, s19, s28, $0xb8;
	[tilespmem:$0x7680] =	vst v63  }
0x78: {  	s19 =	simm.s32 $0x1600;
	s20 =	simm.s32 $0x5300  }
0x79: {  	[tilespmem:s20], [sflag:$0x2] =	stream.indirect.gather [hbm4b:s1+s28], $0x1, s19, s28, $0xb8;
	[tilespmem:$0x7680] =	vst v63  }
0x7a: {  	s19 =	simm.s32 $0x1680;
	s20 =	simm.s32 $0x5380  }
0x7b: {  	[tilespmem:s20], [sflag:$0x2] =	stream.indirect.gather [hbm4b:s1+s28], $0x1, s19, s28, $0xb8;
	[tilespmem:$0x7680] =	vst v63  }
0x7c: {  	s19 =	simm.s32 $0x1700;
	s20 =	simm.s32 $0x5400  }
0x7d: {  	[tilespmem:s20], [sflag:$0x2] =	stream.indirect.gather [hbm4b:s1+s28], $0x1, s19, s28, $0xb8;
	[tilespmem:$0x7680] =	vst v63  }
0x7e: {  	s19 =	simm.s32 $0x1780;
	s20 =	simm.s32 $0x5480  }
0x7f: {  	[tilespmem:s20], [sflag:$0x2] =	stream.indirect.gather [hbm4b:s1+s28], $0x1, s19, s28, $0xb8;
	[tilespmem:$0x7680] =	vst v63  }
0x80: {  	s19 =	simm.s32 $0x1800;
	s20 =	simm.s32 $0x5500  }
0x81: {  	[tilespmem:s20], [sflag:$0x2] =	stream.indirect.gather [hbm4b:s1+s28], $0x1, s19, s28, $0xb8;
	[tilespmem:$0x7680] =	vst v63  }
0x82: {  	s19 =	simm.s32 $0x1880;
	s20 =	simm.s32 $0x5580  }
0x83: {  	[tilespmem:s20], [sflag:$0x2] =	stream.indirect.gather [hbm4b:s1+s28], $0x1, s19, s28, $0xb8;
	[tilespmem:$0x7680] =	vst v63  }
0x84: {  	s19 =	simm.s32 $0x1900;
	s20 =	simm.s32 $0x5600  }
0x85: {  	[tilespmem:s20], [sflag:$0x2] =	stream.indirect.gather [hbm4b:s1+s28], $0x1, s19, s28, $0xb8;
	[tilespmem:$0x7680] =	vst v63  }
0x86: {  	s19 =	simm.s32 $0x1980;
	s20 =	simm.s32 $0x5680  }
0x87: {  	[tilespmem:s20], [sflag:$0x2] =	stream.indirect.gather [hbm4b:s1+s28], $0x1, s19, s28, $0xb8;
	[tilespmem:$0x7680] =	vst v63  }
0x88: {  	s19 =	simm.s32 $0x1A00;
	s20 =	simm.s32 $0x5700  }
0x89: {  	[tilespmem:s20], [sflag:$0x2] =	stream.indirect.gather [hbm4b:s1+s28], $0x1, s19, s28, $0xb8;
	[tilespmem:$0x7680] =	vst v63  }
0x8a: {  	s19 =	simm.s32 $0x1A80;
	s20 =	simm.s32 $0x5780  }
0x8b: {  	[tilespmem:s20], [sflag:$0x2] =	stream.indirect.gather [hbm4b:s1+s28], $0x1, s19, s28, $0xb8;
	[tilespmem:$0x7680] =	vst v63  }
0x8c: {  	s19 =	simm.s32 $0x1B00;
	s20 =	simm.s32 $0x5800  }
0x8d: {  	[tilespmem:s20], [sflag:$0x2] =	stream.indirect.gather [hbm4b:s1+s28], $0x1, s19, s28, $0xb8;
	[tilespmem:$0x7680] =	vst v63  }
0x8e: {  	s19 =	simm.s32 $0x1B80;
	s20 =	simm.s32 $0x5880  }
0x8f: {  	[tilespmem:s20], [sflag:$0x2] =	stream.indirect.gather [hbm4b:s1+s28], $0x1, s19, s28, $0xb8;
	[tilespmem:$0x7680] =	vst v63  }
0x90: {  	s4 =	simm.s32 $0x5900  }
0x91: {  	[tilespmem:s4], [sflag:$0x2] =	stream.indirect.gather [hbm4b:s1+s28], $0x1, s21, s28, $0xb8;
	[tilespmem:$0x7680] =	vst v63  }
0x92: {  	s19 =	simm.s32 $0x1C80;
	s20 =	simm.s32 $0x5980  }
0x93: {  	[tilespmem:s20], [sflag:$0x2] =	stream.indirect.gather [hbm4b:s1+s28], $0x1, s19, s28, $0xb8;
	[tilespmem:$0x7680] =	vst v63  }
0x94: {  	_ =	swait.ge [sflag:s30], $0xD00  }
0x95: {  	[sflag:s30] =	ssyncset.done $0x0  }
0x96: {  	s4 =	simm.s32 $0x5A00;
	[sflag:s30] =	ssyncadd.s32 $0xFFFFF300  }
0x97: {  	[tilespmem:s4], [sflag:$0x3] =	stream.indirect.gather [hbm4b:s1+s28], $0x1, s22, s28, $0xb8;
	[tilespmem:$0x7680] =	vst v63  }
0x98: {  	s19 =	simm.s32 $0x2080;
	s20 =	simm.s32 $0x5A80  }
0x99: {  	[tilespmem:s20], [sflag:$0x3] =	stream.indirect.gather [hbm4b:s1+s28], $0x1, s19, s28, $0xb8;
	[tilespmem:$0x7680] =	vst v63  }
0x9a: {  	s19 =	simm.s32 $0x2100;
	s20 =	simm.s32 $0x5B00  }
0x9b: {  	[tilespmem:s20], [sflag:$0x3] =	stream.indirect.gather [hbm4b:s1+s28], $0x1, s19, s28, $0xb8;
	[tilespmem:$0x7680] =	vst v63  }
0x9c: {  	s19 =	simm.s32 $0x2180;
	s20 =	simm.s32 $0x5B80  }
0x9d: {  	[tilespmem:s20], [sflag:$0x3] =	stream.indirect.gather [hbm4b:s1+s28], $0x1, s19, s28, $0xb8;
	[tilespmem:$0x7680] =	vst v63  }
0x9e: {  	s19 =	simm.s32 $0x2200;
	s20 =	simm.s32 $0x5C00  }
0x9f: {  	[tilespmem:s20], [sflag:$0x3] =	stream.indirect.gather [hbm4b:s1+s28], $0x1, s19, s28, $0xb8;
	[tilespmem:$0x7680] =	vst v63  }
0xa0: {  	s19 =	simm.s32 $0x2280;
	s20 =	simm.s32 $0x5C80  }
0xa1: {  	[tilespmem:s20], [sflag:$0x3] =	stream.indirect.gather [hbm4b:s1+s28], $0x1, s19, s28, $0xb8;
	[tilespmem:$0x7680] =	vst v63  }
0xa2: {  	s19 =	simm.s32 $0x2300;
	s20 =	simm.s32 $0x5D00  }
0xa3: {  	[tilespmem:s20], [sflag:$0x3] =	stream.indirect.gather [hbm4b:s1+s28], $0x1, s19, s28, $0xb8;
	[tilespmem:$0x7680] =	vst v63  }
0xa4: {  	s19 =	simm.s32 $0x2380;
	s20 =	simm.s32 $0x5D80  }
0xa5: {  	[tilespmem:s20], [sflag:$0x3] =	stream.indirect.gather [hbm4b:s1+s28], $0x1, s19, s28, $0xb8;
	[tilespmem:$0x7680] =	vst v63  }
0xa6: {  	s19 =	simm.s32 $0x2400;
	s20 =	simm.s32 $0x5E00  }
0xa7: {  	[tilespmem:s20], [sflag:$0x3] =	stream.indirect.gather [hbm4b:s1+s28], $0x1, s19, s28, $0xb8;
	[tilespmem:$0x7680] =	vst v63  }
0xa8: {  	s19 =	simm.s32 $0x2480;
	s20 =	simm.s32 $0x5E80  }
0xa9: {  	[tilespmem:s20], [sflag:$0x3] =	stream.indirect.gather [hbm4b:s1+s28], $0x1, s19, s28, $0xb8;
	[tilespmem:$0x7680] =	vst v63  }
0xaa: {  	s19 =	simm.s32 $0x2500;
	s20 =	simm.s32 $0x5F00  }
0xab: {  	[tilespmem:s20], [sflag:$0x3] =	stream.indirect.gather [hbm4b:s1+s28], $0x1, s19, s28, $0xb8;
	[tilespmem:$0x7680] =	vst v63  }
0xac: {  	s19 =	simm.s32 $0x2580;
	s20 =	simm.s32 $0x5F80  }
0xad: {  	[tilespmem:s20], [sflag:$0x3] =	stream.indirect.gather [hbm4b:s1+s28], $0x1, s19, s28, $0xb8;
	[tilespmem:$0x7680] =	vst v63  }
0xae: {  	s19 =	simm.s32 $0x2600;
	s20 =	simm.s32 $0x6000  }
0xaf: {  	[tilespmem:s20], [sflag:$0x3] =	stream.indirect.gather [hbm4b:s1+s28], $0x1, s19, s28, $0xb8;
	[tilespmem:$0x7680] =	vst v63  }
0xb0: {  	s19 =	simm.s32 $0x2680;
	s20 =	simm.s32 $0x6080  }
0xb1: {  	[tilespmem:s20], [sflag:$0x3] =	stream.indirect.gather [hbm4b:s1+s28], $0x1, s19, s28, $0xb8;
	[tilespmem:$0x7680] =	vst v63  }
0xb2: {  	s19 =	simm.s32 $0x2700;
	s20 =	simm.s32 $0x6100  }
0xb3: {  	[tilespmem:s20], [sflag:$0x3] =	stream.indirect.gather [hbm4b:s1+s28], $0x1, s19, s28, $0xb8;
	[tilespmem:$0x7680] =	vst v63  }
0xb4: {  	s19 =	simm.s32 $0x2780;
	s20 =	simm.s32 $0x6180  }
0xb5: {  	[tilespmem:s20], [sflag:$0x3] =	stream.indirect.gather [hbm4b:s1+s28], $0x1, s19, s28, $0xb8;
	[tilespmem:$0x7680] =	vst v63  }
0xb6: {  	s19 =	simm.s32 $0x2800;
	s20 =	simm.s32 $0x6200  }
0xb7: {  	[tilespmem:s20], [sflag:$0x3] =	stream.indirect.gather [hbm4b:s1+s28], $0x1, s19, s28, $0xb8;
	[tilespmem:$0x7680] =	vst v63  }
0xb8: {  	s19 =	simm.s32 $0x2880;
	s20 =	simm.s32 $0x6280  }
0xb9: {  	[tilespmem:s20], [sflag:$0x3] =	stream.indirect.gather [hbm4b:s1+s28], $0x1, s19, s28, $0xb8;
	[tilespmem:$0x7680] =	vst v63  }
0xba: {  	s19 =	simm.s32 $0x2900;
	s20 =	simm.s32 $0x6300  }
0xbb: {  	[tilespmem:s20], [sflag:$0x3] =	stream.indirect.gather [hbm4b:s1+s28], $0x1, s19, s28, $0xb8;
	[tilespmem:$0x7680] =	vst v63  }
0xbc: {  	s19 =	simm.s32 $0x2980;
	s20 =	simm.s32 $0x6380  }
0xbd: {  	[tilespmem:s20], [sflag:$0x3] =	stream.indirect.gather [hbm4b:s1+s28], $0x1, s19, s28, $0xb8;
	[tilespmem:$0x7680] =	vst v63  }
0xbe: {  	s19 =	simm.s32 $0x2A00;
	s20 =	simm.s32 $0x6400  }
0xbf: {  	[tilespmem:s20], [sflag:$0x3] =	stream.indirect.gather [hbm4b:s1+s28], $0x1, s19, s28, $0xb8;
	[tilespmem:$0x7680] =	vst v63  }
0xc0: {  	s19 =	simm.s32 $0x2A80;
	s20 =	simm.s32 $0x6480  }
0xc1: {  	[tilespmem:s20], [sflag:$0x3] =	stream.indirect.gather [hbm4b:s1+s28], $0x1, s19, s28, $0xb8;
	[tilespmem:$0x7680] =	vst v63  }
0xc2: {  	s19 =	simm.s32 $0x2B00;
	s20 =	simm.s32 $0x6500  }
0xc3: {  	[tilespmem:s20], [sflag:$0x3] =	stream.indirect.gather [hbm4b:s1+s28], $0x1, s19, s28, $0xb8;
	[tilespmem:$0x7680] =	vst v63  }
0xc4: {  	s19 =	simm.s32 $0x2B80;
	s20 =	simm.s32 $0x6580  }
0xc5: {  	[tilespmem:s20], [sflag:$0x3] =	stream.indirect.gather [hbm4b:s1+s28], $0x1, s19, s28, $0xb8;
	[tilespmem:$0x7680] =	vst v63  }
0xc6: {  	s4 =	simm.s32 $0x6600  }
0xc7: {  	[tilespmem:s4], [sflag:$0x3] =	stream.indirect.gather [hbm4b:s1+s28], $0x1, s23, s28, $0xb8;
	[tilespmem:$0x7680] =	vst v63  }
0xc8: {  	s19 =	simm.s32 $0x2C80;
	s20 =	simm.s32 $0x6680  }
0xc9: {  	[tilespmem:s20], [sflag:$0x3] =	stream.indirect.gather [hbm4b:s1+s28], $0x1, s19, s28, $0xb8;
	[tilespmem:$0x7680] =	vst v63  }
0xca: {  	_ =	swait.ge [sflag:s2], $0xD00  }
0xcb: {  	[sflag:s2] =	ssyncset.done $0x0  }
0xcc: {  	s4 =	simm.s32 $0x6700;
	[sflag:s2] =	ssyncadd.s32 $0xFFFFF300  }
0xcd: {  	[tilespmem:s4], [sflag:$0x4] =	stream.indirect.gather [hbm4b:s1+s28], $0x1, s24, s28, $0xb8;
	[tilespmem:$0x7680] =	vst v63  }
0xce: {  	s19 =	simm.s32 $0x3080;
	s20 =	simm.s32 $0x6780  }
0xcf: {  	[tilespmem:s20], [sflag:$0x4] =	stream.indirect.gather [hbm4b:s1+s28], $0x1, s19, s28, $0xb8;
	[tilespmem:$0x7680] =	vst v63  }
0xd0: {  	s19 =	simm.s32 $0x3100;
	s20 =	simm.s32 $0x6800  }
0xd1: {  	[tilespmem:s20], [sflag:$0x4] =	stream.indirect.gather [hbm4b:s1+s28], $0x1, s19, s28, $0xb8;
	[tilespmem:$0x7680] =	vst v63  }
0xd2: {  	s19 =	simm.s32 $0x3180;
	s20 =	simm.s32 $0x6880  }
0xd3: {  	[tilespmem:s20], [sflag:$0x4] =	stream.indirect.gather [hbm4b:s1+s28], $0x1, s19, s28, $0xb8;
	[tilespmem:$0x7680] =	vst v63  }
0xd4: {  	s19 =	simm.s32 $0x3200;
	s20 =	simm.s32 $0x6900  }
0xd5: {  	[tilespmem:s20], [sflag:$0x4] =	stream.indirect.gather [hbm4b:s1+s28], $0x1, s19, s28, $0xb8;
	[tilespmem:$0x7680] =	vst v63  }
0xd6: {  	s19 =	simm.s32 $0x3280;
	s20 =	simm.s32 $0x6980  }
0xd7: {  	[tilespmem:s20], [sflag:$0x4] =	stream.indirect.gather [hbm4b:s1+s28], $0x1, s19, s28, $0xb8;
	[tilespmem:$0x7680] =	vst v63  }
0xd8: {  	s19 =	simm.s32 $0x3300;
	s20 =	simm.s32 $0x6A00  }
0xd9: {  	[tilespmem:s20], [sflag:$0x4] =	stream.indirect.gather [hbm4b:s1+s28], $0x1, s19, s28, $0xb8;
	[tilespmem:$0x7680] =	vst v63  }
0xda: {  	s19 =	simm.s32 $0x3380;
	s20 =	simm.s32 $0x6A80  }
0xdb: {  	[tilespmem:s20], [sflag:$0x4] =	stream.indirect.gather [hbm4b:s1+s28], $0x1, s19, s28, $0xb8;
	[tilespmem:$0x7680] =	vst v63  }
0xdc: {  	s19 =	simm.s32 $0x3400;
	s20 =	simm.s32 $0x6B00  }
0xdd: {  	[tilespmem:s20], [sflag:$0x4] =	stream.indirect.gather [hbm4b:s1+s28], $0x1, s19, s28, $0xb8;
	[tilespmem:$0x7680] =	vst v63  }
0xde: {  	s19 =	simm.s32 $0x3480;
	s20 =	simm.s32 $0x6B80  }
0xdf: {  	[tilespmem:s20], [sflag:$0x4] =	stream.indirect.gather [hbm4b:s1+s28], $0x1, s19, s28, $0xb8;
	[tilespmem:$0x7680] =	vst v63  }
0xe0: {  	s19 =	simm.s32 $0x3500;
	s20 =	simm.s32 $0x6C00  }
0xe1: {  	[tilespmem:s20], [sflag:$0x4] =	stream.indirect.gather [hbm4b:s1+s28], $0x1, s19, s28, $0xb8;
	[tilespmem:$0x7680] =	vst v63  }
0xe2: {  	s19 =	simm.s32 $0x3580;
	s20 =	simm.s32 $0x6C80  }
0xe3: {  	[tilespmem:s20], [sflag:$0x4] =	stream.indirect.gather [hbm4b:s1+s28], $0x1, s19, s28, $0xb8;
	[tilespmem:$0x7680] =	vst v63  }
0xe4: {  	s19 =	simm.s32 $0x3600;
	s20 =	simm.s32 $0x6D00  }
0xe5: {  	[tilespmem:s20], [sflag:$0x4] =	stream.indirect.gather [hbm4b:s1+s28], $0x1, s19, s28, $0xb8;
	[tilespmem:$0x7680] =	vst v63  }
0xe6: {  	s19 =	simm.s32 $0x3680;
	s20 =	simm.s32 $0x6D80  }
0xe7: {  	[tilespmem:s20], [sflag:$0x4] =	stream.indirect.gather [hbm4b:s1+s28], $0x1, s19, s28, $0xb8;
	[tilespmem:$0x7680] =	vst v63  }
0xe8: {  	s19 =	simm.s32 $0x3700;
	s20 =	simm.s32 $0x6E00  }
0xe9: {  	[tilespmem:s20], [sflag:$0x4] =	stream.indirect.gather [hbm4b:s1+s28], $0x1, s19, s28, $0xb8;
	[tilespmem:$0x7680] =	vst v63  }
0xea: {  	s19 =	simm.s32 $0x3780;
	s20 =	simm.s32 $0x6E80  }
0xeb: {  	[tilespmem:s20], [sflag:$0x4] =	stream.indirect.gather [hbm4b:s1+s28], $0x1, s19, s28, $0xb8;
	[tilespmem:$0x7680] =	vst v63  }
0xec: {  	s19 =	simm.s32 $0x3800;
	s20 =	simm.s32 $0x6F00  }
0xed: {  	[tilespmem:s20], [sflag:$0x4] =	stream.indirect.gather [hbm4b:s1+s28], $0x1, s19, s28, $0xb8;
	[tilespmem:$0x7680] =	vst v63  }
0xee: {  	s19 =	simm.s32 $0x3880;
	s20 =	simm.s32 $0x6F80  }
0xef: {  	[tilespmem:s20], [sflag:$0x4] =	stream.indirect.gather [hbm4b:s1+s28], $0x1, s19, s28, $0xb8;
	[tilespmem:$0x7680] =	vst v63  }
0xf0: {  	s19 =	simm.s32 $0x3900;
	s20 =	simm.s32 $0x7000  }
0xf1: {  	[tilespmem:s20], [sflag:$0x4] =	stream.indirect.gather [hbm4b:s1+s28], $0x1, s19, s28, $0xb8;
	[tilespmem:$0x7680] =	vst v63  }
0xf2: {  	s19 =	simm.s32 $0x3980;
	s20 =	simm.s32 $0x7080  }
0xf3: {  	[tilespmem:s20], [sflag:$0x4] =	stream.indirect.gather [hbm4b:s1+s28], $0x1, s19, s28, $0xb8;
	[tilespmem:$0x7680] =	vst v63  }
0xf4: {  	s19 =	simm.s32 $0x3A00;
	s20 =	simm.s32 $0x7100  }
0xf5: {  	[tilespmem:s20], [sflag:$0x4] =	stream.indirect.gather [hbm4b:s1+s28], $0x1, s19, s28, $0xb8;
	[tilespmem:$0x7680] =	vst v63  }
0xf6: {  	s19 =	simm.s32 $0x3A80;
	s20 =	simm.s32 $0x7180  }
0xf7: {  	[tilespmem:s20], [sflag:$0x4] =	stream.indirect.gather [hbm4b:s1+s28], $0x1, s19, s28, $0xb8;
	[tilespmem:$0x7680] =	vst v63  }
0xf8: {  	s19 =	simm.s32 $0x3B00;
	s20 =	simm.s32 $0x7200  }
0xf9: {  	[tilespmem:s20], [sflag:$0x4] =	stream.indirect.gather [hbm4b:s1+s28], $0x1, s19, s28, $0xb8;
	[tilespmem:$0x7680] =	vst v63  }
0xfa: {  	s19 =	simm.s32 $0x3B80;
	s20 =	simm.s32 $0x7280  }
0xfb: {  	[tilespmem:s20], [sflag:$0x4] =	stream.indirect.gather [hbm4b:s1+s28], $0x1, s19, s28, $0xb8;
	[tilespmem:$0x7680] =	vst v63  }
0xfc: {  	s4 =	simm.s32 $0x7300  }
0xfd: {  	[tilespmem:s4], [sflag:$0x4] =	stream.indirect.gather [hbm4b:s1+s28], $0x1, s25, s28, $0xb8;
	[tilespmem:$0x7680] =	vst v63  }
0xfe: {  	s19 =	simm.s32 $0x3C80;
	s20 =	simm.s32 $0x7380  }
0xff: {  	[tilespmem:s20], [sflag:$0x4] =	stream.indirect.gather [hbm4b:s1+s28], $0x1, s19, s28, $0xb8;
	[tilespmem:$0x7680] =	vst v63  }
0x100: {  	v0 =	vld [tilespmem:$0x7400];
	_ =	swait.ge [sflag:s26], $0xD00  }
0x101: {  	[sflag:s26] =	ssyncset.done $0x0  }
0x102: {  	s4 =	simm.s32 $0x0;
	[sflag:s26] =	ssyncadd.s32 $0xFFFFF300  }
0x103: {  	v1 =	vld [tilespmem:s4+$0x4000];
	_ =	sdelay $0x1  }
0x104: {  	v2 =	vld [tilespmem:s4+$0x4080];
	_ =	sdelay $0x1  }
0x105: {  	v3 =	vld [tilespmem:s4+$0x4100]  }
0x106: {  	v1 =	vadd.f32 v1, v0  }
0x107: {  	v4 =	vld [tilespmem:s4+$0x4180]  }
0x108: {  	v1 =	vadd.f32 v2, v1  }
0x109: {  	v2 =	vld [tilespmem:s4+$0x4200]  }
0x10a: {  	v1 =	vadd.f32 v3, v1  }
0x10b: {  	v3 =	vld [tilespmem:s4+$0x4280]  }
0x10c: {  	v1 =	vadd.f32 v4, v1  }
0x10d: {  	v4 =	vld [tilespmem:s4+$0x4300]  }
0x10e: {  	v1 =	vadd.f32 v2, v1  }
0x10f: {  	v2 =	vld [tilespmem:s4+$0x4380]  }
0x110: {  	v1 =	vadd.f32 v3, v1  }
0x111: {  	v3 =	vld [tilespmem:s4+$0x4400]  }
0x112: {  	v1 =	vadd.f32 v4, v1  }
0x113: {  	v4 =	vld [tilespmem:s4+$0x4480]  }
0x114: {  	v1 =	vadd.f32 v2, v1  }
0x115: {  	v2 =	vld [tilespmem:s4+$0x4500]  }
0x116: {  	v1 =	vadd.f32 v3, v1  }
0x117: {  	v5 =	vld [tilespmem:s4+$0x4580]  }
0x118: {  	v1 =	vadd.f32 v4, v1  }
0x119: {  	s31 =	simm.s32 $0x10;
	v3 =	vld [tilespmem:s4+$0x4600]  }
0x11a: {  	v6 =	vld [tilespmem:s31+$0x4000];
	v1 =	vadd.f32 v2, v1  }
0x11b: {  	v4 =	vld [tilespmem:s4+$0x4680]  }
0x11c: {  	v7 =	vld [tilespmem:s31+$0x4080];
	v1 =	vadd.f32 v5, v1  }
0x11d: {  	v2 =	vld [tilespmem:s4+$0x4700]  }
0x11e: {  	v8 =	vld [tilespmem:s31+$0x4100];
	v1 =	vadd.f32 v3, v1  }
0x11f: {  	v5 =	vld [tilespmem:s4+$0x4780]  }
0x120: {  	v9 =	vld [tilespmem:s31+$0x4180];
	v6 =	vadd.f32 v6, v0;
	v1 =	vadd.f32 v4, v1  }
0x121: {  	v3 =	vld [tilespmem:s4+$0x4800]  }
0x122: {  	v6 =	vadd.f32 v7, v6;
	v7 =	vld [tilespmem:s31+$0x4200];
	v1 =	vadd.f32 v2, v1  }
0x123: {  	v4 =	vld [tilespmem:s4+$0x4880]  }
0x124: {  	v6 =	vadd.f32 v8, v6;
	v8 =	vld [tilespmem:s31+$0x4280];
	v1 =	vadd.f32 v5, v1  }
0x125: {  	v2 =	vld [tilespmem:s4+$0x4900]  }
0x126: {  	v58 =	vld [tilespmem:s31+$0x4300];
	v6 =	vadd.f32 v9, v6;
	v1 =	vadd.f32 v3, v1  }
0x127: {  	v5 =	vld [tilespmem:s4+$0x4980]  }
0x128: {  	v6 =	vadd.f32 v7, v6;
	v7 =	vld [tilespmem:s31+$0x4380];
	v1 =	vadd.f32 v4, v1  }
0x129: {  	v3 =	vld [tilespmem:s4+$0x4A00]  }
0x12a: {  	v6 =	vadd.f32 v8, v6;
	v8 =	vld [tilespmem:s4+$0x4A80];
	v1 =	vadd.f32 v2, v1  }
0x12b: {  	v4 =	vld [tilespmem:s31+$0x4400]  }
0x12c: {  	v59 =	vld [tilespmem:s4+$0x4B00];
	v6 =	vadd.f32 v58, v6;
	v1 =	vadd.f32 v5, v1  }
0x12d: {  	v2 =	vld [tilespmem:s31+$0x4480]  }
0x12e: {  	v6 =	vadd.f32 v7, v6;
	v7 =	vld [tilespmem:s4+$0x4B80];
	v1 =	vadd.f32 v3, v1  }
0x12f: {  	v5 =	vld [tilespmem:s31+$0x4500]  }
0x130: {  	v4 =	vadd.f32 v4, v6;
	v6 =	vld [tilespmem:s4+$0x4C00];
	v1 =	vadd.f32 v8, v1  }
0x131: {  	v3 =	vld [tilespmem:s31+$0x4580]  }
0x132: {  	v2 =	vadd.f32 v2, v4;
	v4 =	vld [tilespmem:s4+$0x4C80];
	v1 =	vadd.f32 v59, v1  }
0x133: {  	s0 =	simm.s32 $0x20;
	v8 =	vld [tilespmem:s31+$0x4600]  }
0x134: {  	v2 =	vadd.f32 v5, v2;
	v5 =	vld [tilespmem:s0+$0x4000];
	v1 =	vadd.f32 v7, v1  }
0x135: {  	v60 =	vld [tilespmem:s31+$0x4680]  }
0x136: {  	v2 =	vadd.f32 v3, v2;
	v3 =	vld [tilespmem:s0+$0x4080];
	v1 =	vadd.f32 v6, v1  }
0x137: {  	v7 =	vld [tilespmem:s31+$0x4700]  }
0x138: {  	v2 =	vadd.f32 v8, v2;
	v8 =	vld [tilespmem:s0+$0x4100];
	v1 =	vadd.f32 v4, v1  }
0x139: {  	v6 =	vld [tilespmem:s31+$0x4780];
	v5 =	vadd.f32 v5, v0  }
0x13a: {  	v61 =	vld [tilespmem:s0+$0x4180];
	v2 =	vadd.f32 v60, v2;
	v1 =	vsub.f32 $0.0e+00, v1  }
0x13b: {  	v4 =	vld [tilespmem:s31+$0x4800];
	v3 =	vadd.f32 v3, v5  }
0x13c: {  	v5 =	vld [tilespmem:s0+$0x4200];
	v2 =	vadd.f32 v7, v2;
	v1 =	vmul.f32 $1.442695020e+00, v1  }
0x13d: {  	v7 =	vld [tilespmem:s31+$0x4880];
	v3 =	vadd.f32 v8, v3  }
0x13e: {  	v8 =	vld [tilespmem:s0+$0x4280];
	v2 =	vadd.f32 v6, v2;
	(erf) = vpow2.f32 v1  }
0x13f: {  	v6 =	vld [tilespmem:s31+$0x4900];
	v3 =	vadd.f32 v61, v3  }
0x140: {  	v62 =	vld [tilespmem:s0+$0x4300];
	v2 =	vadd.f32 v4, v2  }
0x141: {  	v1 =	vld [tilespmem:s31+$0x4980];
	v3 =	vadd.f32 v5, v3  }
0x142: {  	v4 =	vld [tilespmem:s0+$0x4380];
	v2 =	vadd.f32 v7, v2  }
0x143: {  	v5 =	vld [tilespmem:s31+$0x4A00];
	v3 =	vadd.f32 v8, v3  }
0x144: {  	v7 =	vld [tilespmem:s0+$0x4400];
	v2 =	vadd.f32 v6, v2  }
0x145: {  	v6 =	vld [tilespmem:s31+$0x4A80];
	v3 =	vadd.f32 v62, v3  }
0x146: {  	v8 =	vld [tilespmem:s0+$0x4480];
	v1 =	vadd.f32 v1, v2  }
0x147: {  	v2 =	vld [tilespmem:s31+$0x4B00];
	v3 =	vadd.f32 v4, v3;
	v4 =	vpop (erf)  }
0x148: {  	v63 =	vld [tilespmem:s31+$0x4B80];
	v1 =	vadd.f32 v5, v1;
	v10 =	vadd.f32 $1.000000000e+00, v4  }
0x149: {  	v5 =	vld [tilespmem:s0+$0x4500]  }
0x14a: {  	v7 =	vadd.f32 v7, v3;
	v3 =	vld [tilespmem:s31+$0x4C00];
	v6 =	vadd.f32 v6, v1;
	(erf) = vrcp.f32 v10  }
0x14b: {  	v1 =	vld [tilespmem:s0+$0x4580]  }
0x14c: {  	v7 =	vadd.f32 v8, v7;
	v4 =	vld [tilespmem:s31+$0x4C80];
	v8 =	vadd.f32 v2, v6  }
0x14d: {  	s19 =	simm.s32 $0x30;
	v2 =	vld [tilespmem:s0+$0x4600]  }
0x14e: {  	s20 =	simm.s32 $0x100;
	v6 =	vld [tilespmem:s19+$0x4000];
	v5 =	vadd.f32 v5, v7;
	v7 =	vadd.f32 v63, v8  }
.LBB2_2:
0x14f: {  	p0 =	sne.s32 s20, $0x1C0;
	v8 =	vld [tilespmem:s0+$0x4680]  }
0x150: {  	v9 =	vld [tilespmem:s19+$0x4080];
	v1 =	vadd.f32 v1, v5;
	v3 =	vadd.f32 v3, v7  }
0x151: {  	v5 =	vld [tilespmem:s0+$0x4700]  }
0x152: {  	v7 =	vld [tilespmem:s19+$0x4100];
	v1 =	vadd.f32 v2, v1;
	v2 =	vadd.f32 v4, v3  }
0x153: {  	v3 =	vadd.f32 v6, v0;
	v4 =	vld [tilespmem:s0+$0x4780];
	v6 =	vpop (erf)  }
0x154: {  	v10 =	vld [tilespmem:s19+$0x4180];
	v1 =	vadd.f32 v8, v1;
	v2 =	vsub.f32 $0.0e+00, v2;
	[tilespmem:s4+$0x7480] =	vst v6;
	s4 =	smov.u32 s31;
	s31 =	smov.u32 s0;
	s0 =	smov.u32 s19  }
0x155: {  	v3 =	vadd.f32 v9, v3;
	v6 =	vld [tilespmem:s31+$0x4800]  }
0x156: {  	v8 =	vld [tilespmem:s0+$0x4200];
	v1 =	vadd.f32 v5, v1;
	v2 =	vmul.f32 $1.442695020e+00, v2  }
0x157: {  	v3 =	vadd.f32 v7, v3;
	v5 =	vld [tilespmem:s31+$0x4880]  }
0x158: {  	v7 =	vld [tilespmem:s0+$0x4280];
	v1 =	vadd.f32 v4, v1;
	(erf) = vpow2.f32 v2  }
0x159: {  	v2 =	vadd.f32 v10, v3;
	v3 =	vld [tilespmem:s31+$0x4900]  }
0x15a: {  	v4 =	vld [tilespmem:s0+$0x4300];
	v1 =	vadd.f32 v6, v1  }
0x15b: {  	v2 =	vadd.f32 v8, v2;
	v6 =	vld [tilespmem:s31+$0x4980]  }
0x15c: {  	v8 =	vld [tilespmem:s0+$0x4380];
	v1 =	vadd.f32 v5, v1  }
0x15d: {  	v2 =	vadd.f32 v7, v2;
	v5 =	vld [tilespmem:s31+$0x4A00]  }
0x15e: {  	v1 =	vadd.f32 v3, v1;
	v3 =	vld [tilespmem:s31+$0x4A80]  }
0x15f: {  	v2 =	vadd.f32 v4, v2;
	v4 =	vld [tilespmem:s0+$0x4400]  }
0x160: {  	v1 =	vadd.f32 v6, v1;
	v6 =	vld [tilespmem:s31+$0x4B00]  }
0x161: {  	v2 =	vadd.f32 v8, v2;
	v7 =	vld [tilespmem:s0+$0x4480];
	v8 =	vpop (erf)  }
0x162: {  	v1 =	vadd.f32 v5, v1;
	v9 =	vld [tilespmem:s31+$0x4B80];
	v5 =	vadd.f32 $1.000000000e+00, v8  }
0x163: {  	v8 =	vld [tilespmem:s0+$0x4500]  }
.Ltmp0:
0x164: {  	v2 =	vadd.f32 v4, v2;
	v4 =	vadd.f32 v3, v1;
	v3 =	vld [tilespmem:s31+$0x4C00];
	(erf) = vrcp.f32 v5;
	(pc) =	sbr.rel @p0 .LBB2_2-.Ltmp0, $4  }
0x165: {  	v1 =	vld [tilespmem:s0+$0x4580]  }
0x166: {  	v5 =	vadd.f32 v7, v2;
	v7 =	vadd.f32 v6, v4;
	v4 =	vld [tilespmem:s31+$0x4C80]  }
0x167: {  	s19 =	sshra.s32 s20, $0x2;
	v2 =	vld [tilespmem:s0+$0x4600]  }
0x168: {  	s20 =	sadd.s32 $0x40, s20;
	v6 =	vld [tilespmem:s19+$0x4000];
	v5 =	vadd.f32 v8, v5;
	v7 =	vadd.f32 v9, v7  }
0x169: {  	_ = 	snop  }
0x16a: {  	v3 =	vadd.f32 v3, v7  }
0x16b: {  	v7 =	vld [tilespmem:s19+$0x4080]  }
0x16c: {  	v8 =	vld [tilespmem:s0+$0x4680];
	v3 =	vadd.f32 v4, v3  }
0x16d: {  	v4 =	vld [tilespmem:s19+$0x4100]  }
0x16e: {  	v9 =	vld [tilespmem:s0+$0x4700];
	v6 =	vadd.f32 v6, v0;
	v3 =	vsub.f32 $0.0e+00, v3  }
0x16f: {  	v12 =	vld [tilespmem:s19+$0x4180];
	v11 =	vpop (erf)  }
0x170: {  	v10 =	vld [tilespmem:s0+$0x4780];
	[tilespmem:s4+$0x7480] =	vst v11;
	v6 =	vadd.f32 v7, v6;
	v3 =	vmul.f32 $1.442695020e+00, v3  }
0x171: {  	v7 =	vld [tilespmem:s19+$0x4200]  }
0x172: {  	v4 =	vadd.f32 v4, v6;
	(erf) = vpow2.f32 v3  }
0x173: {  	v3 =	vld [tilespmem:s19+$0x4280]  }
0x174: {  	v4 =	vadd.f32 v12, v4  }
0x175: {  	v1 =	vadd.f32 v1, v5;
	v11 =	vld [tilespmem:s19+$0x4300]  }
0x176: {  	v46 =	vld [tilespmem:s0+$0x4880];
	v4 =	vadd.f32 v7, v4  }
0x177: {  	v1 =	vadd.f32 v2, v1;
	v5 =	vld [tilespmem:s19+$0x4380]  }
0x178: {  	v2 =	vld [tilespmem:s19+$0x4400];
	v3 =	vadd.f32 v3, v4  }
0x179: {  	v1 =	vadd.f32 v8, v1;
	v8 =	vld [tilespmem:s19+$0x4480]  }
0x17a: {  	v48 =	vld [tilespmem:s19+$0x4500];
	v3 =	vadd.f32 v11, v3  }
0x17b: {  	v49 =	vld [tilespmem:s19+$0x4580];
	v47 =	vpop (erf)  }
0x17c: {  	v6 =	vld [tilespmem:s0+$0x4800];
	v3 =	vadd.f32 v5, v3;
	v11 =	vadd.f32 $1.000000000e+00, v47  }
0x17d: {  	v50 =	vld [tilespmem:s0+$0x4B00];
	v1 =	vadd.f32 v9, v1  }
0x17e: {  	v51 =	vld [tilespmem:s19+$0x4680];
	v2 =	vadd.f32 v2, v3;
	(erf) = vrcp.f32 v11  }
0x17f: {  	v52 =	vld [tilespmem:s0+$0x4C00];
	v1 =	vadd.f32 v10, v1  }
0x180: {  	v7 =	vld [tilespmem:s0+$0x4900];
	v2 =	vadd.f32 v8, v2  }
0x181: {  	v1 =	vadd.f32 v6, v1;
	v6 =	vld [tilespmem:s19+$0x4600]  }
0x182: {  	v4 =	vld [tilespmem:s0+$0x4980];
	v2 =	vadd.f32 v48, v2  }
0x183: {  	v53 =	vld [tilespmem:s0+$0x4C80];
	v1 =	vadd.f32 v46, v1  }
0x184: {  	v5 =	vld [tilespmem:s0+$0x4A00];
	v2 =	vadd.f32 v49, v2  }
0x185: {  	v1 =	vadd.f32 v7, v1;
	v7 =	vld [tilespmem:s19+$0x4700]  }
0x186: {  	v3 =	vld [tilespmem:s0+$0x4A80];
	v2 =	vadd.f32 v6, v2  }
0x187: {  	v1 =	vadd.f32 v4, v1;
	v4 =	vld [tilespmem:s19+$0x4780];
	v6 =	vpop (erf)  }
0x188: {  	v8 =	vld [tilespmem:s0+$0x4B80];
	v2 =	vadd.f32 v51, v2;
	[tilespmem:s31+$0x7480] =	vst v6  }
0x189: {  	v1 =	vadd.f32 v5, v1;
	v5 =	vld [tilespmem:s19+$0x4800]  }
0x18a: {  	v2 =	vadd.f32 v7, v2  }
0x18b: {  	v1 =	vadd.f32 v3, v1;
	v3 =	vld [tilespmem:s19+$0x4880]  }
0x18c: {  	v2 =	vadd.f32 v4, v2  }
0x18d: {  	v1 =	vadd.f32 v50, v1;
	v4 =	vld [tilespmem:s19+$0x4900]  }
0x18e: {  	v2 =	vadd.f32 v5, v2  }
0x18f: {  	v1 =	vadd.f32 v8, v1;
	v5 =	vld [tilespmem:s19+$0x4980]  }
0x190: {  	v2 =	vadd.f32 v3, v2  }
0x191: {  	v1 =	vadd.f32 v52, v1;
	v3 =	vld [tilespmem:s19+$0x4A00]  }
0x192: {  	v2 =	vadd.f32 v4, v2  }
0x193: {  	v1 =	vadd.f32 v53, v1;
	v4 =	vld [tilespmem:s19+$0x4A80]  }
0x194: {  	v2 =	vadd.f32 v5, v2  }
0x195: {  	v1 =	vsub.f32 $0.0e+00, v1;
	v5 =	vld [tilespmem:s19+$0x4B00]  }
0x196: {  	v2 =	vadd.f32 v3, v2  }
0x197: {  	v1 =	vmul.f32 $1.442695020e+00, v1;
	v3 =	vld [tilespmem:s19+$0x4B80]  }
0x198: {  	v2 =	vadd.f32 v4, v2  }
0x199: {  	(erf) = vpow2.f32 v1;
	v1 =	vld [tilespmem:s19+$0x4C00]  }
0x19a: {  	v2 =	vadd.f32 v5, v2  }
0x19b: {  	v4 =	vld [tilespmem:s19+$0x4C80]  }
0x19c: {  	v2 =	vadd.f32 v3, v2;
	_ =	sdelay $0x1  }
0x19d: {  	v1 =	vadd.f32 v1, v2;
	_ =	sdelay $0x1  }
0x19e: {  	v1 =	vadd.f32 v4, v1;
	_ =	sdelay $0x1  }
0x19f: {  	v2 =	vpop (erf);
	v1 =	vsub.f32 $0.0e+00, v1  }
0x1a0: {  	v2 =	vadd.f32 $1.000000000e+00, v2  }
0x1a1: {  	v1 =	vmul.f32 $1.442695020e+00, v1  }
0x1a2: {  	(erf) = vrcp.f32 v2  }
0x1a3: {  	(erf) = vpow2.f32 v1;
	_ =	sdelay $0x7  }
0x1a4: {  	v1 =	vpop (erf)  }
0x1a5: {  	v2 =	vpop (erf)  }
0x1a6: {  	v2 =	vadd.f32 $1.000000000e+00, v2;
	_ =	sdelay $0x1  }
0x1a7: {  	(erf) = vrcp.f32 v2;
	_ =	sdelay $0x8  }
0x1a8: {  	[tilespmem:s0+$0x7480] =	vst v1;
	v1 =	vpop (erf)  }
0x1a9: {  	s20 =	simm.s32 $0x7480;
	[tilespmem:s19+$0x7480] =	vst v1;
	s19 =	simm.s32 $0x0  }
0x1aa: {  	[hbm4b:s9+s19] =	stream.linear.scatter [tilespmem:s20], [sflag:$0x5], $0x80, $0x38;
	[tilespmem:$0x7680] =	vst v63  }
0x1ab: {  	_ =	swait.ge [sflag:s15], $0x80  }
0x1ac: {  	[sflag:s15] =	ssyncset.done $0x0  }
0x1ad: {  	[sflag:s15] =	ssyncadd.s32 $0xFFFFFF80  }
0x1ae: {  	_ =	swait.ge [sflag:s29], $0xD00  }
0x1af: {  	[sflag:s29] =	ssyncset.done $0x0  }
0x1b0: {  	s4 =	simm.s32 $0x0;
	[sflag:s29] =	ssyncadd.s32 $0xFFFFF300  }
0x1b1: {  	v1 =	vld [tilespmem:s4+$0x4D00];
	_ =	sdelay $0x1  }
0x1b2: {  	v2 =	vld [tilespmem:s4+$0x4D80];
	_ =	sdelay $0x1  }
0x1b3: {  	v3 =	vld [tilespmem:s4+$0x4E00]  }
0x1b4: {  	v1 =	vadd.f32 v1, v0  }
0x1b5: {  	v4 =	vld [tilespmem:s4+$0x4E80]  }
0x1b6: {  	v1 =	vadd.f32 v2, v1  }
0x1b7: {  	v2 =	vld [tilespmem:s4+$0x4F00]  }
0x1b8: {  	v1 =	vadd.f32 v3, v1  }
0x1b9: {  	v3 =	vld [tilespmem:s4+$0x4F80]  }
0x1ba: {  	v1 =	vadd.f32 v4, v1  }
0x1bb: {  	v4 =	vld [tilespmem:s4+$0x5000]  }
0x1bc: {  	v1 =	vadd.f32 v2, v1  }
0x1bd: {  	v2 =	vld [tilespmem:s4+$0x5080]  }
0x1be: {  	v1 =	vadd.f32 v3, v1  }
0x1bf: {  	v3 =	vld [tilespmem:s4+$0x5100]  }
0x1c0: {  	v1 =	vadd.f32 v4, v1  }
0x1c1: {  	v4 =	vld [tilespmem:s4+$0x5180]  }
0x1c2: {  	v1 =	vadd.f32 v2, v1  }
0x1c3: {  	v2 =	vld [tilespmem:s4+$0x5200]  }
0x1c4: {  	v1 =	vadd.f32 v3, v1  }
0x1c5: {  	s31 =	simm.s32 $0x10;
	v5 =	vld [tilespmem:s4+$0x5280]  }
0x1c6: {  	v6 =	vld [tilespmem:s31+$0x4D00];
	v1 =	vadd.f32 v4, v1  }
0x1c7: {  	v3 =	vld [tilespmem:s4+$0x5300]  }
0x1c8: {  	v7 =	vld [tilespmem:s31+$0x4D80];
	v1 =	vadd.f32 v2, v1  }
0x1c9: {  	v4 =	vld [tilespmem:s4+$0x5380]  }
0x1ca: {  	v8 =	vld [tilespmem:s31+$0x4E00];
	v1 =	vadd.f32 v5, v1  }
0x1cb: {  	v2 =	vld [tilespmem:s4+$0x5400]  }
0x1cc: {  	v54 =	vld [tilespmem:s31+$0x4E80];
	v1 =	vadd.f32 v3, v1  }
0x1cd: {  	v6 =	vadd.f32 v6, v0;
	v5 =	vld [tilespmem:s4+$0x5480]  }
0x1ce: {  	v55 =	vld [tilespmem:s31+$0x5000];
	v1 =	vadd.f32 v4, v1  }
0x1cf: {  	v6 =	vadd.f32 v7, v6;
	v3 =	vld [tilespmem:s4+$0x5500]  }
0x1d0: {  	v7 =	vld [tilespmem:s31+$0x4F00];
	v1 =	vadd.f32 v2, v1  }
0x1d1: {  	v6 =	vadd.f32 v8, v6;
	v4 =	vld [tilespmem:s4+$0x5580]  }
0x1d2: {  	v8 =	vld [tilespmem:s31+$0x4F80];
	v1 =	vadd.f32 v5, v1  }
0x1d3: {  	v6 =	vadd.f32 v54, v6;
	v2 =	vld [tilespmem:s4+$0x5600]  }
0x1d4: {  	v56 =	vld [tilespmem:s4+$0x5800];
	v1 =	vadd.f32 v3, v1  }
0x1d5: {  	v6 =	vadd.f32 v7, v6;
	v5 =	vld [tilespmem:s4+$0x5680]  }
0x1d6: {  	v7 =	vld [tilespmem:s31+$0x5080];
	v1 =	vadd.f32 v4, v1  }
0x1d7: {  	v6 =	vadd.f32 v8, v6;
	v3 =	vld [tilespmem:s4+$0x5700]  }
0x1d8: {  	v4 =	vld [tilespmem:s31+$0x5100];
	v1 =	vadd.f32 v2, v1  }
0x1d9: {  	v8 =	vld [tilespmem:s4+$0x5780];
	v6 =	vadd.f32 v55, v6  }
0x1da: {  	s0 =	simm.s32 $0x20;
	v2 =	vld [tilespmem:s31+$0x5180];
	v1 =	vadd.f32 v5, v1  }
0x1db: {  	v57 =	vld [tilespmem:s0+$0x4D00];
	v6 =	vadd.f32 v7, v6  }
0x1dc: {  	v5 =	vld [tilespmem:s31+$0x5200];
	v1 =	vadd.f32 v3, v1  }
0x1dd: {  	v7 =	vld [tilespmem:s4+$0x5880];
	v4 =	vadd.f32 v4, v6  }
0x1de: {  	v3 =	vld [tilespmem:s31+$0x5280];
	v1 =	vadd.f32 v8, v1  }
0x1df: {  	v6 =	vld [tilespmem:s4+$0x5900];
	v2 =	vadd.f32 v2, v4  }
0x1e0: {  	v8 =	vld [tilespmem:s31+$0x5300];
	v1 =	vadd.f32 v56, v1  }
0x1e1: {  	v4 =	vld [tilespmem:s4+$0x5980];
	v2 =	vadd.f32 v5, v2  }
0x1e2: {  	v5 =	vld [tilespmem:s31+$0x5380];
	v1 =	vadd.f32 v7, v1  }
0x1e3: {  	v58 =	vld [tilespmem:s0+$0x4D80];
	v2 =	vadd.f32 v3, v2  }
0x1e4: {  	v3 =	vld [tilespmem:s31+$0x5400];
	v1 =	vadd.f32 v6, v1  }
0x1e5: {  	v7 =	vld [tilespmem:s0+$0x4E00];
	v2 =	vadd.f32 v8, v2  }
0x1e6: {  	v8 =	vadd.f32 v57, v0;
	v6 =	vld [tilespmem:s31+$0x5480];
	v1 =	vadd.f32 v4, v1  }
0x1e7: {  	v59 =	vld [tilespmem:s0+$0x4E80];
	v2 =	vadd.f32 v5, v2  }
0x1e8: {  	v5 =	vadd.f32 v58, v8;
	v4 =	vld [tilespmem:s31+$0x5500];
	v1 =	vsub.f32 $0.0e+00, v1  }
0x1e9: {  	v8 =	vld [tilespmem:s0+$0x4F00];
	v2 =	vadd.f32 v3, v2  }
0x1ea: {  	v3 =	vld [tilespmem:s31+$0x5580];
	v5 =	vadd.f32 v7, v5;
	v1 =	vmul.f32 $1.442695020e+00, v1  }
0x1eb: {  	v7 =	vld [tilespmem:s0+$0x4F80];
	v2 =	vadd.f32 v6, v2  }
0x1ec: {  	v6 =	vld [tilespmem:s31+$0x5600];
	v5 =	vadd.f32 v59, v5;
	(erf) = vpow2.f32 v1  }
0x1ed: {  	v60 =	vld [tilespmem:s0+$0x5000];
	v2 =	vadd.f32 v4, v2  }
0x1ee: {  	v4 =	vadd.f32 v8, v5;
	v1 =	vld [tilespmem:s31+$0x5680]  }
0x1ef: {  	v5 =	vld [tilespmem:s0+$0x5080];
	v2 =	vadd.f32 v3, v2  }
0x1f0: {  	v3 =	vld [tilespmem:s31+$0x5700];
	v4 =	vadd.f32 v7, v4  }
0x1f1: {  	v7 =	vld [tilespmem:s0+$0x5100];
	v2 =	vadd.f32 v6, v2  }
0x1f2: {  	v4 =	vadd.f32 v60, v4  }
0x1f3: {  	v6 =	vld [tilespmem:s31+$0x5780];
	v1 =	vadd.f32 v1, v2  }
0x1f4: {  	v8 =	vld [tilespmem:s0+$0x5180];
	v4 =	vadd.f32 v5, v4  }
0x1f5: {  	v2 =	vld [tilespmem:s31+$0x5800];
	v1 =	vadd.f32 v3, v1;
	v62 =	vpop (erf)  }
0x1f6: {  	v61 =	vld [tilespmem:s31+$0x5880];
	v4 =	vadd.f32 v7, v4;
	v7 =	vadd.f32 $1.000000000e+00, v62  }
0x1f7: {  	v5 =	vld [tilespmem:s0+$0x5200]  }
0x1f8: {  	v3 =	vld [tilespmem:s31+$0x5900];
	v6 =	vadd.f32 v6, v1;
	(erf) = vrcp.f32 v7  }
0x1f9: {  	v1 =	vld [tilespmem:s0+$0x5280]  }
0x1fa: {  	v8 =	vadd.f32 v8, v4;
	v4 =	vld [tilespmem:s31+$0x5980];
	v63 =	vadd.f32 v2, v6  }
0x1fb: {  	s19 =	simm.s32 $0x30;
	v2 =	vld [tilespmem:s0+$0x5300]  }
0x1fc: {  	s20 =	simm.s32 $0x100;
	v6 =	vld [tilespmem:s19+$0x4D00];
	v5 =	vadd.f32 v5, v8;
	v7 =	vadd.f32 v61, v63  }
.LBB2_4:
0x1fd: {  	p0 =	sne.s32 s20, $0x1C0;
	v8 =	vld [tilespmem:s0+$0x5380]  }
0x1fe: {  	v9 =	vld [tilespmem:s19+$0x4D80];
	v1 =	vadd.f32 v1, v5;
	v3 =	vadd.f32 v3, v7  }
0x1ff: {  	v5 =	vld [tilespmem:s0+$0x5400]  }
0x200: {  	v7 =	vld [tilespmem:s19+$0x4E00];
	v1 =	vadd.f32 v2, v1;
	v2 =	vadd.f32 v4, v3  }
0x201: {  	v3 =	vadd.f32 v6, v0;
	v4 =	vld [tilespmem:s0+$0x5480];
	v6 =	vpop (erf)  }
0x202: {  	v10 =	vld [tilespmem:s19+$0x4E80];
	v1 =	vadd.f32 v8, v1;
	v2 =	vsub.f32 $0.0e+00, v2;
	[tilespmem:s4+$0x7500] =	vst v6;
	s4 =	smov.u32 s31;
	s31 =	smov.u32 s0;
	s0 =	smov.u32 s19  }
0x203: {  	v3 =	vadd.f32 v9, v3;
	v6 =	vld [tilespmem:s31+$0x5500]  }
0x204: {  	v8 =	vld [tilespmem:s0+$0x4F00];
	v1 =	vadd.f32 v5, v1;
	v2 =	vmul.f32 $1.442695020e+00, v2  }
0x205: {  	v3 =	vadd.f32 v7, v3;
	v5 =	vld [tilespmem:s31+$0x5580]  }
0x206: {  	v7 =	vld [tilespmem:s0+$0x4F80];
	v1 =	vadd.f32 v4, v1;
	(erf) = vpow2.f32 v2  }
0x207: {  	v2 =	vadd.f32 v10, v3;
	v3 =	vld [tilespmem:s31+$0x5600]  }
0x208: {  	v4 =	vld [tilespmem:s0+$0x5000];
	v1 =	vadd.f32 v6, v1  }
0x209: {  	v2 =	vadd.f32 v8, v2;
	v6 =	vld [tilespmem:s31+$0x5680]  }
0x20a: {  	v8 =	vld [tilespmem:s0+$0x5080];
	v1 =	vadd.f32 v5, v1  }
0x20b: {  	v2 =	vadd.f32 v7, v2;
	v5 =	vld [tilespmem:s31+$0x5700]  }
0x20c: {  	v1 =	vadd.f32 v3, v1;
	v3 =	vld [tilespmem:s31+$0x5780]  }
0x20d: {  	v2 =	vadd.f32 v4, v2;
	v4 =	vld [tilespmem:s0+$0x5100]  }
0x20e: {  	v1 =	vadd.f32 v6, v1;
	v6 =	vld [tilespmem:s31+$0x5800]  }
0x20f: {  	v2 =	vadd.f32 v8, v2;
	v7 =	vld [tilespmem:s0+$0x5180];
	v8 =	vpop (erf)  }
0x210: {  	v1 =	vadd.f32 v5, v1;
	v9 =	vld [tilespmem:s31+$0x5880];
	v5 =	vadd.f32 $1.000000000e+00, v8  }
0x211: {  	v8 =	vld [tilespmem:s0+$0x5200]  }
.Ltmp1:
0x212: {  	v2 =	vadd.f32 v4, v2;
	v4 =	vadd.f32 v3, v1;
	v3 =	vld [tilespmem:s31+$0x5900];
	(erf) = vrcp.f32 v5;
	(pc) =	sbr.rel @p0 .LBB2_4-.Ltmp1, $4  }
0x213: {  	v1 =	vld [tilespmem:s0+$0x5280]  }
0x214: {  	v5 =	vadd.f32 v7, v2;
	v7 =	vadd.f32 v6, v4;
	v4 =	vld [tilespmem:s31+$0x5980]  }
0x215: {  	s19 =	sshra.s32 s20, $0x2;
	v2 =	vld [tilespmem:s0+$0x5300]  }
0x216: {  	s20 =	sadd.s32 $0x40, s20;
	v6 =	vld [tilespmem:s19+$0x4D00];
	v5 =	vadd.f32 v8, v5;
	v7 =	vadd.f32 v9, v7  }
0x217: {  	_ = 	snop  }
0x218: {  	v3 =	vadd.f32 v3, v7  }
0x219: {  	v7 =	vld [tilespmem:s19+$0x4D80]  }
0x21a: {  	v8 =	vld [tilespmem:s0+$0x5380];
	v3 =	vadd.f32 v4, v3  }
0x21b: {  	v4 =	vld [tilespmem:s19+$0x4E00]  }
0x21c: {  	v9 =	vld [tilespmem:s0+$0x5400];
	v6 =	vadd.f32 v6, v0;
	v3 =	vsub.f32 $0.0e+00, v3  }
0x21d: {  	v12 =	vld [tilespmem:s19+$0x4E80];
	v11 =	vpop (erf)  }
0x21e: {  	v10 =	vld [tilespmem:s0+$0x5480];
	[tilespmem:s4+$0x7500] =	vst v11;
	v6 =	vadd.f32 v7, v6;
	v3 =	vmul.f32 $1.442695020e+00, v3  }
0x21f: {  	v7 =	vld [tilespmem:s19+$0x4F00]  }
0x220: {  	v4 =	vadd.f32 v4, v6;
	(erf) = vpow2.f32 v3  }
0x221: {  	v3 =	vld [tilespmem:s19+$0x4F80]  }
0x222: {  	v4 =	vadd.f32 v12, v4  }
0x223: {  	v1 =	vadd.f32 v1, v5;
	v11 =	vld [tilespmem:s19+$0x5000]  }
0x224: {  	v46 =	vld [tilespmem:s0+$0x5580];
	v4 =	vadd.f32 v7, v4  }
0x225: {  	v1 =	vadd.f32 v2, v1;
	v5 =	vld [tilespmem:s19+$0x5080]  }
0x226: {  	v2 =	vld [tilespmem:s19+$0x5100];
	v3 =	vadd.f32 v3, v4  }
0x227: {  	v1 =	vadd.f32 v8, v1;
	v8 =	vld [tilespmem:s19+$0x5180]  }
0x228: {  	v48 =	vld [tilespmem:s19+$0x5200];
	v3 =	vadd.f32 v11, v3  }
0x229: {  	v49 =	vld [tilespmem:s19+$0x5280];
	v47 =	vpop (erf)  }
0x22a: {  	v6 =	vld [tilespmem:s0+$0x5500];
	v3 =	vadd.f32 v5, v3;
	v11 =	vadd.f32 $1.000000000e+00, v47  }
0x22b: {  	v50 =	vld [tilespmem:s0+$0x5800];
	v1 =	vadd.f32 v9, v1  }
0x22c: {  	v51 =	vld [tilespmem:s19+$0x5380];
	v2 =	vadd.f32 v2, v3;
	(erf) = vrcp.f32 v11  }
0x22d: {  	v52 =	vld [tilespmem:s0+$0x5900];
	v1 =	vadd.f32 v10, v1  }
0x22e: {  	v7 =	vld [tilespmem:s0+$0x5600];
	v2 =	vadd.f32 v8, v2  }
0x22f: {  	v1 =	vadd.f32 v6, v1;
	v6 =	vld [tilespmem:s19+$0x5300]  }
0x230: {  	v4 =	vld [tilespmem:s0+$0x5680];
	v2 =	vadd.f32 v48, v2  }
0x231: {  	v53 =	vld [tilespmem:s0+$0x5980];
	v1 =	vadd.f32 v46, v1  }
0x232: {  	v5 =	vld [tilespmem:s0+$0x5700];
	v2 =	vadd.f32 v49, v2  }
0x233: {  	v1 =	vadd.f32 v7, v1;
	v7 =	vld [tilespmem:s19+$0x5400]  }
0x234: {  	v3 =	vld [tilespmem:s0+$0x5780];
	v2 =	vadd.f32 v6, v2  }
0x235: {  	v1 =	vadd.f32 v4, v1;
	v4 =	vld [tilespmem:s19+$0x5480];
	v6 =	vpop (erf)  }
0x236: {  	v8 =	vld [tilespmem:s0+$0x5880];
	v2 =	vadd.f32 v51, v2;
	[tilespmem:s31+$0x7500] =	vst v6  }
0x237: {  	v1 =	vadd.f32 v5, v1;
	v5 =	vld [tilespmem:s19+$0x5500]  }
0x238: {  	v2 =	vadd.f32 v7, v2  }
0x239: {  	v1 =	vadd.f32 v3, v1;
	v3 =	vld [tilespmem:s19+$0x5580]  }
0x23a: {  	v2 =	vadd.f32 v4, v2  }
0x23b: {  	v1 =	vadd.f32 v50, v1;
	v4 =	vld [tilespmem:s19+$0x5600]  }
0x23c: {  	v2 =	vadd.f32 v5, v2  }
0x23d: {  	v1 =	vadd.f32 v8, v1;
	v5 =	vld [tilespmem:s19+$0x5680]  }
0x23e: {  	v2 =	vadd.f32 v3, v2  }
0x23f: {  	v1 =	vadd.f32 v52, v1;
	v3 =	vld [tilespmem:s19+$0x5700]  }
0x240: {  	v2 =	vadd.f32 v4, v2  }
0x241: {  	v1 =	vadd.f32 v53, v1;
	v4 =	vld [tilespmem:s19+$0x5780]  }
0x242: {  	v2 =	vadd.f32 v5, v2  }
0x243: {  	v1 =	vsub.f32 $0.0e+00, v1;
	v5 =	vld [tilespmem:s19+$0x5800]  }
0x244: {  	v2 =	vadd.f32 v3, v2  }
0x245: {  	v1 =	vmul.f32 $1.442695020e+00, v1;
	v3 =	vld [tilespmem:s19+$0x5880]  }
0x246: {  	v2 =	vadd.f32 v4, v2  }
0x247: {  	(erf) = vpow2.f32 v1;
	v1 =	vld [tilespmem:s19+$0x5900]  }
0x248: {  	v2 =	vadd.f32 v5, v2  }
0x249: {  	v4 =	vld [tilespmem:s19+$0x5980]  }
0x24a: {  	v2 =	vadd.f32 v3, v2;
	_ =	sdelay $0x1  }
0x24b: {  	v1 =	vadd.f32 v1, v2;
	_ =	sdelay $0x1  }
0x24c: {  	v1 =	vadd.f32 v4, v1;
	_ =	sdelay $0x1  }
0x24d: {  	v2 =	vpop (erf);
	v1 =	vsub.f32 $0.0e+00, v1  }
0x24e: {  	v2 =	vadd.f32 $1.000000000e+00, v2  }
0x24f: {  	v1 =	vmul.f32 $1.442695020e+00, v1  }
0x250: {  	(erf) = vrcp.f32 v2  }
0x251: {  	(erf) = vpow2.f32 v1;
	_ =	sdelay $0x7  }
0x252: {  	v1 =	vpop (erf)  }
0x253: {  	v2 =	vpop (erf)  }
0x254: {  	v2 =	vadd.f32 $1.000000000e+00, v2;
	_ =	sdelay $0x1  }
0x255: {  	(erf) = vrcp.f32 v2;
	_ =	sdelay $0x8  }
0x256: {  	[tilespmem:s0+$0x7500] =	vst v1;
	v1 =	vpop (erf)  }
0x257: {  	s20 =	simm.s32 $0x7500;
	[tilespmem:s19+$0x7500] =	vst v1;
	s19 =	simm.s32 $0x0  }
0x258: {  	[hbm4b:s10+s19] =	stream.linear.scatter [tilespmem:s20], [sflag:$0x5], $0x80, $0x38;
	[tilespmem:$0x7680] =	vst v63  }
0x259: {  	_ =	swait.ge [sflag:s15], $0x80  }
0x25a: {  	[sflag:s15] =	ssyncset.done $0x0  }
0x25b: {  	[sflag:s15] =	ssyncadd.s32 $0xFFFFFF80  }
0x25c: {  	_ =	swait.ge [sflag:s30], $0xD00  }
0x25d: {  	[sflag:s30] =	ssyncset.done $0x0  }
0x25e: {  	s4 =	simm.s32 $0x0;
	[sflag:s30] =	ssyncadd.s32 $0xFFFFF300  }
0x25f: {  	v1 =	vld [tilespmem:s4+$0x5A00];
	_ =	sdelay $0x1  }
0x260: {  	v2 =	vld [tilespmem:s4+$0x5A80];
	_ =	sdelay $0x1  }
0x261: {  	v3 =	vld [tilespmem:s4+$0x5B00]  }
0x262: {  	v1 =	vadd.f32 v1, v0  }
0x263: {  	v4 =	vld [tilespmem:s4+$0x5B80]  }
0x264: {  	v1 =	vadd.f32 v2, v1  }
0x265: {  	v2 =	vld [tilespmem:s4+$0x5C00]  }
0x266: {  	v1 =	vadd.f32 v3, v1  }
0x267: {  	v3 =	vld [tilespmem:s4+$0x5C80]  }
0x268: {  	v1 =	vadd.f32 v4, v1  }
0x269: {  	v4 =	vld [tilespmem:s4+$0x5D00]  }
0x26a: {  	v1 =	vadd.f32 v2, v1  }
0x26b: {  	v2 =	vld [tilespmem:s4+$0x5D80]  }
0x26c: {  	v1 =	vadd.f32 v3, v1  }
0x26d: {  	v3 =	vld [tilespmem:s4+$0x5E00]  }
0x26e: {  	v1 =	vadd.f32 v4, v1  }
0x26f: {  	v4 =	vld [tilespmem:s4+$0x5E80]  }
0x270: {  	v1 =	vadd.f32 v2, v1  }
0x271: {  	v2 =	vld [tilespmem:s4+$0x5F00]  }
0x272: {  	v1 =	vadd.f32 v3, v1  }
0x273: {  	s31 =	simm.s32 $0x10;
	v5 =	vld [tilespmem:s4+$0x5F80]  }
0x274: {  	v6 =	vld [tilespmem:s31+$0x5A00];
	v1 =	vadd.f32 v4, v1  }
0x275: {  	v3 =	vld [tilespmem:s4+$0x6000]  }
0x276: {  	v7 =	vld [tilespmem:s31+$0x5A80];
	v1 =	vadd.f32 v2, v1  }
0x277: {  	v4 =	vld [tilespmem:s4+$0x6080]  }
0x278: {  	v8 =	vld [tilespmem:s31+$0x5B00];
	v1 =	vadd.f32 v5, v1  }
0x279: {  	v2 =	vld [tilespmem:s4+$0x6100]  }
0x27a: {  	v54 =	vld [tilespmem:s31+$0x5B80];
	v1 =	vadd.f32 v3, v1  }
0x27b: {  	v6 =	vadd.f32 v6, v0;
	v5 =	vld [tilespmem:s4+$0x6180]  }
0x27c: {  	v55 =	vld [tilespmem:s31+$0x5D00];
	v1 =	vadd.f32 v4, v1  }
0x27d: {  	v6 =	vadd.f32 v7, v6;
	v3 =	vld [tilespmem:s4+$0x6200]  }
0x27e: {  	v7 =	vld [tilespmem:s31+$0x5C00];
	v1 =	vadd.f32 v2, v1  }
0x27f: {  	v6 =	vadd.f32 v8, v6;
	v4 =	vld [tilespmem:s4+$0x6280]  }
0x280: {  	v8 =	vld [tilespmem:s31+$0x5C80];
	v1 =	vadd.f32 v5, v1  }
0x281: {  	v6 =	vadd.f32 v54, v6;
	v2 =	vld [tilespmem:s4+$0x6300]  }
0x282: {  	v56 =	vld [tilespmem:s4+$0x6500];
	v1 =	vadd.f32 v3, v1  }
0x283: {  	v6 =	vadd.f32 v7, v6;
	v5 =	vld [tilespmem:s4+$0x6380]  }
0x284: {  	v7 =	vld [tilespmem:s31+$0x5D80];
	v1 =	vadd.f32 v4, v1  }
0x285: {  	v6 =	vadd.f32 v8, v6;
	v3 =	vld [tilespmem:s4+$0x6400]  }
0x286: {  	v4 =	vld [tilespmem:s31+$0x5E00];
	v1 =	vadd.f32 v2, v1  }
0x287: {  	v8 =	vld [tilespmem:s4+$0x6480];
	v6 =	vadd.f32 v55, v6  }
0x288: {  	s0 =	simm.s32 $0x20;
	v2 =	vld [tilespmem:s31+$0x5E80];
	v1 =	vadd.f32 v5, v1  }
0x289: {  	v57 =	vld [tilespmem:s0+$0x5A00];
	v6 =	vadd.f32 v7, v6  }
0x28a: {  	v5 =	vld [tilespmem:s31+$0x5F00];
	v1 =	vadd.f32 v3, v1  }
0x28b: {  	v7 =	vld [tilespmem:s4+$0x6580];
	v4 =	vadd.f32 v4, v6  }
0x28c: {  	v3 =	vld [tilespmem:s31+$0x5F80];
	v1 =	vadd.f32 v8, v1  }
0x28d: {  	v6 =	vld [tilespmem:s4+$0x6600];
	v2 =	vadd.f32 v2, v4  }
0x28e: {  	v8 =	vld [tilespmem:s31+$0x6000];
	v1 =	vadd.f32 v56, v1  }
0x28f: {  	v4 =	vld [tilespmem:s4+$0x6680];
	v2 =	vadd.f32 v5, v2  }
0x290: {  	v5 =	vld [tilespmem:s31+$0x6080];
	v1 =	vadd.f32 v7, v1  }
0x291: {  	v58 =	vld [tilespmem:s0+$0x5A80];
	v2 =	vadd.f32 v3, v2  }
0x292: {  	v3 =	vld [tilespmem:s31+$0x6100];
	v1 =	vadd.f32 v6, v1  }
0x293: {  	v7 =	vld [tilespmem:s0+$0x5B00];
	v2 =	vadd.f32 v8, v2  }
0x294: {  	v8 =	vadd.f32 v57, v0;
	v6 =	vld [tilespmem:s31+$0x6180];
	v1 =	vadd.f32 v4, v1  }
0x295: {  	v59 =	vld [tilespmem:s0+$0x5B80];
	v2 =	vadd.f32 v5, v2  }
0x296: {  	v5 =	vadd.f32 v58, v8;
	v4 =	vld [tilespmem:s31+$0x6200];
	v1 =	vsub.f32 $0.0e+00, v1  }
0x297: {  	v8 =	vld [tilespmem:s0+$0x5C00];
	v2 =	vadd.f32 v3, v2  }
0x298: {  	v3 =	vld [tilespmem:s31+$0x6280];
	v5 =	vadd.f32 v7, v5;
	v1 =	vmul.f32 $1.442695020e+00, v1  }
0x299: {  	v7 =	vld [tilespmem:s0+$0x5C80];
	v2 =	vadd.f32 v6, v2  }
0x29a: {  	v6 =	vld [tilespmem:s31+$0x6300];
	v5 =	vadd.f32 v59, v5;
	(erf) = vpow2.f32 v1  }
0x29b: {  	v60 =	vld [tilespmem:s0+$0x5D00];
	v2 =	vadd.f32 v4, v2  }
0x29c: {  	v4 =	vadd.f32 v8, v5;
	v1 =	vld [tilespmem:s31+$0x6380]  }
0x29d: {  	v5 =	vld [tilespmem:s0+$0x5D80];
	v2 =	vadd.f32 v3, v2  }
0x29e: {  	v3 =	vld [tilespmem:s31+$0x6400];
	v4 =	vadd.f32 v7, v4  }
0x29f: {  	v7 =	vld [tilespmem:s0+$0x5E00];
	v2 =	vadd.f32 v6, v2  }
0x2a0: {  	v4 =	vadd.f32 v60, v4  }
0x2a1: {  	v6 =	vld [tilespmem:s31+$0x6480];
	v1 =	vadd.f32 v1, v2  }
0x2a2: {  	v8 =	vld [tilespmem:s0+$0x5E80];
	v4 =	vadd.f32 v5, v4  }
0x2a3: {  	v2 =	vld [tilespmem:s31+$0x6500];
	v1 =	vadd.f32 v3, v1;
	v62 =	vpop (erf)  }
0x2a4: {  	v61 =	vld [tilespmem:s31+$0x6580];
	v4 =	vadd.f32 v7, v4;
	v7 =	vadd.f32 $1.000000000e+00, v62  }
0x2a5: {  	v5 =	vld [tilespmem:s0+$0x5F00]  }
0x2a6: {  	v3 =	vld [tilespmem:s31+$0x6600];
	v6 =	vadd.f32 v6, v1;
	(erf) = vrcp.f32 v7  }
0x2a7: {  	v1 =	vld [tilespmem:s0+$0x5F80]  }
0x2a8: {  	v8 =	vadd.f32 v8, v4;
	v4 =	vld [tilespmem:s31+$0x6680];
	v63 =	vadd.f32 v2, v6  }
0x2a9: {  	s19 =	simm.s32 $0x30;
	v2 =	vld [tilespmem:s0+$0x6000]  }
0x2aa: {  	s20 =	simm.s32 $0x100;
	v6 =	vld [tilespmem:s19+$0x5A00];
	v5 =	vadd.f32 v5, v8;
	v7 =	vadd.f32 v61, v63  }
.LBB2_6:
0x2ab: {  	p0 =	sne.s32 s20, $0x1C0;
	v8 =	vld [tilespmem:s0+$0x6080]  }
0x2ac: {  	v9 =	vld [tilespmem:s19+$0x5A80];
	v1 =	vadd.f32 v1, v5;
	v3 =	vadd.f32 v3, v7  }
0x2ad: {  	v5 =	vld [tilespmem:s0+$0x6100]  }
0x2ae: {  	v7 =	vld [tilespmem:s19+$0x5B00];
	v1 =	vadd.f32 v2, v1;
	v2 =	vadd.f32 v4, v3  }
0x2af: {  	v3 =	vadd.f32 v6, v0;
	v4 =	vld [tilespmem:s0+$0x6180];
	v6 =	vpop (erf)  }
0x2b0: {  	v10 =	vld [tilespmem:s19+$0x5B80];
	v1 =	vadd.f32 v8, v1;
	v2 =	vsub.f32 $0.0e+00, v2;
	[tilespmem:s4+$0x7580] =	vst v6;
	s4 =	smov.u32 s31;
	s31 =	smov.u32 s0;
	s0 =	smov.u32 s19  }
0x2b1: {  	v3 =	vadd.f32 v9, v3;
	v6 =	vld [tilespmem:s31+$0x6200]  }
0x2b2: {  	v8 =	vld [tilespmem:s0+$0x5C00];
	v1 =	vadd.f32 v5, v1;
	v2 =	vmul.f32 $1.442695020e+00, v2  }
0x2b3: {  	v3 =	vadd.f32 v7, v3;
	v5 =	vld [tilespmem:s31+$0x6280]  }
0x2b4: {  	v7 =	vld [tilespmem:s0+$0x5C80];
	v1 =	vadd.f32 v4, v1;
	(erf) = vpow2.f32 v2  }
0x2b5: {  	v2 =	vadd.f32 v10, v3;
	v3 =	vld [tilespmem:s31+$0x6300]  }
0x2b6: {  	v4 =	vld [tilespmem:s0+$0x5D00];
	v1 =	vadd.f32 v6, v1  }
0x2b7: {  	v2 =	vadd.f32 v8, v2;
	v6 =	vld [tilespmem:s31+$0x6380]  }
0x2b8: {  	v8 =	vld [tilespmem:s0+$0x5D80];
	v1 =	vadd.f32 v5, v1  }
0x2b9: {  	v2 =	vadd.f32 v7, v2;
	v5 =	vld [tilespmem:s31+$0x6400]  }
0x2ba: {  	v1 =	vadd.f32 v3, v1;
	v3 =	vld [tilespmem:s31+$0x6480]  }
0x2bb: {  	v2 =	vadd.f32 v4, v2;
	v4 =	vld [tilespmem:s0+$0x5E00]  }
0x2bc: {  	v1 =	vadd.f32 v6, v1;
	v6 =	vld [tilespmem:s31+$0x6500]  }
0x2bd: {  	v2 =	vadd.f32 v8, v2;
	v7 =	vld [tilespmem:s0+$0x5E80];
	v8 =	vpop (erf)  }
0x2be: {  	v1 =	vadd.f32 v5, v1;
	v9 =	vld [tilespmem:s31+$0x6580];
	v5 =	vadd.f32 $1.000000000e+00, v8  }
0x2bf: {  	v8 =	vld [tilespmem:s0+$0x5F00]  }
.Ltmp2:
0x2c0: {  	v2 =	vadd.f32 v4, v2;
	v4 =	vadd.f32 v3, v1;
	v3 =	vld [tilespmem:s31+$0x6600];
	(erf) = vrcp.f32 v5;
	(pc) =	sbr.rel @p0 .LBB2_6-.Ltmp2, $4  }
0x2c1: {  	v1 =	vld [tilespmem:s0+$0x5F80]  }
0x2c2: {  	v5 =	vadd.f32 v7, v2;
	v7 =	vadd.f32 v6, v4;
	v4 =	vld [tilespmem:s31+$0x6680]  }
0x2c3: {  	s19 =	sshra.s32 s20, $0x2;
	v2 =	vld [tilespmem:s0+$0x6000]  }
0x2c4: {  	s20 =	sadd.s32 $0x40, s20;
	v6 =	vld [tilespmem:s19+$0x5A00];
	v5 =	vadd.f32 v8, v5;
	v7 =	vadd.f32 v9, v7  }
0x2c5: {  	_ = 	snop  }
0x2c6: {  	v3 =	vadd.f32 v3, v7  }
0x2c7: {  	v7 =	vld [tilespmem:s19+$0x5A80]  }
0x2c8: {  	v8 =	vld [tilespmem:s0+$0x6080];
	v3 =	vadd.f32 v4, v3  }
0x2c9: {  	v4 =	vld [tilespmem:s19+$0x5B00]  }
0x2ca: {  	v9 =	vld [tilespmem:s0+$0x6100];
	v6 =	vadd.f32 v6, v0;
	v3 =	vsub.f32 $0.0e+00, v3  }
0x2cb: {  	v12 =	vld [tilespmem:s19+$0x5B80];
	v11 =	vpop (erf)  }
0x2cc: {  	v10 =	vld [tilespmem:s0+$0x6180];
	[tilespmem:s4+$0x7580] =	vst v11;
	v6 =	vadd.f32 v7, v6;
	v3 =	vmul.f32 $1.442695020e+00, v3  }
0x2cd: {  	v7 =	vld [tilespmem:s19+$0x5C00]  }
0x2ce: {  	v4 =	vadd.f32 v4, v6;
	(erf) = vpow2.f32 v3  }
0x2cf: {  	v3 =	vld [tilespmem:s19+$0x5C80]  }
0x2d0: {  	v4 =	vadd.f32 v12, v4  }
0x2d1: {  	v1 =	vadd.f32 v1, v5;
	v11 =	vld [tilespmem:s19+$0x5D00]  }
0x2d2: {  	v46 =	vld [tilespmem:s0+$0x6280];
	v4 =	vadd.f32 v7, v4  }
0x2d3: {  	v1 =	vadd.f32 v2, v1;
	v5 =	vld [tilespmem:s19+$0x5D80]  }
0x2d4: {  	v2 =	vld [tilespmem:s19+$0x5E00];
	v3 =	vadd.f32 v3, v4  }
0x2d5: {  	v1 =	vadd.f32 v8, v1;
	v8 =	vld [tilespmem:s19+$0x5E80]  }
0x2d6: {  	v48 =	vld [tilespmem:s19+$0x5F00];
	v3 =	vadd.f32 v11, v3  }
0x2d7: {  	v49 =	vld [tilespmem:s19+$0x5F80];
	v47 =	vpop (erf)  }
0x2d8: {  	v6 =	vld [tilespmem:s0+$0x6200];
	v3 =	vadd.f32 v5, v3;
	v11 =	vadd.f32 $1.000000000e+00, v47  }
0x2d9: {  	v50 =	vld [tilespmem:s0+$0x6500];
	v1 =	vadd.f32 v9, v1  }
0x2da: {  	v51 =	vld [tilespmem:s19+$0x6080];
	v2 =	vadd.f32 v2, v3;
	(erf) = vrcp.f32 v11  }
0x2db: {  	v52 =	vld [tilespmem:s0+$0x6600];
	v1 =	vadd.f32 v10, v1  }
0x2dc: {  	v7 =	vld [tilespmem:s0+$0x6300];
	v2 =	vadd.f32 v8, v2  }
0x2dd: {  	v1 =	vadd.f32 v6, v1;
	v6 =	vld [tilespmem:s19+$0x6000]  }
0x2de: {  	v4 =	vld [tilespmem:s0+$0x6380];
	v2 =	vadd.f32 v48, v2  }
0x2df: {  	v53 =	vld [tilespmem:s0+$0x6680];
	v1 =	vadd.f32 v46, v1  }
0x2e0: {  	v5 =	vld [tilespmem:s0+$0x6400];
	v2 =	vadd.f32 v49, v2  }
0x2e1: {  	v1 =	vadd.f32 v7, v1;
	v7 =	vld [tilespmem:s19+$0x6100]  }
0x2e2: {  	v3 =	vld [tilespmem:s0+$0x6480];
	v2 =	vadd.f32 v6, v2  }
0x2e3: {  	v1 =	vadd.f32 v4, v1;
	v4 =	vld [tilespmem:s19+$0x6180];
	v6 =	vpop (erf)  }
0x2e4: {  	v8 =	vld [tilespmem:s0+$0x6580];
	v2 =	vadd.f32 v51, v2;
	[tilespmem:s31+$0x7580] =	vst v6  }
0x2e5: {  	v1 =	vadd.f32 v5, v1;
	v5 =	vld [tilespmem:s19+$0x6200]  }
0x2e6: {  	v2 =	vadd.f32 v7, v2  }
0x2e7: {  	v1 =	vadd.f32 v3, v1;
	v3 =	vld [tilespmem:s19+$0x6280]  }
0x2e8: {  	v2 =	vadd.f32 v4, v2  }
0x2e9: {  	v1 =	vadd.f32 v50, v1;
	v4 =	vld [tilespmem:s19+$0x6300]  }
0x2ea: {  	v2 =	vadd.f32 v5, v2  }
0x2eb: {  	v1 =	vadd.f32 v8, v1;
	v5 =	vld [tilespmem:s19+$0x6380]  }
0x2ec: {  	v2 =	vadd.f32 v3, v2  }
0x2ed: {  	v1 =	vadd.f32 v52, v1;
	v3 =	vld [tilespmem:s19+$0x6400]  }
0x2ee: {  	v2 =	vadd.f32 v4, v2  }
0x2ef: {  	v1 =	vadd.f32 v53, v1;
	v4 =	vld [tilespmem:s19+$0x6480]  }
0x2f0: {  	v2 =	vadd.f32 v5, v2  }
0x2f1: {  	v1 =	vsub.f32 $0.0e+00, v1;
	v5 =	vld [tilespmem:s19+$0x6500]  }
0x2f2: {  	v2 =	vadd.f32 v3, v2  }
0x2f3: {  	v1 =	vmul.f32 $1.442695020e+00, v1;
	v3 =	vld [tilespmem:s19+$0x6580]  }
0x2f4: {  	v2 =	vadd.f32 v4, v2  }
0x2f5: {  	(erf) = vpow2.f32 v1;
	v1 =	vld [tilespmem:s19+$0x6600]  }
0x2f6: {  	v2 =	vadd.f32 v5, v2  }
0x2f7: {  	v4 =	vld [tilespmem:s19+$0x6680]  }
0x2f8: {  	v2 =	vadd.f32 v3, v2;
	_ =	sdelay $0x1  }
0x2f9: {  	v1 =	vadd.f32 v1, v2;
	_ =	sdelay $0x1  }
0x2fa: {  	v1 =	vadd.f32 v4, v1;
	_ =	sdelay $0x1  }
0x2fb: {  	v2 =	vpop (erf);
	v1 =	vsub.f32 $0.0e+00, v1  }
0x2fc: {  	v2 =	vadd.f32 $1.000000000e+00, v2  }
0x2fd: {  	v1 =	vmul.f32 $1.442695020e+00, v1  }
0x2fe: {  	(erf) = vrcp.f32 v2  }
0x2ff: {  	(erf) = vpow2.f32 v1;
	_ =	sdelay $0x7  }
0x300: {  	v1 =	vpop (erf)  }
0x301: {  	v2 =	vpop (erf)  }
0x302: {  	v2 =	vadd.f32 $1.000000000e+00, v2;
	_ =	sdelay $0x1  }
0x303: {  	(erf) = vrcp.f32 v2;
	_ =	sdelay $0x8  }
0x304: {  	[tilespmem:s0+$0x7580] =	vst v1;
	v1 =	vpop (erf)  }
0x305: {  	s20 =	simm.s32 $0x7580;
	[tilespmem:s19+$0x7580] =	vst v1;
	s19 =	simm.s32 $0x0  }
0x306: {  	[hbm4b:s11+s19] =	stream.linear.scatter [tilespmem:s20], [sflag:$0x5], $0x80, $0x38;
	[tilespmem:$0x7680] =	vst v63  }
0x307: {  	_ =	swait.ge [sflag:s15], $0x80  }
0x308: {  	[sflag:s15] =	ssyncset.done $0x0  }
0x309: {  	[sflag:s15] =	ssyncadd.s32 $0xFFFFFF80  }
0x30a: {  	_ =	swait.ge [sflag:s2], $0xD00  }
0x30b: {  	[sflag:s2] =	ssyncset.done $0x0  }
0x30c: {  	s4 =	simm.s32 $0x0;
	[sflag:s2] =	ssyncadd.s32 $0xFFFFF300  }
0x30d: {  	v1 =	vld [tilespmem:s4+$0x6700];
	_ =	sdelay $0x1  }
0x30e: {  	v2 =	vld [tilespmem:s4+$0x6780];
	_ =	sdelay $0x1  }
0x30f: {  	v3 =	vld [tilespmem:s4+$0x6800]  }
0x310: {  	v1 =	vadd.f32 v1, v0  }
0x311: {  	v4 =	vld [tilespmem:s4+$0x6880]  }
0x312: {  	v1 =	vadd.f32 v2, v1  }
0x313: {  	v2 =	vld [tilespmem:s4+$0x6900]  }
0x314: {  	v1 =	vadd.f32 v3, v1  }
0x315: {  	v3 =	vld [tilespmem:s4+$0x6980]  }
0x316: {  	v1 =	vadd.f32 v4, v1  }
0x317: {  	v4 =	vld [tilespmem:s4+$0x6A00]  }
0x318: {  	v1 =	vadd.f32 v2, v1  }
0x319: {  	v2 =	vld [tilespmem:s4+$0x6A80]  }
0x31a: {  	v1 =	vadd.f32 v3, v1  }
0x31b: {  	v3 =	vld [tilespmem:s4+$0x6B00]  }
0x31c: {  	v1 =	vadd.f32 v4, v1  }
0x31d: {  	v4 =	vld [tilespmem:s4+$0x6B80]  }
0x31e: {  	v1 =	vadd.f32 v2, v1  }
0x31f: {  	v2 =	vld [tilespmem:s4+$0x6C00]  }
0x320: {  	v1 =	vadd.f32 v3, v1  }
0x321: {  	s31 =	simm.s32 $0x10;
	v5 =	vld [tilespmem:s4+$0x6C80]  }
0x322: {  	v6 =	vld [tilespmem:s31+$0x6700];
	v1 =	vadd.f32 v4, v1  }
0x323: {  	v3 =	vld [tilespmem:s4+$0x6D00]  }
0x324: {  	v7 =	vld [tilespmem:s31+$0x6780];
	v1 =	vadd.f32 v2, v1  }
0x325: {  	v4 =	vld [tilespmem:s4+$0x6D80]  }
0x326: {  	v8 =	vld [tilespmem:s31+$0x6800];
	v1 =	vadd.f32 v5, v1  }
0x327: {  	v2 =	vld [tilespmem:s4+$0x6E00]  }
0x328: {  	v54 =	vld [tilespmem:s31+$0x6880];
	v1 =	vadd.f32 v3, v1  }
0x329: {  	v6 =	vadd.f32 v6, v0;
	v5 =	vld [tilespmem:s4+$0x6E80]  }
0x32a: {  	v55 =	vld [tilespmem:s31+$0x6A00];
	v1 =	vadd.f32 v4, v1  }
0x32b: {  	v6 =	vadd.f32 v7, v6;
	v3 =	vld [tilespmem:s4+$0x6F00]  }
0x32c: {  	v7 =	vld [tilespmem:s31+$0x6900];
	v1 =	vadd.f32 v2, v1  }
0x32d: {  	v6 =	vadd.f32 v8, v6;
	v4 =	vld [tilespmem:s4+$0x6F80]  }
0x32e: {  	v8 =	vld [tilespmem:s31+$0x6980];
	v1 =	vadd.f32 v5, v1  }
0x32f: {  	v6 =	vadd.f32 v54, v6;
	v2 =	vld [tilespmem:s4+$0x7000]  }
0x330: {  	v56 =	vld [tilespmem:s4+$0x7200];
	v1 =	vadd.f32 v3, v1  }
0x331: {  	v6 =	vadd.f32 v7, v6;
	v5 =	vld [tilespmem:s4+$0x7080]  }
0x332: {  	v7 =	vld [tilespmem:s31+$0x6A80];
	v1 =	vadd.f32 v4, v1  }
0x333: {  	v6 =	vadd.f32 v8, v6;
	v3 =	vld [tilespmem:s4+$0x7100]  }
0x334: {  	v4 =	vld [tilespmem:s31+$0x6B00];
	v1 =	vadd.f32 v2, v1  }
0x335: {  	v8 =	vld [tilespmem:s4+$0x7180];
	v6 =	vadd.f32 v55, v6  }
0x336: {  	s0 =	simm.s32 $0x20;
	v2 =	vld [tilespmem:s31+$0x6B80];
	v1 =	vadd.f32 v5, v1  }
0x337: {  	v57 =	vld [tilespmem:s0+$0x6700];
	v6 =	vadd.f32 v7, v6  }
0x338: {  	v5 =	vld [tilespmem:s31+$0x6C00];
	v1 =	vadd.f32 v3, v1  }
0x339: {  	v7 =	vld [tilespmem:s4+$0x7280];
	v4 =	vadd.f32 v4, v6  }
0x33a: {  	v3 =	vld [tilespmem:s31+$0x6C80];
	v1 =	vadd.f32 v8, v1  }
0x33b: {  	v6 =	vld [tilespmem:s4+$0x7300];
	v2 =	vadd.f32 v2, v4  }
0x33c: {  	v8 =	vld [tilespmem:s31+$0x6D00];
	v1 =	vadd.f32 v56, v1  }
0x33d: {  	v4 =	vld [tilespmem:s4+$0x7380];
	v2 =	vadd.f32 v5, v2  }
0x33e: {  	v5 =	vld [tilespmem:s31+$0x6D80];
	v1 =	vadd.f32 v7, v1  }
0x33f: {  	v58 =	vld [tilespmem:s0+$0x6780];
	v2 =	vadd.f32 v3, v2  }
0x340: {  	v3 =	vld [tilespmem:s31+$0x6E00];
	v1 =	vadd.f32 v6, v1  }
0x341: {  	v7 =	vld [tilespmem:s0+$0x6800];
	v2 =	vadd.f32 v8, v2  }
0x342: {  	v8 =	vadd.f32 v57, v0;
	v6 =	vld [tilespmem:s31+$0x6E80];
	v1 =	vadd.f32 v4, v1  }
0x343: {  	v59 =	vld [tilespmem:s0+$0x6880];
	v2 =	vadd.f32 v5, v2  }
0x344: {  	v5 =	vadd.f32 v58, v8;
	v4 =	vld [tilespmem:s31+$0x6F00];
	v1 =	vsub.f32 $0.0e+00, v1  }
0x345: {  	v8 =	vld [tilespmem:s0+$0x6900];
	v2 =	vadd.f32 v3, v2  }
0x346: {  	v3 =	vld [tilespmem:s31+$0x6F80];
	v5 =	vadd.f32 v7, v5;
	v1 =	vmul.f32 $1.442695020e+00, v1  }
0x347: {  	v7 =	vld [tilespmem:s0+$0x6980];
	v2 =	vadd.f32 v6, v2  }
0x348: {  	v6 =	vld [tilespmem:s31+$0x7000];
	v5 =	vadd.f32 v59, v5;
	(erf) = vpow2.f32 v1  }
0x349: {  	v60 =	vld [tilespmem:s0+$0x6A00];
	v2 =	vadd.f32 v4, v2  }
0x34a: {  	v4 =	vadd.f32 v8, v5;
	v1 =	vld [tilespmem:s31+$0x7080]  }
0x34b: {  	v5 =	vld [tilespmem:s0+$0x6A80];
	v2 =	vadd.f32 v3, v2  }
0x34c: {  	v3 =	vld [tilespmem:s31+$0x7100];
	v4 =	vadd.f32 v7, v4  }
0x34d: {  	v7 =	vld [tilespmem:s0+$0x6B00];
	v2 =	vadd.f32 v6, v2  }
0x34e: {  	v4 =	vadd.f32 v60, v4  }
0x34f: {  	v6 =	vld [tilespmem:s31+$0x7180];
	v1 =	vadd.f32 v1, v2  }
0x350: {  	v8 =	vld [tilespmem:s0+$0x6B80];
	v4 =	vadd.f32 v5, v4  }
0x351: {  	v2 =	vld [tilespmem:s31+$0x7200];
	v1 =	vadd.f32 v3, v1;
	v62 =	vpop (erf)  }
0x352: {  	v61 =	vld [tilespmem:s31+$0x7280];
	v4 =	vadd.f32 v7, v4;
	v7 =	vadd.f32 $1.000000000e+00, v62  }
0x353: {  	v5 =	vld [tilespmem:s0+$0x6C00]  }
0x354: {  	v3 =	vld [tilespmem:s31+$0x7300];
	v6 =	vadd.f32 v6, v1;
	(erf) = vrcp.f32 v7  }
0x355: {  	v1 =	vld [tilespmem:s0+$0x6C80]  }
0x356: {  	v8 =	vadd.f32 v8, v4;
	v4 =	vld [tilespmem:s31+$0x7380];
	v63 =	vadd.f32 v2, v6  }
0x357: {  	s19 =	simm.s32 $0x30;
	v2 =	vld [tilespmem:s0+$0x6D00]  }
0x358: {  	s20 =	simm.s32 $0x100;
	v6 =	vld [tilespmem:s19+$0x6700];
	v5 =	vadd.f32 v5, v8;
	v7 =	vadd.f32 v61, v63  }
.LBB2_8:
0x359: {  	p0 =	sne.s32 s20, $0x1C0;
	v8 =	vld [tilespmem:s0+$0x6D80]  }
0x35a: {  	v9 =	vld [tilespmem:s19+$0x6780];
	v1 =	vadd.f32 v1, v5;
	v3 =	vadd.f32 v3, v7  }
0x35b: {  	v5 =	vld [tilespmem:s0+$0x6E00]  }
0x35c: {  	v7 =	vld [tilespmem:s19+$0x6800];
	v1 =	vadd.f32 v2, v1;
	v2 =	vadd.f32 v4, v3  }
0x35d: {  	v3 =	vadd.f32 v6, v0;
	v4 =	vld [tilespmem:s0+$0x6E80];
	v6 =	vpop (erf)  }
0x35e: {  	v10 =	vld [tilespmem:s19+$0x6880];
	v1 =	vadd.f32 v8, v1;
	v2 =	vsub.f32 $0.0e+00, v2;
	[tilespmem:s4+$0x7600] =	vst v6;
	s4 =	smov.u32 s31;
	s31 =	smov.u32 s0;
	s0 =	smov.u32 s19  }
0x35f: {  	v3 =	vadd.f32 v9, v3;
	v6 =	vld [tilespmem:s31+$0x6F00]  }
0x360: {  	v8 =	vld [tilespmem:s0+$0x6900];
	v1 =	vadd.f32 v5, v1;
	v2 =	vmul.f32 $1.442695020e+00, v2  }
0x361: {  	v3 =	vadd.f32 v7, v3;
	v5 =	vld [tilespmem:s31+$0x6F80]  }
0x362: {  	v7 =	vld [tilespmem:s0+$0x6980];
	v1 =	vadd.f32 v4, v1;
	(erf) = vpow2.f32 v2  }
0x363: {  	v2 =	vadd.f32 v10, v3;
	v3 =	vld [tilespmem:s31+$0x7000]  }
0x364: {  	v4 =	vld [tilespmem:s0+$0x6A00];
	v1 =	vadd.f32 v6, v1  }
0x365: {  	v2 =	vadd.f32 v8, v2;
	v6 =	vld [tilespmem:s31+$0x7080]  }
0x366: {  	v8 =	vld [tilespmem:s0+$0x6A80];
	v1 =	vadd.f32 v5, v1  }
0x367: {  	v2 =	vadd.f32 v7, v2;
	v5 =	vld [tilespmem:s31+$0x7100]  }
0x368: {  	v1 =	vadd.f32 v3, v1;
	v3 =	vld [tilespmem:s31+$0x7180]  }
0x369: {  	v2 =	vadd.f32 v4, v2;
	v4 =	vld [tilespmem:s0+$0x6B00]  }
0x36a: {  	v1 =	vadd.f32 v6, v1;
	v6 =	vld [tilespmem:s31+$0x7200]  }
0x36b: {  	v2 =	vadd.f32 v8, v2;
	v7 =	vld [tilespmem:s0+$0x6B80];
	v8 =	vpop (erf)  }
0x36c: {  	v1 =	vadd.f32 v5, v1;
	v9 =	vld [tilespmem:s31+$0x7280];
	v5 =	vadd.f32 $1.000000000e+00, v8  }
0x36d: {  	v8 =	vld [tilespmem:s0+$0x6C00]  }
.Ltmp3:
0x36e: {  	v2 =	vadd.f32 v4, v2;
	v4 =	vadd.f32 v3, v1;
	v3 =	vld [tilespmem:s31+$0x7300];
	(erf) = vrcp.f32 v5;
	(pc) =	sbr.rel @p0 .LBB2_8-.Ltmp3, $4  }
0x36f: {  	v1 =	vld [tilespmem:s0+$0x6C80]  }
0x370: {  	v5 =	vadd.f32 v7, v2;
	v7 =	vadd.f32 v6, v4;
	v4 =	vld [tilespmem:s31+$0x7380]  }
0x371: {  	s19 =	sshra.s32 s20, $0x2;
	v2 =	vld [tilespmem:s0+$0x6D00]  }
0x372: {  	s20 =	sadd.s32 $0x40, s20;
	v6 =	vld [tilespmem:s19+$0x6700];
	v5 =	vadd.f32 v8, v5;
	v7 =	vadd.f32 v9, v7  }
0x373: {  	_ = 	snop  }
0x374: {  	v3 =	vadd.f32 v3, v7  }
0x375: {  	v25 =	vld [tilespmem:s19+$0x6780]  }
0x376: {  	v8 =	vld [tilespmem:s0+$0x6D80];
	v3 =	vadd.f32 v4, v3  }
0x377: {  	v26 =	vld [tilespmem:s19+$0x6800]  }
0x378: {  	v9 =	vld [tilespmem:s0+$0x6E00];
	v0 =	vadd.f32 v6, v0;
	v3 =	vsub.f32 $0.0e+00, v3  }
0x379: {  	v11 =	vld [tilespmem:s19+$0x6880];
	v10 =	vpop (erf)  }
0x37a: {  	v27 =	vld [tilespmem:s0+$0x6E80];
	[tilespmem:s4+$0x7600] =	vst v10;
	v0 =	vadd.f32 v25, v0;
	v3 =	vmul.f32 $1.442695020e+00, v3  }
0x37b: {  	v28 =	vld [tilespmem:s19+$0x6900]  }
0x37c: {  	v0 =	vadd.f32 v26, v0;
	(erf) = vpow2.f32 v3  }
0x37d: {  	v29 =	vld [tilespmem:s19+$0x6980]  }
0x37e: {  	v0 =	vadd.f32 v11, v0  }
0x37f: {  	v10 =	vld [tilespmem:s19+$0x6A00]  }
0x380: {  	v30 =	vld [tilespmem:s0+$0x6F00];
	v0 =	vadd.f32 v28, v0  }
0x381: {  	v1 =	vadd.f32 v1, v5;
	v32 =	vld [tilespmem:s19+$0x6A80]  }
0x382: {  	v31 =	vld [tilespmem:s0+$0x6F80];
	v0 =	vadd.f32 v29, v0  }
0x383: {  	v1 =	vadd.f32 v2, v1;
	v34 =	vld [tilespmem:s19+$0x6B00]  }
0x384: {  	v33 =	vld [tilespmem:s0+$0x7000];
	v0 =	vadd.f32 v10, v0  }
0x385: {  	v1 =	vadd.f32 v8, v1;
	v36 =	vld [tilespmem:s19+$0x6B80];
	v37 =	vpop (erf)  }
0x386: {  	v35 =	vld [tilespmem:s0+$0x7080];
	v0 =	vadd.f32 v32, v0;
	v10 =	vadd.f32 $1.000000000e+00, v37  }
0x387: {  	v39 =	vld [tilespmem:s19+$0x6C00];
	v1 =	vadd.f32 v9, v1  }
0x388: {  	v38 =	vld [tilespmem:s0+$0x7100];
	v0 =	vadd.f32 v34, v0;
	(erf) = vrcp.f32 v10  }
0x389: {  	v41 =	vld [tilespmem:s19+$0x6C80];
	v1 =	vadd.f32 v27, v1  }
0x38a: {  	v40 =	vld [tilespmem:s0+$0x7180];
	v0 =	vadd.f32 v36, v0  }
0x38b: {  	v43 =	vld [tilespmem:s19+$0x6D00];
	v1 =	vadd.f32 v30, v1  }
0x38c: {  	v42 =	vld [tilespmem:s0+$0x7200];
	v0 =	vadd.f32 v39, v0  }
0x38d: {  	v45 =	vld [tilespmem:s19+$0x6D80];
	v1 =	vadd.f32 v31, v1  }
0x38e: {  	v44 =	vld [tilespmem:s0+$0x7280];
	v0 =	vadd.f32 v41, v0  }
0x38f: {  	v47 =	vld [tilespmem:s19+$0x6E00];
	v1 =	vadd.f32 v33, v1  }
0x390: {  	v46 =	vld [tilespmem:s0+$0x7300];
	v0 =	vadd.f32 v43, v0  }
0x391: {  	v49 =	vld [tilespmem:s19+$0x6E80];
	v1 =	vadd.f32 v35, v1;
	v50 =	vpop (erf)  }
0x392: {  	v48 =	vld [tilespmem:s0+$0x7380];
	v0 =	vadd.f32 v45, v0;
	[tilespmem:s31+$0x7600] =	vst v50  }
0x393: {  	v1 =	vadd.f32 v38, v1;
	v4 =	vld [tilespmem:s19+$0x6F00]  }
0x394: {  	v0 =	vadd.f32 v47, v0  }
0x395: {  	v1 =	vadd.f32 v40, v1;
	v51 =	vld [tilespmem:s19+$0x6F80]  }
0x396: {  	v0 =	vadd.f32 v49, v0  }
0x397: {  	v1 =	vadd.f32 v42, v1;
	v52 =	vld [tilespmem:s19+$0x7000]  }
0x398: {  	v0 =	vadd.f32 v4, v0  }
0x399: {  	v1 =	vadd.f32 v44, v1;
	v53 =	vld [tilespmem:s19+$0x7080]  }
0x39a: {  	v0 =	vadd.f32 v51, v0  }
0x39b: {  	v1 =	vadd.f32 v46, v1;
	v54 =	vld [tilespmem:s19+$0x7100]  }
0x39c: {  	v0 =	vadd.f32 v52, v0  }
0x39d: {  	v1 =	vadd.f32 v48, v1;
	v55 =	vld [tilespmem:s19+$0x7180]  }
0x39e: {  	v0 =	vadd.f32 v53, v0  }
0x39f: {  	v1 =	vsub.f32 $0.0e+00, v1;
	v56 =	vld [tilespmem:s19+$0x7200]  }
0x3a0: {  	v0 =	vadd.f32 v54, v0  }
0x3a1: {  	v57 =	vld [tilespmem:s19+$0x7280];
	v1 =	vmul.f32 $1.442695020e+00, v1  }
0x3a2: {  	v0 =	vadd.f32 v55, v0  }
0x3a3: {  	v58 =	vld [tilespmem:s19+$0x7300];
	(erf) = vpow2.f32 v1  }
0x3a4: {  	v0 =	vadd.f32 v56, v0  }
0x3a5: {  	v59 =	vld [tilespmem:s19+$0x7380]  }
0x3a6: {  	v0 =	vadd.f32 v57, v0;
	_ =	sdelay $0x1  }
0x3a7: {  	v0 =	vadd.f32 v58, v0;
	_ =	sdelay $0x1  }
0x3a8: {  	v0 =	vadd.f32 v59, v0;
	_ =	sdelay $0x1  }
0x3a9: {  	v60 =	vpop (erf);
	v0 =	vsub.f32 $0.0e+00, v0  }
0x3aa: {  	v1 =	vadd.f32 $1.000000000e+00, v60  }
0x3ab: {  	v0 =	vmul.f32 $1.442695020e+00, v0  }
0x3ac: {  	(erf) = vrcp.f32 v1  }
0x3ad: {  	(erf) = vpow2.f32 v0;
	_ =	sdelay $0x7  }
0x3ae: {  	v61 =	vpop (erf)  }
0x3af: {  	v62 =	vpop (erf)  }
0x3b0: {  	v1 =	vadd.f32 $1.000000000e+00, v62;
	_ =	sdelay $0x1  }
0x3b1: {  	(erf) = vrcp.f32 v1;
	_ =	sdelay $0x7  }
0x3b2: {  	s14 =	sadd.s32 $0x1, s14  }
0x3b3: {  	p0 =	sne.s32 s14, s13;
	[tilespmem:s0+$0x7600] =	vst v61;
	v63 =	vpop (erf)  }
.Ltmp4:
0x3b4: {  	s31 =	simm.s32 $0x7600;
	[tilespmem:s19+$0x7600] =	vst v63;
	(pc) =	sbr.rel @p0 .LBB2_1-.Ltmp4, $4  }
0x3b5: {  	[hbm4b:s12+s3] =	stream.linear.scatter [tilespmem:s31], [sflag:$0x5], $0x80, $0x38;
	[tilespmem:$0x7680] =	vst v63  }
0x3b6: {  	_ =	swait.ge [sflag:s15], $0x80  }
0x3b7: {  	[sflag:s15] =	ssyncset.done $0x0  }
0x3b8: {  	[sflag:s15] =	ssyncadd.s32 $0xFFFFFF80  }
0x3b9: {  	_ =	sfence.sel $0x180000  }
0x3ba: {  	[bflag:$0x0] =	sbarrier.arrive $0xFFFF  }
0x3bb: {  	_ =	strace $0x90000047  }
0x3bc: {  	s0 =	stileid.u32;
	[bflag:$0x2] =	sbarrier.arrive $0xFFFF  }
0x3bd: {  	p0 =	sne.s32 s0, $0x0;
	s0 =	rddreg [dreg:$0x3]  }
0x3be: {  	s0 =	sadd.s32 @!p0 $0x100000, s0  }
0x3bf: {  	[sflag:s0] =	ssyncadd.tile.s32 @!p0 $0x1;
	_ =	shalt  }
.Lfunc_end2:
_tile_overlayer_lowered:
.L_overlay_start_2:
0x3c0: {  	(tag) =	ssettag $0x2  }
0x3c1: {  	s0 =	rddreg [dreg:$0x0];
	s2 =	stileid.u32  }
0x3c2: {  	s1 =	rddreg [dreg:$0x1];
	p0 =	sne.s32 s2, $0x0  }
0x3c3: {  	s3 =	rddreg [dreg:$0x2];
	[bflag:$0x3] =	sbarrier.arrive $0xFFFF;
	s2 =	simm.s32 @!p0 $0x1C05  }
0x3c4: {  	[timem:s3], [sflag:s2] =	dma.local @!p0 [hbm:s0], s1  }
0x3c5: {  	s0 =	simm.s32 @!p0 $0x5  }
0x3c6: {  	_ =	swait.ge @!p0 [sflag:s0], s1  }
0x3c7: {  	s1 =	ssub.s32 @!p0 $0x0, s1;
	[sflag:s0] =	ssyncset.done @!p0 $0x0  }
0x3c8: {  	[sflag:s0] =	ssyncadd.s32 @!p0 s1  }
0x3c9: {  	[bflag:$0x3] =	sbarrier.arrive $0xFFFF  }
0x3ca: {  	_ =	shalt  }

</sc_bundles>
